<compile_context>
chip_gen: v7x
topology: tpu7x:2x2x1
jax: 0.10.2.dev20260603
libtpu: 0.0.44.dev20260713+nightly
codegen_flags: <defaults>
</compile_context>

<pallas_src>
import functools

import jax
import jax.numpy as jnp
from jax import lax
from jax.experimental import pallas as pl
from jax.experimental.pallas import tpu as pltpu
from jax.experimental.pallas import tpu_sc as plsc

_TOP_P = 0.9
_TOP_K = 64

_R = 128
_V = 100000
_NW = 32
_ROWS_PER_W = _R // _NW
_CHUNKS = _V // 16

_NBINS = 256
_HIST_SLOTS = 16 * _NBINS

_WCHUNKS = 10
_NWIN = _CHUNKS // _WCHUNKS

_HI_REGION = 256
_CAP_IN = 192
_BUF = _HI_REGION + _CAP_IN + 16
_NVREG = _BUF // 16

_BIG = 1 << 30


def _sc_body(logits_hbm, gumbel_hbm, kinf_hbm, tok_hbm, probs_hbm,
             row_v, hist, hist2, wmax, buf_v, buf_i, out_v, out_i, g_v,
             kinf_v, probs_st, tok_st, dma_sem):
    wid = lax.axis_index("s") * 2 + lax.axis_index("c")
    iota = lax.iota(jnp.int32, 16)
    lane0 = iota == 0
    zeros_i = jnp.zeros((16,), jnp.int32)
    ones_i = jnp.ones((16,), jnp.int32)
    neginf = jnp.full((16,), -jnp.inf, jnp.float32)
    lane_base = iota * jnp.int32(_NBINS)

    pltpu.sync_copy(kinf_hbm, kinf_v)
    first_row = wid * _ROWS_PER_W
    pltpu.async_copy(logits_hbm.at[first_row], row_v, dma_sem)

    def row_body(r, _):
        row = wid * _ROWS_PER_W + r
        pltpu.sync_copy(gumbel_hbm.at[row], g_v)

        def zh(z, _c):
            for u in range(8):
                hist[pl.ds((z * 8 + u) * 16, 16)] = zeros_i
                hist2[pl.ds((z * 8 + u) * 16, 16)] = zeros_i
            return 0
        lax.fori_loop(0, _HIST_SLOTS // 128, zh, 0)
        for z in range(_NVREG):
            buf_v[pl.ds(z * 16, 16)] = neginf

        pltpu.make_async_copy(logits_hbm.at[row], row_v, dma_sem).wait()

        def mm_body(c, carry):
            accs = list(carry)
            for u in range(4):
                v = row_v[pl.ds((c * 4 + u) * 128, 16)]
                accs[u] = (jnp.maximum(accs[u][0], -v),
                           jnp.maximum(accs[u][1], v))
            return tuple(accs)
        mm = lax.fori_loop(0, _CHUNKS // 32, mm_body,
                           tuple((neginf, neginf) for _ in range(4)))
        nlo_v = jnp.maximum(jnp.maximum(mm[0][0], mm[1][0]),
                            jnp.maximum(mm[2][0], mm[3][0]))
        hi_v = jnp.maximum(jnp.maximum(mm[0][1], mm[1][1]),
                           jnp.maximum(mm[2][1], mm[3][1]))
        lo = -jnp.max(nlo_v)
        scale = (jnp.full((16,), _NBINS - 2, jnp.float32)
                 / jnp.broadcast_to(jnp.max(hi_v) - lo, (16,)))

        def to_bin(v):
            ti = ((v - lo) * scale).astype(jnp.int32)
            return jnp.clip(ti, 0, _NBINS - 1)

        nls = lane_base.astype(jnp.float32) - lo * scale
        lane_hi = lane_base + jnp.int32(_NBINS - 1)

        def to_slot(v):
            ti = (v * scale + nls).astype(jnp.int32)
            return jnp.minimum(jnp.maximum(ti, lane_base), lane_hi)

        def hist_body(w):
            slots, wma, wmb = [], neginf, neginf
            for u in range(_WCHUNKS):
                v = row_v[pl.ds((w * _WCHUNKS + u) * 16, 16)]
                if u % 2 == 0:
                    slots.append(to_slot(v))
                    wma = jnp.maximum(wma, v)
                else:
                    wmb = jnp.maximum(wmb, v)
            for u, sl in enumerate(slots):
                h = hist if u % 2 == 0 else hist2
                plsc.addupdate_scatter(h, [sl], ones_i)
            wmax[pl.ds(w * 16, 16)] = jnp.maximum(wma, wmb)
        plsc.parallel_loop(0, _NWIN, unroll=2)(hist_body)

        def scan_body(i, carry):
            found, bin_b, c_gt, n_b, cum = carry
            cc = (_NBINS // 16 - 1) - i

            chunk = zeros_i
            for sh in range(16):
                chunk = (chunk + hist[pl.ds(sh * _NBINS + cc * 16, 16)]
                         + hist2[pl.ds(sh * _NBINS + cc * 16, 16)])
            rchunk = lax.rev(chunk, (0,))
            sfx = plsc.cumsum(rchunk) + cum
            ge = sfx >= _TOP_K
            cnt_ge = jnp.sum(ge.astype(jnp.int32))
            pos = jnp.int32(16) - cnt_ge
            s_pos = jnp.min(jnp.where(ge, sfx, jnp.int32(_BIG)))
            prev = jnp.maximum(jnp.max(jnp.where(ge, jnp.int32(-_BIG), sfx)),
                               cum)
            hit = jnp.logical_and(jnp.logical_not(found), cnt_ge > 0)
            return (jnp.logical_or(found, cnt_ge > 0),
                    jnp.where(hit, cc * 16 + 15 - pos, bin_b),
                    jnp.where(hit, prev, c_gt),
                    jnp.where(hit, s_pos - prev, n_b),
                    cum + jnp.sum(rchunk))
        _, bin_b, c_gt, n_b, _ = lax.fori_loop(
            0, _NBINS // 16, scan_body,
            (jnp.bool_(False), jnp.int32(0), jnp.int32(0), jnp.int32(0),
             jnp.int32(0)))

        lf_v = (lo + (jnp.broadcast_to(bin_b, (16,)).astype(jnp.float32)
                      - 2.0) / scale)
        thr_v = lane_base + jnp.broadcast_to(bin_b, (16,))

        def col_window(w, carry):
            hit = jnp.any(wmax[pl.ds(w * 16, 16)] >= lf_v)

            def do(carry):
                cnt_hi, cnt_in = carry
                for u in range(_WCHUNKS):
                    c = w * _WCHUNKS + u
                    v = row_v[pl.ds(c * 16, 16)]
                    slotv = to_slot(v)
                    mhi = jnp.logical_and(slotv > thr_v,
                                          cnt_hi < _HI_REGION - 16)
                    min_ = jnp.logical_and(slotv == thr_v, cnt_in < _CAP_IN)
                    nhi = jnp.sum(mhi.astype(jnp.int32))
                    nin = jnp.sum(min_.astype(jnp.int32))

                    @pl.when(nhi + nin > 0)
                    def _store(cnt_hi=cnt_hi, cnt_in=cnt_in, v=v,
                               mhi=mhi, min_=min_, c=c):
                        idxv = c * 16 + iota
                        plsc.store_compressed(buf_v.at[pl.ds(cnt_hi, 16)],
                                              v, mask=mhi)
                        plsc.store_compressed(buf_i.at[pl.ds(cnt_hi, 16)],
                                              idxv, mask=mhi)
                        plsc.store_compressed(
                            buf_v.at[pl.ds(_HI_REGION + cnt_in, 16)],
                            v, mask=min_)
                        plsc.store_compressed(
                            buf_i.at[pl.ds(_HI_REGION + cnt_in, 16)],
                            idxv, mask=min_)
                    cnt_hi = cnt_hi + nhi
                    cnt_in = cnt_in + nin
                return (cnt_hi, cnt_in)

            return lax.cond(hit, do, lambda c_: c_, carry)
        _, cnt_in_f = lax.fori_loop(0, _NWIN, col_window,
                                    (jnp.int32(0), jnp.int32(0)))
        nv_sel = (_HI_REGION + 15 + jnp.minimum(cnt_in_f, _CAP_IN + 16)) // 16

        @pl.when(r < _ROWS_PER_W - 1)
        def _prefetch():
            pltpu.async_copy(logits_hbm.at[row + 1], row_v, dma_sem)

        def sel_body(i, _c):
            def scan_bufs(j, bc):
                bv, bp = bc
                x = buf_v[pl.ds(j * 16, 16)]
                m = x > bv
                return (jnp.where(m, x, bv), jnp.where(m, j * 16 + iota, bp))
            bv, bp = lax.fori_loop(0, nv_sel, scan_bufs,
                                   (neginf, jnp.full((16,), _BIG, jnp.int32)))
            mx = jnp.max(bv)
            p = jnp.min(jnp.where(bv == mx, bp, jnp.int32(_BIG)))
            pv = jnp.broadcast_to(p, (16,))
            idx_p = jnp.max(plsc.load_gather(buf_i, [pv]))
            plsc.store_scatter(buf_v, [pv], neginf, mask=lane0)
            iv = jnp.broadcast_to(i, (16,))
            plsc.store_scatter(out_v, [iv], jnp.broadcast_to(mx, (16,)),
                               mask=lane0)
            plsc.store_scatter(out_i, [iv], jnp.broadcast_to(idx_p, (16,)),
                               mask=lane0)
            return 0
        lax.fori_loop(0, _TOP_K, sel_body, 0)

        vals = [out_v[pl.ds(j * 16, 16)] for j in range(4)]
        vmax = jnp.max(vals[0])
        es = [jnp.exp(v - vmax) for v in vals]
        s = es[0] + es[1] + es[2] + es[3]
        total = jnp.sum(s)
        keeps, masked = [], []
        carry = jnp.float32(0.0)
        for j in range(4):
            pj = es[j] / total
            cj = plsc.cumsum(pj) + carry
            carry = jnp.max(cj)
            kp = cj <= _TOP_P
            if j == 0:
                kp = jnp.logical_or(kp, lane0)
            keeps.append(kp)
            masked.append(jnp.where(kp, vals[j], -jnp.inf)
                          + kinf_v[pl.ds(j * 16, 16)])
        bm, bp = neginf, jnp.full((16,), _BIG, jnp.int32)
        for j in range(4):
            sc = masked[j] + g_v[pl.ds(j * 16, 16)]
            m = sc > bm
            bm = jnp.where(m, sc, bm)
            bp = jnp.where(m, j * 16 + iota, bp)
        mx2 = jnp.max(bm)
        p2 = jnp.min(jnp.where(bm == mx2, bp, jnp.int32(_BIG)))
        token = jnp.max(plsc.load_gather(out_i, [jnp.broadcast_to(p2, (16,))]))

        e2 = [jnp.where(jnp.logical_and(
                  keeps[j], kinf_v[pl.ds(j * 16, 16)] == 0.0),
                  es[j], 0.0) for j in range(4)]
        s2 = jnp.sum(e2[0] + e2[1] + e2[2] + e2[3])
        for j in range(4):
            probs_st[pl.ds(j * 16, 16)] = e2[j] / s2
        tok_st[...] = jnp.where(lane0, token, 0)

        pltpu.sync_copy(probs_st, probs_hbm.at[row])
        pltpu.sync_copy(tok_st, tok_hbm.at[row])
        return 0

    lax.fori_loop(0, _ROWS_PER_W, row_body, 0)


@functools.partial(jax.jit, static_argnames=())
def _sc_topk_sample(logits, gumbel, kinf):
    mesh = plsc.VectorSubcoreMesh(core_axis_name="c", subcore_axis_name="s")
    f = pl.kernel(
        _sc_body,
        mesh=mesh,
        compiler_params=pltpu.CompilerParams(needs_layout_passes=False),
        out_type=(
            jax.ShapeDtypeStruct((_R, 16), jnp.int32),
            jax.ShapeDtypeStruct((_R, _TOP_K), jnp.float32),
        ),
        scratch_types=[
            pltpu.VMEM((_V,), jnp.float32),
            pltpu.VMEM((_HIST_SLOTS,), jnp.int32),
            pltpu.VMEM((_HIST_SLOTS,), jnp.int32),
            pltpu.VMEM((_NWIN * 16,), jnp.float32),
            pltpu.VMEM((_BUF,), jnp.float32),
            pltpu.VMEM((_BUF,), jnp.int32),
            pltpu.VMEM((_TOP_K,), jnp.float32),
            pltpu.VMEM((_TOP_K,), jnp.int32),
            pltpu.VMEM((_TOP_K,), jnp.float32),
            pltpu.VMEM((_TOP_K,), jnp.float32),
            pltpu.VMEM((_TOP_K,), jnp.float32),
            pltpu.VMEM((16,), jnp.int32),
            pltpu.SemaphoreType.DMA,
        ],
    )
    return f(logits, gumbel, kinf)


def kernel(logits, k):
    gumbel = jax.random.gumbel(jax.random.key(42), (_R, _TOP_K), jnp.float32)
    kinf = jnp.where(jnp.arange(_TOP_K) < k, 0.0, -jnp.inf).astype(jnp.float32)
    tok, probs = _sc_topk_sample(logits, gumbel, kinf)
    return tok[:, 0], probs

# --- scband reference (transcript-rebuilt; emitter-appended) ---
"""Pipeline reference for scband-generator-27341761806669 (READ-ONLY COPY).

The authoritative reference and input builder live on the scoring server;
editing this copy changes nothing except your own understanding.
"""

import jax, jax.numpy as jnp
import numpy as np

TEMPERATURE = 1.0
TOP_P = 0.9
TOP_K = 64


def setup_inputs(seed: int = 0) -> dict:
    key = jax.random.key(seed)
    logits = jax.random.normal(key, (128, 100000), dtype=jnp.float32)
    return {"logits": logits, "k": 64}


def reference(logits, k):
    # Faithful vectorized translation of Generator.generate_top_sampling's per-step
    # token sampling: temperature scale -> top-k -> top-p (nucleus) filter -> categorical.
    preds = logits / TEMPERATURE
    # top-k over the vocabulary (k > 0 branch of the original code)
    topk_vals, topk_idx = jax.lax.top_k(preds, TOP_K)
    # top-p filtering: keep tokens whose cumulative softmax prob <= p, always keep first
    probs = jax.nn.softmax(topk_vals, axis=-1)
    cum_probs = jnp.cumsum(probs, axis=-1)
    keep = cum_probs <= TOP_P
    keep = keep.at[:, 0].set(True)  # tensor_scatter_nd_update([[0,0]],[True]) equivalent
    keep = keep & (jnp.arange(TOP_K) < k)
    masked = jnp.where(keep, topk_vals, -jnp.inf)
    # tf.random.categorical equivalent via Gumbel-max trick
    gkey = jax.random.key(42)
    gumbel = jax.random.gumbel(gkey, masked.shape, dtype=masked.dtype)
    choice = jnp.argmax(masked + gumbel, axis=-1)
    sampled_tokens = jnp.take_along_axis(topk_idx, choice[:, None], axis=-1)[:, 0]
    final_probs = jax.nn.softmax(masked, axis=-1)
    return sampled_tokens, final_probs

if __name__ == "__main__":
    import jax
    _d = setup_inputs()
    print(jax.jit(kernel)(*tuple(_d.values())))

</pallas_src>

<mosaic_0001>
#map = affine_map<(d0, d1) -> (0, 0)>
#map1 = affine_map<(d0, d1) -> (0)>
module attributes {stable_mosaic.version = 14 : i64} {
  func.func @_sc_body(%arg0: i32, %arg1: i32, %arg2: memref<128x100000xf32, #tpu.memory_space<hbm>>, %arg3: memref<128x64xf32, #tpu.memory_space<hbm>>, %arg4: memref<64xf32, #tpu.memory_space<hbm>>, %arg5: memref<128x16xi32, #tpu.memory_space<hbm>>, %arg6: memref<128x64xf32, #tpu.memory_space<hbm>>, %arg7: memref<100000xf32, #tpu.memory_space<vmem>>, %arg8: memref<4096xi32, #tpu.memory_space<vmem>>, %arg9: memref<4096xi32, #tpu.memory_space<vmem>>, %arg10: memref<10000xf32, #tpu.memory_space<vmem>>, %arg11: memref<464xf32, #tpu.memory_space<vmem>>, %arg12: memref<464xi32, #tpu.memory_space<vmem>>, %arg13: memref<64xf32, #tpu.memory_space<vmem>>, %arg14: memref<64xi32, #tpu.memory_space<vmem>>, %arg15: memref<64xf32, #tpu.memory_space<vmem>>, %arg16: memref<64xf32, #tpu.memory_space<vmem>>, %arg17: memref<64xf32, #tpu.memory_space<vmem>>, %arg18: memref<16xi32, #tpu.memory_space<vmem>>, %arg19: memref<!tpu.dma_semaphore, #tpu.memory_space<semaphore_mem>>) attributes {dimension_semantics = [#tpu.dimension_semantics<core_parallel>, #tpu.dimension_semantics<subcore_parallel>], iteration_bounds = array<i64: 2, 16>, scalar_prefetch = 0 : i64, scratch_operands = 13 : i64, tpu.core_type = #tpu.core_type<sc_vector_subcore>, window_params = [{transform_indices = #map}, {transform_indices = #map}, {transform_indices = #map1}, {transform_indices = #map}, {transform_indices = #map}]} {
    %mul3A = arith.constant 2 : i32
    %mul3A_0 = arith.muli %arg1, %mul3A : i32
    %add3A = arith.addi %mul3A_0, %arg0 : i32
    %iota3A = tpu.iota {dimensions = array<i32: 0>} : vector<16xi32>
    %eq3A = arith.constant 0 : i32
    %eq3A_1 = vector.broadcast %eq3A : i32 to vector<16xi32>
    %eq3A_2 = arith.cmpi eq, %iota3A, %eq3A_1 : vector<16xi32>
    %broadcast_in_dim3A = arith.constant 0 : i32
    %broadcast_in_dim3A_3 = vector.broadcast %broadcast_in_dim3A : i32 to vector<16xi32>
    %broadcast_in_dim3A_4 = arith.constant 1 : i32
    %broadcast_in_dim3A_5 = vector.broadcast %broadcast_in_dim3A_4 : i32 to vector<16xi32>
    %broadcast_in_dim3A_6 = arith.constant 0xFF800000 : f32
    %broadcast_in_dim3A_7 = vector.broadcast %broadcast_in_dim3A_6 : f32 to vector<16xf32>
    %mul3A_8 = arith.constant 256 : i32
    %mul3A_9 = vector.broadcast %mul3A_8 : i32 to vector<16xi32>
    %mul3A_10 = arith.muli %iota3A, %mul3A_9 : vector<16xi32>
    "tpu.region"() ({
      %run_scoped3A = tpu.sem_alloc : memref<!tpu.dma_semaphore, #tpu.memory_space<semaphore_mem>>
      tpu.enqueue_dma source(%arg4 : memref<64xf32, #tpu.memory_space<hbm>>) target(%arg16 : memref<64xf32, #tpu.memory_space<vmem>>) target_semaphore(%run_scoped3A : memref<!tpu.dma_semaphore, #tpu.memory_space<semaphore_mem>>)
      tpu.wait_dma2 semaphore(%run_scoped3A : memref<!tpu.dma_semaphore, #tpu.memory_space<semaphore_mem>>) src(%arg4 : memref<64xf32, #tpu.memory_space<hbm>>) dst(%arg16 : memref<64xf32, #tpu.memory_space<vmem>>)
      tpu.yield
    }) : () -> ()
    %mul3A_11 = arith.constant 4 : i32
    %mul3A_12 = arith.muli %add3A, %mul3A_11 : i32
    %dma_start3A = arith.constant 0 : i32
    %dma_start3A_13 = tpu.memref_slice %arg2[%mul3A_12, %dma_start3A] : memref<128x100000xf32, #tpu.memory_space<hbm>> -> memref<1x100000xf32, #tpu.memory_space<hbm>>
    %dma_start3A_14 = tpu.memref_squeeze %dma_start3A_13 : memref<1x100000xf32, #tpu.memory_space<hbm>> -> memref<100000xf32, #tpu.memory_space<hbm>>
    %dma_start3A_15 = arith.constant 0 : i32
    %dma_start3A_16 = tpu.memref_slice %arg2[%mul3A_12, %dma_start3A_15] : memref<128x100000xf32, #tpu.memory_space<hbm>> -> memref<1x100000xf32, #tpu.memory_space<hbm>>
    %dma_start3A_17 = tpu.memref_squeeze %dma_start3A_16 : memref<1x100000xf32, #tpu.memory_space<hbm>> -> memref<100000xf32, #tpu.memory_space<hbm>>
    tpu.enqueue_dma source(%dma_start3A_17 : memref<100000xf32, #tpu.memory_space<hbm>>) target(%arg7 : memref<100000xf32, #tpu.memory_space<vmem>>) target_semaphore(%arg19 : memref<!tpu.dma_semaphore, #tpu.memory_space<semaphore_mem>>)
    %scan3A = arith.constant 0 : i32
    %scan3A_18 = arith.constant 0 : i32
    %scan3A_19 = arith.constant 4 : i32
    %scan3A_20 = arith.addi %scan3A_18, %scan3A_19 : i32
    %scan3A_21 = arith.constant 1 : i32
    %scan3A_22 = scf.for %scan3A_24 = %scan3A_18 to %scan3A_20 step %scan3A_21 iter_args(%scan3A_25 = %scan3A) -> (i32)  : i32 {
      %mul3A_26 = arith.constant 4 : i32
      %mul3A_27 = arith.muli %add3A, %mul3A_26 : i32
      %add3A_28 = arith.addi %mul3A_27, %scan3A_24 : i32
      "tpu.region"() ({
        %run_scoped3A = tpu.sem_alloc : memref<!tpu.dma_semaphore, #tpu.memory_space<semaphore_mem>>
        %dma_start3A_423 = arith.constant 0 : i32
        %dma_start3A_424 = tpu.memref_slice %arg3[%add3A_28, %dma_start3A_423] : memref<128x64xf32, #tpu.memory_space<hbm>> -> memref<1x64xf32, #tpu.memory_space<hbm>>
        %dma_start3A_425 = tpu.memref_squeeze %dma_start3A_424 : memref<1x64xf32, #tpu.memory_space<hbm>> -> memref<64xf32, #tpu.memory_space<hbm>>
        %dma_start3A_426 = arith.constant 0 : i32
        %dma_start3A_427 = tpu.memref_slice %arg3[%add3A_28, %dma_start3A_426] : memref<128x64xf32, #tpu.memory_space<hbm>> -> memref<1x64xf32, #tpu.memory_space<hbm>>
        %dma_start3A_428 = tpu.memref_squeeze %dma_start3A_427 : memref<1x64xf32, #tpu.memory_space<hbm>> -> memref<64xf32, #tpu.memory_space<hbm>>
        tpu.enqueue_dma source(%dma_start3A_428 : memref<64xf32, #tpu.memory_space<hbm>>) target(%arg15 : memref<64xf32, #tpu.memory_space<vmem>>) target_semaphore(%run_scoped3A : memref<!tpu.dma_semaphore, #tpu.memory_space<semaphore_mem>>)
        %dma_wait3A_429 = arith.constant 0 : i32
        %dma_wait3A_430 = tpu.memref_slice %arg3[%add3A_28, %dma_wait3A_429] : memref<128x64xf32, #tpu.memory_space<hbm>> -> memref<1x64xf32, #tpu.memory_space<hbm>>
        %dma_wait3A_431 = tpu.memref_squeeze %dma_wait3A_430 : memref<1x64xf32, #tpu.memory_space<hbm>> -> memref<64xf32, #tpu.memory_space<hbm>>
        %dma_wait3A_432 = arith.constant 0 : i32
        %dma_wait3A_433 = tpu.memref_slice %arg3[%add3A_28, %dma_wait3A_432] : memref<128x64xf32, #tpu.memory_space<hbm>> -> memref<1x64xf32, #tpu.memory_space<hbm>>
        %dma_wait3A_434 = tpu.memref_squeeze %dma_wait3A_433 : memref<1x64xf32, #tpu.memory_space<hbm>> -> memref<64xf32, #tpu.memory_space<hbm>>
        tpu.wait_dma2 semaphore(%run_scoped3A : memref<!tpu.dma_semaphore, #tpu.memory_space<semaphore_mem>>) src(%dma_wait3A_434 : memref<64xf32, #tpu.memory_space<hbm>>) dst(%arg15 : memref<64xf32, #tpu.memory_space<vmem>>)
        tpu.yield
      }) : () -> ()
      %scan3A_29 = arith.constant 0 : i32
      %scan3A_30 = arith.constant 0 : i32
      %scan3A_31 = arith.constant 32 : i32
      %scan3A_32 = arith.addi %scan3A_30, %scan3A_31 : i32
      %scan3A_33 = arith.constant 1 : i32
      %scan3A_34 = scf.for %scan3A_423 = %scan3A_30 to %scan3A_32 step %scan3A_33 iter_args(%scan3A_424 = %scan3A_29) -> (i32)  : i32 {
        %mul3A_425 = arith.constant 8 : i32
        %mul3A_426 = arith.muli %scan3A_423, %mul3A_425 : i32
        %add3A_427 = arith.constant 0 : i32
        %add3A_428 = arith.addi %mul3A_426, %add3A_427 : i32
        %mul3A_429 = arith.constant 16 : i32
        %mul3A_430 = arith.muli %add3A_428, %mul3A_429 : i32
        %swap3A_431 = arith.index_cast %mul3A_430 : i32 to index
        %swap3A_432 = tpu.vector_load %arg8[%swap3A_431] {strides = array<i32>} : memref<4096xi32, #tpu.memory_space<vmem>>, vector<16xi32>,
        tpu.vector_store %arg8[%swap3A_431], %broadcast_in_dim3A_3 {strides = array<i32>} : memref<4096xi32, #tpu.memory_space<vmem>>, vector<16xi32>,
        %mul3A_433 = arith.constant 8 : i32
        %mul3A_434 = arith.muli %scan3A_423, %mul3A_433 : i32
        %add3A_435 = arith.constant 0 : i32
        %add3A_436 = arith.addi %mul3A_434, %add3A_435 : i32
        %mul3A_437 = arith.constant 16 : i32
        %mul3A_438 = arith.muli %add3A_436, %mul3A_437 : i32
        %swap3A_439 = arith.index_cast %mul3A_438 : i32 to index
        %swap3A_440 = tpu.vector_load %arg9[%swap3A_439] {strides = array<i32>} : memref<4096xi32, #tpu.memory_space<vmem>>, vector<16xi32>,
        tpu.vector_store %arg9[%swap3A_439], %broadcast_in_dim3A_3 {strides = array<i32>} : memref<4096xi32, #tpu.memory_space<vmem>>, vector<16xi32>,
        %mul3A_441 = arith.constant 8 : i32
        %mul3A_442 = arith.muli %scan3A_423, %mul3A_441 : i32
        %add3A_443 = arith.constant 1 : i32
        %add3A_444 = arith.addi %mul3A_442, %add3A_443 : i32
        %mul3A_445 = arith.constant 16 : i32
        %mul3A_446 = arith.muli %add3A_444, %mul3A_445 : i32
        %swap3A_447 = arith.index_cast %mul3A_446 : i32 to index
        %swap3A_448 = tpu.vector_load %arg8[%swap3A_447] {strides = array<i32>} : memref<4096xi32, #tpu.memory_space<vmem>>, vector<16xi32>,
        tpu.vector_store %arg8[%swap3A_447], %broadcast_in_dim3A_3 {strides = array<i32>} : memref<4096xi32, #tpu.memory_space<vmem>>, vector<16xi32>,
        %mul3A_449 = arith.constant 8 : i32
        %mul3A_450 = arith.muli %scan3A_423, %mul3A_449 : i32
        %add3A_451 = arith.constant 1 : i32
        %add3A_452 = arith.addi %mul3A_450, %add3A_451 : i32
        %mul3A_453 = arith.constant 16 : i32
        %mul3A_454 = arith.muli %add3A_452, %mul3A_453 : i32
        %swap3A_455 = arith.index_cast %mul3A_454 : i32 to index
        %swap3A_456 = tpu.vector_load %arg9[%swap3A_455] {strides = array<i32>} : memref<4096xi32, #tpu.memory_space<vmem>>, vector<16xi32>,
        tpu.vector_store %arg9[%swap3A_455], %broadcast_in_dim3A_3 {strides = array<i32>} : memref<4096xi32, #tpu.memory_space<vmem>>, vector<16xi32>,
        %mul3A_457 = arith.constant 8 : i32
        %mul3A_458 = arith.muli %scan3A_423, %mul3A_457 : i32
        %add3A_459 = arith.constant 2 : i32
        %add3A_460 = arith.addi %mul3A_458, %add3A_459 : i32
        %mul3A_461 = arith.constant 16 : i32
        %mul3A_462 = arith.muli %add3A_460, %mul3A_461 : i32
        %swap3A_463 = arith.index_cast %mul3A_462 : i32 to index
        %swap3A_464 = tpu.vector_load %arg8[%swap3A_463] {strides = array<i32>} : memref<4096xi32, #tpu.memory_space<vmem>>, vector<16xi32>,
        tpu.vector_store %arg8[%swap3A_463], %broadcast_in_dim3A_3 {strides = array<i32>} : memref<4096xi32, #tpu.memory_space<vmem>>, vector<16xi32>,
        %mul3A_465 = arith.constant 8 : i32
        %mul3A_466 = arith.muli %scan3A_423, %mul3A_465 : i32
        %add3A_467 = arith.constant 2 : i32
        %add3A_468 = arith.addi %mul3A_466, %add3A_467 : i32
        %mul3A_469 = arith.constant 16 : i32
        %mul3A_470 = arith.muli %add3A_468, %mul3A_469 : i32
        %swap3A_471 = arith.index_cast %mul3A_470 : i32 to index
        %swap3A_472 = tpu.vector_load %arg9[%swap3A_471] {strides = array<i32>} : memref<4096xi32, #tpu.memory_space<vmem>>, vector<16xi32>,
        tpu.vector_store %arg9[%swap3A_471], %broadcast_in_dim3A_3 {strides = array<i32>} : memref<4096xi32, #tpu.memory_space<vmem>>, vector<16xi32>,
        %mul3A_473 = arith.constant 8 : i32
        %mul3A_474 = arith.muli %scan3A_423, %mul3A_473 : i32
        %add3A_475 = arith.constant 3 : i32
        %add3A_476 = arith.addi %mul3A_474, %add3A_475 : i32
        %mul3A_477 = arith.constant 16 : i32
        %mul3A_478 = arith.muli %add3A_476, %mul3A_477 : i32
        %swap3A_479 = arith.index_cast %mul3A_478 : i32 to index
        %swap3A_480 = tpu.vector_load %arg8[%swap3A_479] {strides = array<i32>} : memref<4096xi32, #tpu.memory_space<vmem>>, vector<16xi32>,
        tpu.vector_store %arg8[%swap3A_479], %broadcast_in_dim3A_3 {strides = array<i32>} : memref<4096xi32, #tpu.memory_space<vmem>>, vector<16xi32>,
        %mul3A_481 = arith.constant 8 : i32
        %mul3A_482 = arith.muli %scan3A_423, %mul3A_481 : i32
        %add3A_483 = arith.constant 3 : i32
        %add3A_484 = arith.addi %mul3A_482, %add3A_483 : i32
        %mul3A_485 = arith.constant 16 : i32
        %mul3A_486 = arith.muli %add3A_484, %mul3A_485 : i32
        %swap3A_487 = arith.index_cast %mul3A_486 : i32 to index
        %swap3A_488 = tpu.vector_load %arg9[%swap3A_487] {strides = array<i32>} : memref<4096xi32, #tpu.memory_space<vmem>>, vector<16xi32>,
        tpu.vector_store %arg9[%swap3A_487], %broadcast_in_dim3A_3 {strides = array<i32>} : memref<4096xi32, #tpu.memory_space<vmem>>, vector<16xi32>,
        %mul3A_489 = arith.constant 8 : i32
        %mul3A_490 = arith.muli %scan3A_423, %mul3A_489 : i32
        %add3A_491 = arith.constant 4 : i32
        %add3A_492 = arith.addi %mul3A_490, %add3A_491 : i32
        %mul3A_493 = arith.constant 16 : i32
        %mul3A_494 = arith.muli %add3A_492, %mul3A_493 : i32
        %swap3A_495 = arith.index_cast %mul3A_494 : i32 to index
        %swap3A_496 = tpu.vector_load %arg8[%swap3A_495] {strides = array<i32>} : memref<4096xi32, #tpu.memory_space<vmem>>, vector<16xi32>,
        tpu.vector_store %arg8[%swap3A_495], %broadcast_in_dim3A_3 {strides = array<i32>} : memref<4096xi32, #tpu.memory_space<vmem>>, vector<16xi32>,
        %mul3A_497 = arith.constant 8 : i32
        %mul3A_498 = arith.muli %scan3A_423, %mul3A_497 : i32
        %add3A_499 = arith.constant 4 : i32
        %add3A_500 = arith.addi %mul3A_498, %add3A_499 : i32
        %mul3A_501 = arith.constant 16 : i32
        %mul3A_502 = arith.muli %add3A_500, %mul3A_501 : i32
        %swap3A_503 = arith.index_cast %mul3A_502 : i32 to index
        %swap3A_504 = tpu.vector_load %arg9[%swap3A_503] {strides = array<i32>} : memref<4096xi32, #tpu.memory_space<vmem>>, vector<16xi32>,
        tpu.vector_store %arg9[%swap3A_503], %broadcast_in_dim3A_3 {strides = array<i32>} : memref<4096xi32, #tpu.memory_space<vmem>>, vector<16xi32>,
        %mul3A_505 = arith.constant 8 : i32
        %mul3A_506 = arith.muli %scan3A_423, %mul3A_505 : i32
        %add3A_507 = arith.constant 5 : i32
        %add3A_508 = arith.addi %mul3A_506, %add3A_507 : i32
        %mul3A_509 = arith.constant 16 : i32
        %mul3A_510 = arith.muli %add3A_508, %mul3A_509 : i32
        %swap3A_511 = arith.index_cast %mul3A_510 : i32 to index
        %swap3A_512 = tpu.vector_load %arg8[%swap3A_511] {strides = array<i32>} : memref<4096xi32, #tpu.memory_space<vmem>>, vector<16xi32>,
        tpu.vector_store %arg8[%swap3A_511], %broadcast_in_dim3A_3 {strides = array<i32>} : memref<4096xi32, #tpu.memory_space<vmem>>, vector<16xi32>,
        %mul3A_513 = arith.constant 8 : i32
        %mul3A_514 = arith.muli %scan3A_423, %mul3A_513 : i32
        %add3A_515 = arith.constant 5 : i32
        %add3A_516 = arith.addi %mul3A_514, %add3A_515 : i32
        %mul3A_517 = arith.constant 16 : i32
        %mul3A_518 = arith.muli %add3A_516, %mul3A_517 : i32
        %swap3A_519 = arith.index_cast %mul3A_518 : i32 to index
        %swap3A_520 = tpu.vector_load %arg9[%swap3A_519] {strides = array<i32>} : memref<4096xi32, #tpu.memory_space<vmem>>, vector<16xi32>,
        tpu.vector_store %arg9[%swap3A_519], %broadcast_in_dim3A_3 {strides = array<i32>} : memref<4096xi32, #tpu.memory_space<vmem>>, vector<16xi32>,
        %mul3A_521 = arith.constant 8 : i32
        %mul3A_522 = arith.muli %scan3A_423, %mul3A_521 : i32
        %add3A_523 = arith.constant 6 : i32
        %add3A_524 = arith.addi %mul3A_522, %add3A_523 : i32
        %mul3A_525 = arith.constant 16 : i32
        %mul3A_526 = arith.muli %add3A_524, %mul3A_525 : i32
        %swap3A_527 = arith.index_cast %mul3A_526 : i32 to index
        %swap3A_528 = tpu.vector_load %arg8[%swap3A_527] {strides = array<i32>} : memref<4096xi32, #tpu.memory_space<vmem>>, vector<16xi32>,
        tpu.vector_store %arg8[%swap3A_527], %broadcast_in_dim3A_3 {strides = array<i32>} : memref<4096xi32, #tpu.memory_space<vmem>>, vector<16xi32>,
        %mul3A_529 = arith.constant 8 : i32
        %mul3A_530 = arith.muli %scan3A_423, %mul3A_529 : i32
        %add3A_531 = arith.constant 6 : i32
        %add3A_532 = arith.addi %mul3A_530, %add3A_531 : i32
        %mul3A_533 = arith.constant 16 : i32
        %mul3A_534 = arith.muli %add3A_532, %mul3A_533 : i32
        %swap3A_535 = arith.index_cast %mul3A_534 : i32 to index
        %swap3A_536 = tpu.vector_load %arg9[%swap3A_535] {strides = array<i32>} : memref<4096xi32, #tpu.memory_space<vmem>>, vector<16xi32>,
        tpu.vector_store %arg9[%swap3A_535], %broadcast_in_dim3A_3 {strides = array<i32>} : memref<4096xi32, #tpu.memory_space<vmem>>, vector<16xi32>,
        %mul3A_537 = arith.constant 8 : i32
        %mul3A_538 = arith.muli %scan3A_423, %mul3A_537 : i32
        %add3A_539 = arith.constant 7 : i32
        %add3A_540 = arith.addi %mul3A_538, %add3A_539 : i32
        %mul3A_541 = arith.constant 16 : i32
        %mul3A_542 = arith.muli %add3A_540, %mul3A_541 : i32
        %swap3A_543 = arith.index_cast %mul3A_542 : i32 to index
        %swap3A_544 = tpu.vector_load %arg8[%swap3A_543] {strides = array<i32>} : memref<4096xi32, #tpu.memory_space<vmem>>, vector<16xi32>,
        tpu.vector_store %arg8[%swap3A_543], %broadcast_in_dim3A_3 {strides = array<i32>} : memref<4096xi32, #tpu.memory_space<vmem>>, vector<16xi32>,
        %mul3A_545 = arith.constant 8 : i32
        %mul3A_546 = arith.muli %scan3A_423, %mul3A_545 : i32
        %add3A_547 = arith.constant 7 : i32
        %add3A_548 = arith.addi %mul3A_546, %add3A_547 : i32
        %mul3A_549 = arith.constant 16 : i32
        %mul3A_550 = arith.muli %add3A_548, %mul3A_549 : i32
        %swap3A_551 = arith.index_cast %mul3A_550 : i32 to index
        %swap3A_552 = tpu.vector_load %arg9[%swap3A_551] {strides = array<i32>} : memref<4096xi32, #tpu.memory_space<vmem>>, vector<16xi32>,
        tpu.vector_store %arg9[%swap3A_551], %broadcast_in_dim3A_3 {strides = array<i32>} : memref<4096xi32, #tpu.memory_space<vmem>>, vector<16xi32>,
        %scan3A_553 = arith.constant 0 : i32
        scf.yield %scan3A_553 : i32
      }
      %scan3A_35 = arith.constant 32 : i32
      %swap3A = arith.constant 0 : index
      %swap3A_36 = tpu.vector_load %arg11[%swap3A] {strides = array<i32>} : memref<464xf32, #tpu.memory_space<vmem>>, vector<16xf32>,
      tpu.vector_store %arg11[%swap3A], %broadcast_in_dim3A_7 {strides = array<i32>} : memref<464xf32, #tpu.memory_space<vmem>>, vector<16xf32>,
      %swap3A_37 = arith.constant 16 : index
      %swap3A_38 = tpu.vector_load %arg11[%swap3A_37] {strides = array<i32>} : memref<464xf32, #tpu.memory_space<vmem>>, vector<16xf32>,
      tpu.vector_store %arg11[%swap3A_37], %broadcast_in_dim3A_7 {strides = array<i32>} : memref<464xf32, #tpu.memory_space<vmem>>, vector<16xf32>,
      %swap3A_39 = arith.constant 32 : index
      %swap3A_40 = tpu.vector_load %arg11[%swap3A_39] {strides = array<i32>} : memref<464xf32, #tpu.memory_space<vmem>>, vector<16xf32>,
      tpu.vector_store %arg11[%swap3A_39], %broadcast_in_dim3A_7 {strides = array<i32>} : memref<464xf32, #tpu.memory_space<vmem>>, vector<16xf32>,
      %swap3A_41 = arith.constant 48 : index
      %swap3A_42 = tpu.vector_load %arg11[%swap3A_41] {strides = array<i32>} : memref<464xf32, #tpu.memory_space<vmem>>, vector<16xf32>,
      tpu.vector_store %arg11[%swap3A_41], %broadcast_in_dim3A_7 {strides = array<i32>} : memref<464xf32, #tpu.memory_space<vmem>>, vector<16xf32>,
      %swap3A_43 = arith.constant 64 : index
      %swap3A_44 = tpu.vector_load %arg11[%swap3A_43] {strides = array<i32>} : memref<464xf32, #tpu.memory_space<vmem>>, vector<16xf32>,
      tpu.vector_store %arg11[%swap3A_43], %broadcast_in_dim3A_7 {strides = array<i32>} : memref<464xf32, #tpu.memory_space<vmem>>, vector<16xf32>,
      %swap3A_45 = arith.constant 80 : index
      %swap3A_46 = tpu.vector_load %arg11[%swap3A_45] {strides = array<i32>} : memref<464xf32, #tpu.memory_space<vmem>>, vector<16xf32>,
      tpu.vector_store %arg11[%swap3A_45], %broadcast_in_dim3A_7 {strides = array<i32>} : memref<464xf32, #tpu.memory_space<vmem>>, vector<16xf32>,
      %swap3A_47 = arith.constant 96 : index
      %swap3A_48 = tpu.vector_load %arg11[%swap3A_47] {strides = array<i32>} : memref<464xf32, #tpu.memory_space<vmem>>, vector<16xf32>,
      tpu.vector_store %arg11[%swap3A_47], %broadcast_in_dim3A_7 {strides = array<i32>} : memref<464xf32, #tpu.memory_space<vmem>>, vector<16xf32>,
      %swap3A_49 = arith.constant 112 : index
      %swap3A_50 = tpu.vector_load %arg11[%swap3A_49] {strides = array<i32>} : memref<464xf32, #tpu.memory_space<vmem>>, vector<16xf32>,
      tpu.vector_store %arg11[%swap3A_49], %broadcast_in_dim3A_7 {strides = array<i32>} : memref<464xf32, #tpu.memory_space<vmem>>, vector<16xf32>,
      %swap3A_51 = arith.constant 128 : index
      %swap3A_52 = tpu.vector_load %arg11[%swap3A_51] {strides = array<i32>} : memref<464xf32, #tpu.memory_space<vmem>>, vector<16xf32>,
      tpu.vector_store %arg11[%swap3A_51], %broadcast_in_dim3A_7 {strides = array<i32>} : memref<464xf32, #tpu.memory_space<vmem>>, vector<16xf32>,
      %swap3A_53 = arith.constant 144 : index
      %swap3A_54 = tpu.vector_load %arg11[%swap3A_53] {strides = array<i32>} : memref<464xf32, #tpu.memory_space<vmem>>, vector<16xf32>,
      tpu.vector_store %arg11[%swap3A_53], %broadcast_in_dim3A_7 {strides = array<i32>} : memref<464xf32, #tpu.memory_space<vmem>>, vector<16xf32>,
      %swap3A_55 = arith.constant 160 : index
      %swap3A_56 = tpu.vector_load %arg11[%swap3A_55] {strides = array<i32>} : memref<464xf32, #tpu.memory_space<vmem>>, vector<16xf32>,
      tpu.vector_store %arg11[%swap3A_55], %broadcast_in_dim3A_7 {strides = array<i32>} : memref<464xf32, #tpu.memory_space<vmem>>, vector<16xf32>,
      %swap3A_57 = arith.constant 176 : index
      %swap3A_58 = tpu.vector_load %arg11[%swap3A_57] {strides = array<i32>} : memref<464xf32, #tpu.memory_space<vmem>>, vector<16xf32>,
      tpu.vector_store %arg11[%swap3A_57], %broadcast_in_dim3A_7 {strides = array<i32>} : memref<464xf32, #tpu.memory_space<vmem>>, vector<16xf32>,
      %swap3A_59 = arith.constant 192 : index
      %swap3A_60 = tpu.vector_load %arg11[%swap3A_59] {strides = array<i32>} : memref<464xf32, #tpu.memory_space<vmem>>, vector<16xf32>,
      tpu.vector_store %arg11[%swap3A_59], %broadcast_in_dim3A_7 {strides = array<i32>} : memref<464xf32, #tpu.memory_space<vmem>>, vector<16xf32>,
      %swap3A_61 = arith.constant 208 : index
      %swap3A_62 = tpu.vector_load %arg11[%swap3A_61] {strides = array<i32>} : memref<464xf32, #tpu.memory_space<vmem>>, vector<16xf32>,
      tpu.vector_store %arg11[%swap3A_61], %broadcast_in_dim3A_7 {strides = array<i32>} : memref<464xf32, #tpu.memory_space<vmem>>, vector<16xf32>,
      %swap3A_63 = arith.constant 224 : index
      %swap3A_64 = tpu.vector_load %arg11[%swap3A_63] {strides = array<i32>} : memref<464xf32, #tpu.memory_space<vmem>>, vector<16xf32>,
      tpu.vector_store %arg11[%swap3A_63], %broadcast_in_dim3A_7 {strides = array<i32>} : memref<464xf32, #tpu.memory_space<vmem>>, vector<16xf32>,
      %swap3A_65 = arith.constant 240 : index
      %swap3A_66 = tpu.vector_load %arg11[%swap3A_65] {strides = array<i32>} : memref<464xf32, #tpu.memory_space<vmem>>, vector<16xf32>,
      tpu.vector_store %arg11[%swap3A_65], %broadcast_in_dim3A_7 {strides = array<i32>} : memref<464xf32, #tpu.memory_space<vmem>>, vector<16xf32>,
      %swap3A_67 = arith.constant 256 : index
      %swap3A_68 = tpu.vector_load %arg11[%swap3A_67] {strides = array<i32>} : memref<464xf32, #tpu.memory_space<vmem>>, vector<16xf32>,
      tpu.vector_store %arg11[%swap3A_67], %broadcast_in_dim3A_7 {strides = array<i32>} : memref<464xf32, #tpu.memory_space<vmem>>, vector<16xf32>,
      %swap3A_69 = arith.constant 272 : index
      %swap3A_70 = tpu.vector_load %arg11[%swap3A_69] {strides = array<i32>} : memref<464xf32, #tpu.memory_space<vmem>>, vector<16xf32>,
      tpu.vector_store %arg11[%swap3A_69], %broadcast_in_dim3A_7 {strides = array<i32>} : memref<464xf32, #tpu.memory_space<vmem>>, vector<16xf32>,
      %swap3A_71 = arith.constant 288 : index
      %swap3A_72 = tpu.vector_load %arg11[%swap3A_71] {strides = array<i32>} : memref<464xf32, #tpu.memory_space<vmem>>, vector<16xf32>,
      tpu.vector_store %arg11[%swap3A_71], %broadcast_in_dim3A_7 {strides = array<i32>} : memref<464xf32, #tpu.memory_space<vmem>>, vector<16xf32>,
      %swap3A_73 = arith.constant 304 : index
      %swap3A_74 = tpu.vector_load %arg11[%swap3A_73] {strides = array<i32>} : memref<464xf32, #tpu.memory_space<vmem>>, vector<16xf32>,
      tpu.vector_store %arg11[%swap3A_73], %broadcast_in_dim3A_7 {strides = array<i32>} : memref<464xf32, #tpu.memory_space<vmem>>, vector<16xf32>,
      %swap3A_75 = arith.constant 320 : index
      %swap3A_76 = tpu.vector_load %arg11[%swap3A_75] {strides = array<i32>} : memref<464xf32, #tpu.memory_space<vmem>>, vector<16xf32>,
      tpu.vector_store %arg11[%swap3A_75], %broadcast_in_dim3A_7 {strides = array<i32>} : memref<464xf32, #tpu.memory_space<vmem>>, vector<16xf32>,
      %swap3A_77 = arith.constant 336 : index
      %swap3A_78 = tpu.vector_load %arg11[%swap3A_77] {strides = array<i32>} : memref<464xf32, #tpu.memory_space<vmem>>, vector<16xf32>,
      tpu.vector_store %arg11[%swap3A_77], %broadcast_in_dim3A_7 {strides = array<i32>} : memref<464xf32, #tpu.memory_space<vmem>>, vector<16xf32>,
      %swap3A_79 = arith.constant 352 : index
      %swap3A_80 = tpu.vector_load %arg11[%swap3A_79] {strides = array<i32>} : memref<464xf32, #tpu.memory_space<vmem>>, vector<16xf32>,
      tpu.vector_store %arg11[%swap3A_79], %broadcast_in_dim3A_7 {strides = array<i32>} : memref<464xf32, #tpu.memory_space<vmem>>, vector<16xf32>,
      %swap3A_81 = arith.constant 368 : index
      %swap3A_82 = tpu.vector_load %arg11[%swap3A_81] {strides = array<i32>} : memref<464xf32, #tpu.memory_space<vmem>>, vector<16xf32>,
      tpu.vector_store %arg11[%swap3A_81], %broadcast_in_dim3A_7 {strides = array<i32>} : memref<464xf32, #tpu.memory_space<vmem>>, vector<16xf32>,
      %swap3A_83 = arith.constant 384 : index
      %swap3A_84 = tpu.vector_load %arg11[%swap3A_83] {strides = array<i32>} : memref<464xf32, #tpu.memory_space<vmem>>, vector<16xf32>,
      tpu.vector_store %arg11[%swap3A_83], %broadcast_in_dim3A_7 {strides = array<i32>} : memref<464xf32, #tpu.memory_space<vmem>>, vector<16xf32>,
      %swap3A_85 = arith.constant 400 : index
      %swap3A_86 = tpu.vector_load %arg11[%swap3A_85] {strides = array<i32>} : memref<464xf32, #tpu.memory_space<vmem>>, vector<16xf32>,
      tpu.vector_store %arg11[%swap3A_85], %broadcast_in_dim3A_7 {strides = array<i32>} : memref<464xf32, #tpu.memory_space<vmem>>, vector<16xf32>,
      %swap3A_87 = arith.constant 416 : index
      %swap3A_88 = tpu.vector_load %arg11[%swap3A_87] {strides = array<i32>} : memref<464xf32, #tpu.memory_space<vmem>>, vector<16xf32>,
      tpu.vector_store %arg11[%swap3A_87], %broadcast_in_dim3A_7 {strides = array<i32>} : memref<464xf32, #tpu.memory_space<vmem>>, vector<16xf32>,
      %swap3A_89 = arith.constant 432 : index
      %swap3A_90 = tpu.vector_load %arg11[%swap3A_89] {strides = array<i32>} : memref<464xf32, #tpu.memory_space<vmem>>, vector<16xf32>,
      tpu.vector_store %arg11[%swap3A_89], %broadcast_in_dim3A_7 {strides = array<i32>} : memref<464xf32, #tpu.memory_space<vmem>>, vector<16xf32>,
      %swap3A_91 = arith.constant 448 : index
      %swap3A_92 = tpu.vector_load %arg11[%swap3A_91] {strides = array<i32>} : memref<464xf32, #tpu.memory_space<vmem>>, vector<16xf32>,
      tpu.vector_store %arg11[%swap3A_91], %broadcast_in_dim3A_7 {strides = array<i32>} : memref<464xf32, #tpu.memory_space<vmem>>, vector<16xf32>,
      %dma_wait3A = arith.constant 0 : i32
      %dma_wait3A_93 = tpu.memref_slice %arg2[%add3A_28, %dma_wait3A] : memref<128x100000xf32, #tpu.memory_space<hbm>> -> memref<1x100000xf32, #tpu.memory_space<hbm>>
      %dma_wait3A_94 = tpu.memref_squeeze %dma_wait3A_93 : memref<1x100000xf32, #tpu.memory_space<hbm>> -> memref<100000xf32, #tpu.memory_space<hbm>>
      %dma_wait3A_95 = arith.constant 0 : i32
      %dma_wait3A_96 = tpu.memref_slice %arg2[%add3A_28, %dma_wait3A_95] : memref<128x100000xf32, #tpu.memory_space<hbm>> -> memref<1x100000xf32, #tpu.memory_space<hbm>>
      %dma_wait3A_97 = tpu.memref_squeeze %dma_wait3A_96 : memref<1x100000xf32, #tpu.memory_space<hbm>> -> memref<100000xf32, #tpu.memory_space<hbm>>
      tpu.wait_dma2 semaphore(%arg19 : memref<!tpu.dma_semaphore, #tpu.memory_space<semaphore_mem>>) src(%dma_wait3A_97 : memref<100000xf32, #tpu.memory_space<hbm>>) dst(%arg7 : memref<100000xf32, #tpu.memory_space<vmem>>)
      %scan3A_98 = arith.constant 0 : i32
      %scan3A_99 = arith.constant 195 : i32
      %scan3A_100 = arith.addi %scan3A_98, %scan3A_99 : i32
      %scan3A_101 = arith.constant 1 : i32
      %scan3A_102:8 = scf.for %scan3A_423 = %scan3A_98 to %scan3A_100 step %scan3A_101 iter_args(%scan3A_424 = %broadcast_in_dim3A_7, %scan3A_425 = %broadcast_in_dim3A_7, %scan3A_426 = %broadcast_in_dim3A_7, %scan3A_427 = %broadcast_in_dim3A_7, %scan3A_428 = %broadcast_in_dim3A_7, %scan3A_429 = %broadcast_in_dim3A_7, %scan3A_430 = %broadcast_in_dim3A_7, %scan3A_431 = %broadcast_in_dim3A_7) -> (vector<16xf32>, vector<16xf32>, vector<16xf32>, vector<16xf32>, vector<16xf32>, vector<16xf32>, vector<16xf32>, vector<16xf32>)  : i32 {
        %mul3A_432 = arith.constant 4 : i32
        %mul3A_433 = arith.muli %scan3A_423, %mul3A_432 : i32
        %add3A_434 = arith.constant 0 : i32
        %add3A_435 = arith.addi %mul3A_433, %add3A_434 : i32
        %mul3A_436 = arith.constant 128 : i32
        %mul3A_437 = arith.muli %add3A_435, %mul3A_436 : i32
        %get3A_438 = arith.index_cast %mul3A_437 : i32 to index
        %get3A_439 = tpu.vector_load %arg7[%get3A_438] {strides = array<i32>} : memref<100000xf32, #tpu.memory_space<vmem>>, vector<16xf32>,
        %neg3A_440 = arith.constant 0.000000e+00 : f32
        %neg3A_441 = vector.broadcast %neg3A_440 : f32 to vector<16xf32>
        %neg3A_442 = arith.subf %neg3A_441, %get3A_439 : vector<16xf32>
        %max3A_443 = arith.maximumf %scan3A_424, %neg3A_442 : vector<16xf32>
        %max3A_444 = arith.maximumf %scan3A_425, %get3A_439 : vector<16xf32>
        %mul3A_445 = arith.constant 4 : i32
        %mul3A_446 = arith.muli %scan3A_423, %mul3A_445 : i32
        %add3A_447 = arith.constant 1 : i32
        %add3A_448 = arith.addi %mul3A_446, %add3A_447 : i32
        %mul3A_449 = arith.constant 128 : i32
        %mul3A_450 = arith.muli %add3A_448, %mul3A_449 : i32
        %get3A_451 = arith.index_cast %mul3A_450 : i32 to index
        %get3A_452 = tpu.vector_load %arg7[%get3A_451] {strides = array<i32>} : memref<100000xf32, #tpu.memory_space<vmem>>, vector<16xf32>,
        %neg3A_453 = arith.constant 0.000000e+00 : f32
        %neg3A_454 = vector.broadcast %neg3A_453 : f32 to vector<16xf32>
        %neg3A_455 = arith.subf %neg3A_454, %get3A_452 : vector<16xf32>
        %max3A_456 = arith.maximumf %scan3A_426, %neg3A_455 : vector<16xf32>
        %max3A_457 = arith.maximumf %scan3A_427, %get3A_452 : vector<16xf32>
        %mul3A_458 = arith.constant 4 : i32
        %mul3A_459 = arith.muli %scan3A_423, %mul3A_458 : i32
        %add3A_460 = arith.constant 2 : i32
        %add3A_461 = arith.addi %mul3A_459, %add3A_460 : i32
        %mul3A_462 = arith.constant 128 : i32
        %mul3A_463 = arith.muli %add3A_461, %mul3A_462 : i32
        %get3A_464 = arith.index_cast %mul3A_463 : i32 to index
        %get3A_465 = tpu.vector_load %arg7[%get3A_464] {strides = array<i32>} : memref<100000xf32, #tpu.memory_space<vmem>>, vector<16xf32>,
        %neg3A_466 = arith.constant 0.000000e+00 : f32
        %neg3A_467 = vector.broadcast %neg3A_466 : f32 to vector<16xf32>
        %neg3A_468 = arith.subf %neg3A_467, %get3A_465 : vector<16xf32>
        %max3A_469 = arith.maximumf %scan3A_428, %neg3A_468 : vector<16xf32>
        %max3A_470 = arith.maximumf %scan3A_429, %get3A_465 : vector<16xf32>
        %mul3A_471 = arith.constant 4 : i32
        %mul3A_472 = arith.muli %scan3A_423, %mul3A_471 : i32
        %add3A_473 = arith.constant 3 : i32
        %add3A_474 = arith.addi %mul3A_472, %add3A_473 : i32
        %mul3A_475 = arith.constant 128 : i32
        %mul3A_476 = arith.muli %add3A_474, %mul3A_475 : i32
        %get3A_477 = arith.index_cast %mul3A_476 : i32 to index
        %get3A_478 = tpu.vector_load %arg7[%get3A_477] {strides = array<i32>} : memref<100000xf32, #tpu.memory_space<vmem>>, vector<16xf32>,
        %neg3A_479 = arith.constant 0.000000e+00 : f32
        %neg3A_480 = vector.broadcast %neg3A_479 : f32 to vector<16xf32>
        %neg3A_481 = arith.subf %neg3A_480, %get3A_478 : vector<16xf32>
        %max3A_482 = arith.maximumf %scan3A_430, %neg3A_481 : vector<16xf32>
        %max3A_483 = arith.maximumf %scan3A_431, %get3A_478 : vector<16xf32>
        scf.yield %max3A_443, %max3A_444, %max3A_456, %max3A_457, %max3A_469, %max3A_470, %max3A_482, %max3A_483 : vector<16xf32>, vector<16xf32>, vector<16xf32>, vector<16xf32>, vector<16xf32>, vector<16xf32>, vector<16xf32>, vector<16xf32>
      }
      %scan3A_103 = arith.constant 195 : i32
      %max3A = arith.maximumf %scan3A_102#0, %scan3A_102#2 : vector<16xf32>
      %max3A_104 = arith.maximumf %scan3A_102#4, %scan3A_102#6 : vector<16xf32>
      %max3A_105 = arith.maximumf %max3A, %max3A_104 : vector<16xf32>
      %max3A_106 = arith.maximumf %scan3A_102#1, %scan3A_102#3 : vector<16xf32>
      %max3A_107 = arith.maximumf %scan3A_102#5, %scan3A_102#7 : vector<16xf32>
      %max3A_108 = arith.maximumf %max3A_106, %max3A_107 : vector<16xf32>
      %reduce_max3A = arith.constant true
      %reduce_max3A_109 = vector.broadcast %reduce_max3A : i1 to vector<16xi1>
      %reduce_max3A_110 = tpu.scan <max>, %max3A_105 masked %reduce_max3A_109 : vector<16xf32>, vector<16xi1> -> vector<16xf32>
      %reduce_max3A_111 = vector.extract %reduce_max3A_110[15] : f32 from vector<16xf32>
      %neg3A = arith.constant 0.000000e+00 : f32
      %neg3A_112 = arith.subf %neg3A, %reduce_max3A_111 : f32
      %broadcast_in_dim3A_113 = arith.constant 2.540000e+02 : f32
      %broadcast_in_dim3A_114 = vector.broadcast %broadcast_in_dim3A_113 : f32 to vector<16xf32>
      %reduce_max3A_115 = arith.constant true
      %reduce_max3A_116 = vector.broadcast %reduce_max3A_115 : i1 to vector<16xi1>
      %reduce_max3A_117 = tpu.scan <max>, %max3A_108 masked %reduce_max3A_116 : vector<16xf32>, vector<16xi1> -> vector<16xf32>
      %reduce_max3A_118 = vector.extract %reduce_max3A_117[15] : f32 from vector<16xf32>
      %sub3A = arith.subf %reduce_max3A_118, %neg3A_112 : f32
      %broadcast_in_dim3A_119 = vector.broadcast %sub3A : f32 to vector<16xf32>
      %div3A = arith.divf %broadcast_in_dim3A_114, %broadcast_in_dim3A_119 : vector<16xf32>
      %convert_element_type3A = arith.sitofp %mul3A_10 : vector<16xi32> to vector<16xf32>
      %mul3A_120 = vector.broadcast %neg3A_112 : f32 to vector<16xf32>
      %mul3A_121 = arith.mulf %mul3A_120, %div3A : vector<16xf32>
      %sub3A_122 = arith.subf %convert_element_type3A, %mul3A_121 : vector<16xf32>
      %add3A_123 = arith.constant 255 : i32
      %add3A_124 = vector.broadcast %add3A_123 : i32 to vector<16xi32>
      %add3A_125 = arith.addi %mul3A_10, %add3A_124 : vector<16xi32>
      %parallel_loop3A = arith.constant 0 : i32
      %parallel_loop3A_126 = arith.constant 625 : i32
      %parallel_loop3A_127 = arith.constant 1 : i32
      scf.for %parallel_loop3A_423 = %parallel_loop3A to %parallel_loop3A_126 step %parallel_loop3A_127  : i32 {
        %parallel_loop3A_424 = arith.constant 10 : i32
        %parallel_loop3A_425 = arith.muli %parallel_loop3A_423, %parallel_loop3A_424 : i32
        %parallel_loop3A_426 = arith.constant 0 : i32
        %parallel_loop3A_427 = arith.addi %parallel_loop3A_425, %parallel_loop3A_426 : i32
        %parallel_loop3A_428 = arith.constant 16 : i32
        %parallel_loop3A_429 = arith.muli %parallel_loop3A_427, %parallel_loop3A_428 : i32
        %parallel_loop3A_430 = arith.index_cast %parallel_loop3A_429 : i32 to index
        %parallel_loop3A_431 = tpu.vector_load %arg7[%parallel_loop3A_430] {strides = array<i32>} : memref<100000xf32, #tpu.memory_space<vmem>>, vector<16xf32>,
        %parallel_loop3A_432 = arith.mulf %parallel_loop3A_431, %div3A : vector<16xf32>
        %parallel_loop3A_433 = arith.addf %parallel_loop3A_432, %sub3A_122 : vector<16xf32>
        %parallel_loop3A_434 = arith.fptosi %parallel_loop3A_433 : vector<16xf32> to vector<16xi32>
        %parallel_loop3A_435 = arith.maxsi %parallel_loop3A_434, %mul3A_10 : vector<16xi32>
        %parallel_loop3A_436 = arith.minsi %parallel_loop3A_435, %add3A_125 : vector<16xi32>
        %parallel_loop3A_437 = arith.maximumf %broadcast_in_dim3A_7, %parallel_loop3A_431 : vector<16xf32>
        %parallel_loop3A_438 = arith.constant 10 : i32
        %parallel_loop3A_439 = arith.muli %parallel_loop3A_423, %parallel_loop3A_438 : i32
        %parallel_loop3A_440 = arith.constant 1 : i32
        %parallel_loop3A_441 = arith.addi %parallel_loop3A_439, %parallel_loop3A_440 : i32
        %parallel_loop3A_442 = arith.constant 16 : i32
        %parallel_loop3A_443 = arith.muli %parallel_loop3A_441, %parallel_loop3A_442 : i32
        %parallel_loop3A_444 = arith.index_cast %parallel_loop3A_443 : i32 to index
        %parallel_loop3A_445 = tpu.vector_load %arg7[%parallel_loop3A_444] {strides = array<i32>} : memref<100000xf32, #tpu.memory_space<vmem>>, vector<16xf32>,
        %parallel_loop3A_446 = arith.maximumf %broadcast_in_dim3A_7, %parallel_loop3A_445 : vector<16xf32>
        %parallel_loop3A_447 = arith.constant 10 : i32
        %parallel_loop3A_448 = arith.muli %parallel_loop3A_423, %parallel_loop3A_447 : i32
        %parallel_loop3A_449 = arith.constant 2 : i32
        %parallel_loop3A_450 = arith.addi %parallel_loop3A_448, %parallel_loop3A_449 : i32
        %parallel_loop3A_451 = arith.constant 16 : i32
        %parallel_loop3A_452 = arith.muli %parallel_loop3A_450, %parallel_loop3A_451 : i32
        %parallel_loop3A_453 = arith.index_cast %parallel_loop3A_452 : i32 to index
        %parallel_loop3A_454 = tpu.vector_load %arg7[%parallel_loop3A_453] {strides = array<i32>} : memref<100000xf32, #tpu.memory_space<vmem>>, vector<16xf32>,
        %parallel_loop3A_455 = arith.mulf %parallel_loop3A_454, %div3A : vector<16xf32>
        %parallel_loop3A_456 = arith.addf %parallel_loop3A_455, %sub3A_122 : vector<16xf32>
        %parallel_loop3A_457 = arith.fptosi %parallel_loop3A_456 : vector<16xf32> to vector<16xi32>
        %parallel_loop3A_458 = arith.maxsi %parallel_loop3A_457, %mul3A_10 : vector<16xi32>
        %parallel_loop3A_459 = arith.minsi %parallel_loop3A_458, %add3A_125 : vector<16xi32>
        %parallel_loop3A_460 = arith.maximumf %parallel_loop3A_437, %parallel_loop3A_454 : vector<16xf32>
        %parallel_loop3A_461 = arith.constant 10 : i32
        %parallel_loop3A_462 = arith.muli %parallel_loop3A_423, %parallel_loop3A_461 : i32
        %parallel_loop3A_463 = arith.constant 3 : i32
        %parallel_loop3A_464 = arith.addi %parallel_loop3A_462, %parallel_loop3A_463 : i32
        %parallel_loop3A_465 = arith.constant 16 : i32
        %parallel_loop3A_466 = arith.muli %parallel_loop3A_464, %parallel_loop3A_465 : i32
        %parallel_loop3A_467 = arith.index_cast %parallel_loop3A_466 : i32 to index
        %parallel_loop3A_468 = tpu.vector_load %arg7[%parallel_loop3A_467] {strides = array<i32>} : memref<100000xf32, #tpu.memory_space<vmem>>, vector<16xf32>,
        %parallel_loop3A_469 = arith.maximumf %parallel_loop3A_446, %parallel_loop3A_468 : vector<16xf32>
        %parallel_loop3A_470 = arith.constant 10 : i32
        %parallel_loop3A_471 = arith.muli %parallel_loop3A_423, %parallel_loop3A_470 : i32
        %parallel_loop3A_472 = arith.constant 4 : i32
        %parallel_loop3A_473 = arith.addi %parallel_loop3A_471, %parallel_loop3A_472 : i32
        %parallel_loop3A_474 = arith.constant 16 : i32
        %parallel_loop3A_475 = arith.muli %parallel_loop3A_473, %parallel_loop3A_474 : i32
        %parallel_loop3A_476 = arith.index_cast %parallel_loop3A_475 : i32 to index
        %parallel_loop3A_477 = tpu.vector_load %arg7[%parallel_loop3A_476] {strides = array<i32>} : memref<100000xf32, #tpu.memory_space<vmem>>, vector<16xf32>,
        %parallel_loop3A_478 = arith.mulf %parallel_loop3A_477, %div3A : vector<16xf32>
        %parallel_loop3A_479 = arith.addf %parallel_loop3A_478, %sub3A_122 : vector<16xf32>
        %parallel_loop3A_480 = arith.fptosi %parallel_loop3A_479 : vector<16xf32> to vector<16xi32>
        %parallel_loop3A_481 = arith.maxsi %parallel_loop3A_480, %mul3A_10 : vector<16xi32>
        %parallel_loop3A_482 = arith.minsi %parallel_loop3A_481, %add3A_125 : vector<16xi32>
        %parallel_loop3A_483 = arith.maximumf %parallel_loop3A_460, %parallel_loop3A_477 : vector<16xf32>
        %parallel_loop3A_484 = arith.constant 10 : i32
        %parallel_loop3A_485 = arith.muli %parallel_loop3A_423, %parallel_loop3A_484 : i32
        %parallel_loop3A_486 = arith.constant 5 : i32
        %parallel_loop3A_487 = arith.addi %parallel_loop3A_485, %parallel_loop3A_486 : i32
        %parallel_loop3A_488 = arith.constant 16 : i32
        %parallel_loop3A_489 = arith.muli %parallel_loop3A_487, %parallel_loop3A_488 : i32
        %parallel_loop3A_490 = arith.index_cast %parallel_loop3A_489 : i32 to index
        %parallel_loop3A_491 = tpu.vector_load %arg7[%parallel_loop3A_490] {strides = array<i32>} : memref<100000xf32, #tpu.memory_space<vmem>>, vector<16xf32>,
        %parallel_loop3A_492 = arith.maximumf %parallel_loop3A_469, %parallel_loop3A_491 : vector<16xf32>
        %parallel_loop3A_493 = arith.constant 10 : i32
        %parallel_loop3A_494 = arith.muli %parallel_loop3A_423, %parallel_loop3A_493 : i32
        %parallel_loop3A_495 = arith.constant 6 : i32
        %parallel_loop3A_496 = arith.addi %parallel_loop3A_494, %parallel_loop3A_495 : i32
        %parallel_loop3A_497 = arith.constant 16 : i32
        %parallel_loop3A_498 = arith.muli %parallel_loop3A_496, %parallel_loop3A_497 : i32
        %parallel_loop3A_499 = arith.index_cast %parallel_loop3A_498 : i32 to index
        %parallel_loop3A_500 = tpu.vector_load %arg7[%parallel_loop3A_499] {strides = array<i32>} : memref<100000xf32, #tpu.memory_space<vmem>>, vector<16xf32>,
        %parallel_loop3A_501 = arith.mulf %parallel_loop3A_500, %div3A : vector<16xf32>
        %parallel_loop3A_502 = arith.addf %parallel_loop3A_501, %sub3A_122 : vector<16xf32>
        %parallel_loop3A_503 = arith.fptosi %parallel_loop3A_502 : vector<16xf32> to vector<16xi32>
        %parallel_loop3A_504 = arith.maxsi %parallel_loop3A_503, %mul3A_10 : vector<16xi32>
        %parallel_loop3A_505 = arith.minsi %parallel_loop3A_504, %add3A_125 : vector<16xi32>
        %parallel_loop3A_506 = arith.maximumf %parallel_loop3A_483, %parallel_loop3A_500 : vector<16xf32>
        %parallel_loop3A_507 = arith.constant 10 : i32
        %parallel_loop3A_508 = arith.muli %parallel_loop3A_423, %parallel_loop3A_507 : i32
        %parallel_loop3A_509 = arith.constant 7 : i32
        %parallel_loop3A_510 = arith.addi %parallel_loop3A_508, %parallel_loop3A_509 : i32
        %parallel_loop3A_511 = arith.constant 16 : i32
        %parallel_loop3A_512 = arith.muli %parallel_loop3A_510, %parallel_loop3A_511 : i32
        %parallel_loop3A_513 = arith.index_cast %parallel_loop3A_512 : i32 to index
        %parallel_loop3A_514 = tpu.vector_load %arg7[%parallel_loop3A_513] {strides = array<i32>} : memref<100000xf32, #tpu.memory_space<vmem>>, vector<16xf32>,
        %parallel_loop3A_515 = arith.maximumf %parallel_loop3A_492, %parallel_loop3A_514 : vector<16xf32>
        %parallel_loop3A_516 = arith.constant 10 : i32
        %parallel_loop3A_517 = arith.muli %parallel_loop3A_423, %parallel_loop3A_516 : i32
        %parallel_loop3A_518 = arith.constant 8 : i32
        %parallel_loop3A_519 = arith.addi %parallel_loop3A_517, %parallel_loop3A_518 : i32
        %parallel_loop3A_520 = arith.constant 16 : i32
        %parallel_loop3A_521 = arith.muli %parallel_loop3A_519, %parallel_loop3A_520 : i32
        %parallel_loop3A_522 = arith.index_cast %parallel_loop3A_521 : i32 to index
        %parallel_loop3A_523 = tpu.vector_load %arg7[%parallel_loop3A_522] {strides = array<i32>} : memref<100000xf32, #tpu.memory_space<vmem>>, vector<16xf32>,
        %parallel_loop3A_524 = arith.mulf %parallel_loop3A_523, %div3A : vector<16xf32>
        %parallel_loop3A_525 = arith.addf %parallel_loop3A_524, %sub3A_122 : vector<16xf32>
        %parallel_loop3A_526 = arith.fptosi %parallel_loop3A_525 : vector<16xf32> to vector<16xi32>
        %parallel_loop3A_527 = arith.maxsi %parallel_loop3A_526, %mul3A_10 : vector<16xi32>
        %parallel_loop3A_528 = arith.minsi %parallel_loop3A_527, %add3A_125 : vector<16xi32>
        %parallel_loop3A_529 = arith.maximumf %parallel_loop3A_506, %parallel_loop3A_523 : vector<16xf32>
        %parallel_loop3A_530 = arith.constant 10 : i32
        %parallel_loop3A_531 = arith.muli %parallel_loop3A_423, %parallel_loop3A_530 : i32
        %parallel_loop3A_532 = arith.constant 9 : i32
        %parallel_loop3A_533 = arith.addi %parallel_loop3A_531, %parallel_loop3A_532 : i32
        %parallel_loop3A_534 = arith.constant 16 : i32
        %parallel_loop3A_535 = arith.muli %parallel_loop3A_533, %parallel_loop3A_534 : i32
        %parallel_loop3A_536 = arith.index_cast %parallel_loop3A_535 : i32 to index
        %parallel_loop3A_537 = tpu.vector_load %arg7[%parallel_loop3A_536] {strides = array<i32>} : memref<100000xf32, #tpu.memory_space<vmem>>, vector<16xf32>,
        %parallel_loop3A_538 = arith.maximumf %parallel_loop3A_515, %parallel_loop3A_537 : vector<16xf32>
        tpu.vector_store_idx %arg8[%parallel_loop3A_436], %broadcast_in_dim3A_5 {add = true} : memref<4096xi32, #tpu.memory_space<vmem>>[vector<16xi32>], vector<16xi32>,
        tpu.vector_store_idx %arg9[%parallel_loop3A_459], %broadcast_in_dim3A_5 {add = true} : memref<4096xi32, #tpu.memory_space<vmem>>[vector<16xi32>], vector<16xi32>,
        tpu.vector_store_idx %arg8[%parallel_loop3A_482], %broadcast_in_dim3A_5 {add = true} : memref<4096xi32, #tpu.memory_space<vmem>>[vector<16xi32>], vector<16xi32>,
        tpu.vector_store_idx %arg9[%parallel_loop3A_505], %broadcast_in_dim3A_5 {add = true} : memref<4096xi32, #tpu.memory_space<vmem>>[vector<16xi32>], vector<16xi32>,
        tpu.vector_store_idx %arg8[%parallel_loop3A_528], %broadcast_in_dim3A_5 {add = true} : memref<4096xi32, #tpu.memory_space<vmem>>[vector<16xi32>], vector<16xi32>,
        %parallel_loop3A_539 = arith.maximumf %parallel_loop3A_529, %parallel_loop3A_538 : vector<16xf32>
        %parallel_loop3A_540 = arith.constant 16 : i32
        %parallel_loop3A_541 = arith.muli %parallel_loop3A_423, %parallel_loop3A_540 : i32
        %parallel_loop3A_542 = arith.index_cast %parallel_loop3A_541 : i32 to index
        %parallel_loop3A_543 = tpu.vector_load %arg10[%parallel_loop3A_542] {strides = array<i32>} : memref<10000xf32, #tpu.memory_space<vmem>>, vector<16xf32>,
        tpu.vector_store %arg10[%parallel_loop3A_542], %parallel_loop3A_539 {strides = array<i32>} : memref<10000xf32, #tpu.memory_space<vmem>>, vector<16xf32>,
      } {sc.loop_unroll_factor = 2 : i64, sc.parallel_access}
      %scan3A_128 = arith.constant false
      %scan3A_129 = arith.constant 0 : i32
      %scan3A_130 = arith.constant 0 : i32
      %scan3A_131 = arith.constant 0 : i32
      %scan3A_132 = arith.constant 0 : i32
      %scan3A_133 = arith.constant 0 : i32
      %scan3A_134 = arith.constant 16 : i32
      %scan3A_135 = arith.addi %scan3A_133, %scan3A_134 : i32
      %scan3A_136 = arith.constant 1 : i32
      %scan3A_137:5 = scf.for %scan3A_423 = %scan3A_133 to %scan3A_135 step %scan3A_136 iter_args(%scan3A_424 = %scan3A_128, %scan3A_425 = %scan3A_129, %scan3A_426 = %scan3A_130, %scan3A_427 = %scan3A_131, %scan3A_428 = %scan3A_132) -> (i1, i32, i32, i32, i32)  : i32 {
        %sub3A_429 = arith.constant 15 : i32
        %sub3A_430 = arith.subi %sub3A_429, %scan3A_423 : i32
        %mul3A_431 = arith.constant 16 : i32
        %mul3A_432 = arith.muli %sub3A_430, %mul3A_431 : i32
        %add3A_433 = arith.constant 0 : i32
        %add3A_434 = arith.addi %add3A_433, %mul3A_432 : i32
        %get3A_435 = arith.index_cast %add3A_434 : i32 to index
        %get3A_436 = tpu.vector_load %arg8[%get3A_435] {strides = array<i32>} : memref<4096xi32, #tpu.memory_space<vmem>>, vector<16xi32>,
        %add3A_437 = arith.addi %broadcast_in_dim3A_3, %get3A_436 : vector<16xi32>
        %mul3A_438 = arith.constant 16 : i32
        %mul3A_439 = arith.muli %sub3A_430, %mul3A_438 : i32
        %add3A_440 = arith.constant 0 : i32
        %add3A_441 = arith.addi %add3A_440, %mul3A_439 : i32
        %get3A_442 = arith.index_cast %add3A_441 : i32 to index
        %get3A_443 = tpu.vector_load %arg9[%get3A_442] {strides = array<i32>} : memref<4096xi32, #tpu.memory_space<vmem>>, vector<16xi32>,
        %add3A_444 = arith.addi %add3A_437, %get3A_443 : vector<16xi32>
        %mul3A_445 = arith.constant 16 : i32
        %mul3A_446 = arith.muli %sub3A_430, %mul3A_445 : i32
        %add3A_447 = arith.constant 256 : i32
        %add3A_448 = arith.addi %add3A_447, %mul3A_446 : i32
        %get3A_449 = arith.index_cast %add3A_448 : i32 to index
        %get3A_450 = tpu.vector_load %arg8[%get3A_449] {strides = array<i32>} : memref<4096xi32, #tpu.memory_space<vmem>>, vector<16xi32>,
        %add3A_451 = arith.addi %add3A_444, %get3A_450 : vector<16xi32>
        %mul3A_452 = arith.constant 16 : i32
        %mul3A_453 = arith.muli %sub3A_430, %mul3A_452 : i32
        %add3A_454 = arith.constant 256 : i32
        %add3A_455 = arith.addi %add3A_454, %mul3A_453 : i32
        %get3A_456 = arith.index_cast %add3A_455 : i32 to index
        %get3A_457 = tpu.vector_load %arg9[%get3A_456] {strides = array<i32>} : memref<4096xi32, #tpu.memory_space<vmem>>, vector<16xi32>,
        %add3A_458 = arith.addi %add3A_451, %get3A_457 : vector<16xi32>
        %mul3A_459 = arith.constant 16 : i32
        %mul3A_460 = arith.muli %sub3A_430, %mul3A_459 : i32
        %add3A_461 = arith.constant 512 : i32
        %add3A_462 = arith.addi %add3A_461, %mul3A_460 : i32
        %get3A_463 = arith.index_cast %add3A_462 : i32 to index
        %get3A_464 = tpu.vector_load %arg8[%get3A_463] {strides = array<i32>} : memref<4096xi32, #tpu.memory_space<vmem>>, vector<16xi32>,
        %add3A_465 = arith.addi %add3A_458, %get3A_464 : vector<16xi32>
        %mul3A_466 = arith.constant 16 : i32
        %mul3A_467 = arith.muli %sub3A_430, %mul3A_466 : i32
        %add3A_468 = arith.constant 512 : i32
        %add3A_469 = arith.addi %add3A_468, %mul3A_467 : i32
        %get3A_470 = arith.index_cast %add3A_469 : i32 to index
        %get3A_471 = tpu.vector_load %arg9[%get3A_470] {strides = array<i32>} : memref<4096xi32, #tpu.memory_space<vmem>>, vector<16xi32>,
        %add3A_472 = arith.addi %add3A_465, %get3A_471 : vector<16xi32>
        %mul3A_473 = arith.constant 16 : i32
        %mul3A_474 = arith.muli %sub3A_430, %mul3A_473 : i32
        %add3A_475 = arith.constant 768 : i32
        %add3A_476 = arith.addi %add3A_475, %mul3A_474 : i32
        %get3A_477 = arith.index_cast %add3A_476 : i32 to index
        %get3A_478 = tpu.vector_load %arg8[%get3A_477] {strides = array<i32>} : memref<4096xi32, #tpu.memory_space<vmem>>, vector<16xi32>,
        %add3A_479 = arith.addi %add3A_472, %get3A_478 : vector<16xi32>
        %mul3A_480 = arith.constant 16 : i32
        %mul3A_481 = arith.muli %sub3A_430, %mul3A_480 : i32
        %add3A_482 = arith.constant 768 : i32
        %add3A_483 = arith.addi %add3A_482, %mul3A_481 : i32
        %get3A_484 = arith.index_cast %add3A_483 : i32 to index
        %get3A_485 = tpu.vector_load %arg9[%get3A_484] {strides = array<i32>} : memref<4096xi32, #tpu.memory_space<vmem>>, vector<16xi32>,
        %add3A_486 = arith.addi %add3A_479, %get3A_485 : vector<16xi32>
        %mul3A_487 = arith.constant 16 : i32
        %mul3A_488 = arith.muli %sub3A_430, %mul3A_487 : i32
        %add3A_489 = arith.constant 1024 : i32
        %add3A_490 = arith.addi %add3A_489, %mul3A_488 : i32
        %get3A_491 = arith.index_cast %add3A_490 : i32 to index
        %get3A_492 = tpu.vector_load %arg8[%get3A_491] {strides = array<i32>} : memref<4096xi32, #tpu.memory_space<vmem>>, vector<16xi32>,
        %add3A_493 = arith.addi %add3A_486, %get3A_492 : vector<16xi32>
        %mul3A_494 = arith.constant 16 : i32
        %mul3A_495 = arith.muli %sub3A_430, %mul3A_494 : i32
        %add3A_496 = arith.constant 1024 : i32
        %add3A_497 = arith.addi %add3A_496, %mul3A_495 : i32
        %get3A_498 = arith.index_cast %add3A_497 : i32 to index
        %get3A_499 = tpu.vector_load %arg9[%get3A_498] {strides = array<i32>} : memref<4096xi32, #tpu.memory_space<vmem>>, vector<16xi32>,
        %add3A_500 = arith.addi %add3A_493, %get3A_499 : vector<16xi32>
        %mul3A_501 = arith.constant 16 : i32
        %mul3A_502 = arith.muli %sub3A_430, %mul3A_501 : i32
        %add3A_503 = arith.constant 1280 : i32
        %add3A_504 = arith.addi %add3A_503, %mul3A_502 : i32
        %get3A_505 = arith.index_cast %add3A_504 : i32 to index
        %get3A_506 = tpu.vector_load %arg8[%get3A_505] {strides = array<i32>} : memref<4096xi32, #tpu.memory_space<vmem>>, vector<16xi32>,
        %add3A_507 = arith.addi %add3A_500, %get3A_506 : vector<16xi32>
        %mul3A_508 = arith.constant 16 : i32
        %mul3A_509 = arith.muli %sub3A_430, %mul3A_508 : i32
        %add3A_510 = arith.constant 1280 : i32
        %add3A_511 = arith.addi %add3A_510, %mul3A_509 : i32
        %get3A_512 = arith.index_cast %add3A_511 : i32 to index
        %get3A_513 = tpu.vector_load %arg9[%get3A_512] {strides = array<i32>} : memref<4096xi32, #tpu.memory_space<vmem>>, vector<16xi32>,
        %add3A_514 = arith.addi %add3A_507, %get3A_513 : vector<16xi32>
        %mul3A_515 = arith.constant 16 : i32
        %mul3A_516 = arith.muli %sub3A_430, %mul3A_515 : i32
        %add3A_517 = arith.constant 1536 : i32
        %add3A_518 = arith.addi %add3A_517, %mul3A_516 : i32
        %get3A_519 = arith.index_cast %add3A_518 : i32 to index
        %get3A_520 = tpu.vector_load %arg8[%get3A_519] {strides = array<i32>} : memref<4096xi32, #tpu.memory_space<vmem>>, vector<16xi32>,
        %add3A_521 = arith.addi %add3A_514, %get3A_520 : vector<16xi32>
        %mul3A_522 = arith.constant 16 : i32
        %mul3A_523 = arith.muli %sub3A_430, %mul3A_522 : i32
        %add3A_524 = arith.constant 1536 : i32
        %add3A_525 = arith.addi %add3A_524, %mul3A_523 : i32
        %get3A_526 = arith.index_cast %add3A_525 : i32 to index
        %get3A_527 = tpu.vector_load %arg9[%get3A_526] {strides = array<i32>} : memref<4096xi32, #tpu.memory_space<vmem>>, vector<16xi32>,
        %add3A_528 = arith.addi %add3A_521, %get3A_527 : vector<16xi32>
        %mul3A_529 = arith.constant 16 : i32
        %mul3A_530 = arith.muli %sub3A_430, %mul3A_529 : i32
        %add3A_531 = arith.constant 1792 : i32
        %add3A_532 = arith.addi %add3A_531, %mul3A_530 : i32
        %get3A_533 = arith.index_cast %add3A_532 : i32 to index
        %get3A_534 = tpu.vector_load %arg8[%get3A_533] {strides = array<i32>} : memref<4096xi32, #tpu.memory_space<vmem>>, vector<16xi32>,
        %add3A_535 = arith.addi %add3A_528, %get3A_534 : vector<16xi32>
        %mul3A_536 = arith.constant 16 : i32
        %mul3A_537 = arith.muli %sub3A_430, %mul3A_536 : i32
        %add3A_538 = arith.constant 1792 : i32
        %add3A_539 = arith.addi %add3A_538, %mul3A_537 : i32
        %get3A_540 = arith.index_cast %add3A_539 : i32 to index
        %get3A_541 = tpu.vector_load %arg9[%get3A_540] {strides = array<i32>} : memref<4096xi32, #tpu.memory_space<vmem>>, vector<16xi32>,
        %add3A_542 = arith.addi %add3A_535, %get3A_541 : vector<16xi32>
        %mul3A_543 = arith.constant 16 : i32
        %mul3A_544 = arith.muli %sub3A_430, %mul3A_543 : i32
        %add3A_545 = arith.constant 2048 : i32
        %add3A_546 = arith.addi %add3A_545, %mul3A_544 : i32
        %get3A_547 = arith.index_cast %add3A_546 : i32 to index
        %get3A_548 = tpu.vector_load %arg8[%get3A_547] {strides = array<i32>} : memref<4096xi32, #tpu.memory_space<vmem>>, vector<16xi32>,
        %add3A_549 = arith.addi %add3A_542, %get3A_548 : vector<16xi32>
        %mul3A_550 = arith.constant 16 : i32
        %mul3A_551 = arith.muli %sub3A_430, %mul3A_550 : i32
        %add3A_552 = arith.constant 2048 : i32
        %add3A_553 = arith.addi %add3A_552, %mul3A_551 : i32
        %get3A_554 = arith.index_cast %add3A_553 : i32 to index
        %get3A_555 = tpu.vector_load %arg9[%get3A_554] {strides = array<i32>} : memref<4096xi32, #tpu.memory_space<vmem>>, vector<16xi32>,
        %add3A_556 = arith.addi %add3A_549, %get3A_555 : vector<16xi32>
        %mul3A_557 = arith.constant 16 : i32
        %mul3A_558 = arith.muli %sub3A_430, %mul3A_557 : i32
        %add3A_559 = arith.constant 2304 : i32
        %add3A_560 = arith.addi %add3A_559, %mul3A_558 : i32
        %get3A_561 = arith.index_cast %add3A_560 : i32 to index
        %get3A_562 = tpu.vector_load %arg8[%get3A_561] {strides = array<i32>} : memref<4096xi32, #tpu.memory_space<vmem>>, vector<16xi32>,
        %add3A_563 = arith.addi %add3A_556, %get3A_562 : vector<16xi32>
        %mul3A_564 = arith.constant 16 : i32
        %mul3A_565 = arith.muli %sub3A_430, %mul3A_564 : i32
        %add3A_566 = arith.constant 2304 : i32
        %add3A_567 = arith.addi %add3A_566, %mul3A_565 : i32
        %get3A_568 = arith.index_cast %add3A_567 : i32 to index
        %get3A_569 = tpu.vector_load %arg9[%get3A_568] {strides = array<i32>} : memref<4096xi32, #tpu.memory_space<vmem>>, vector<16xi32>,
        %add3A_570 = arith.addi %add3A_563, %get3A_569 : vector<16xi32>
        %mul3A_571 = arith.constant 16 : i32
        %mul3A_572 = arith.muli %sub3A_430, %mul3A_571 : i32
        %add3A_573 = arith.constant 2560 : i32
        %add3A_574 = arith.addi %add3A_573, %mul3A_572 : i32
        %get3A_575 = arith.index_cast %add3A_574 : i32 to index
        %get3A_576 = tpu.vector_load %arg8[%get3A_575] {strides = array<i32>} : memref<4096xi32, #tpu.memory_space<vmem>>, vector<16xi32>,
        %add3A_577 = arith.addi %add3A_570, %get3A_576 : vector<16xi32>
        %mul3A_578 = arith.constant 16 : i32
        %mul3A_579 = arith.muli %sub3A_430, %mul3A_578 : i32
        %add3A_580 = arith.constant 2560 : i32
        %add3A_581 = arith.addi %add3A_580, %mul3A_579 : i32
        %get3A_582 = arith.index_cast %add3A_581 : i32 to index
        %get3A_583 = tpu.vector_load %arg9[%get3A_582] {strides = array<i32>} : memref<4096xi32, #tpu.memory_space<vmem>>, vector<16xi32>,
        %add3A_584 = arith.addi %add3A_577, %get3A_583 : vector<16xi32>
        %mul3A_585 = arith.constant 16 : i32
        %mul3A_586 = arith.muli %sub3A_430, %mul3A_585 : i32
        %add3A_587 = arith.constant 2816 : i32
        %add3A_588 = arith.addi %add3A_587, %mul3A_586 : i32
        %get3A_589 = arith.index_cast %add3A_588 : i32 to index
        %get3A_590 = tpu.vector_load %arg8[%get3A_589] {strides = array<i32>} : memref<4096xi32, #tpu.memory_space<vmem>>, vector<16xi32>,
        %add3A_591 = arith.addi %add3A_584, %get3A_590 : vector<16xi32>
        %mul3A_592 = arith.constant 16 : i32
        %mul3A_593 = arith.muli %sub3A_430, %mul3A_592 : i32
        %add3A_594 = arith.constant 2816 : i32
        %add3A_595 = arith.addi %add3A_594, %mul3A_593 : i32
        %get3A_596 = arith.index_cast %add3A_595 : i32 to index
        %get3A_597 = tpu.vector_load %arg9[%get3A_596] {strides = array<i32>} : memref<4096xi32, #tpu.memory_space<vmem>>, vector<16xi32>,
        %add3A_598 = arith.addi %add3A_591, %get3A_597 : vector<16xi32>
        %mul3A_599 = arith.constant 16 : i32
        %mul3A_600 = arith.muli %sub3A_430, %mul3A_599 : i32
        %add3A_601 = arith.constant 3072 : i32
        %add3A_602 = arith.addi %add3A_601, %mul3A_600 : i32
        %get3A_603 = arith.index_cast %add3A_602 : i32 to index
        %get3A_604 = tpu.vector_load %arg8[%get3A_603] {strides = array<i32>} : memref<4096xi32, #tpu.memory_space<vmem>>, vector<16xi32>,
        %add3A_605 = arith.addi %add3A_598, %get3A_604 : vector<16xi32>
        %mul3A_606 = arith.constant 16 : i32
        %mul3A_607 = arith.muli %sub3A_430, %mul3A_606 : i32
        %add3A_608 = arith.constant 3072 : i32
        %add3A_609 = arith.addi %add3A_608, %mul3A_607 : i32
        %get3A_610 = arith.index_cast %add3A_609 : i32 to index
        %get3A_611 = tpu.vector_load %arg9[%get3A_610] {strides = array<i32>} : memref<4096xi32, #tpu.memory_space<vmem>>, vector<16xi32>,
        %add3A_612 = arith.addi %add3A_605, %get3A_611 : vector<16xi32>
        %mul3A_613 = arith.constant 16 : i32
        %mul3A_614 = arith.muli %sub3A_430, %mul3A_613 : i32
        %add3A_615 = arith.constant 3328 : i32
        %add3A_616 = arith.addi %add3A_615, %mul3A_614 : i32
        %get3A_617 = arith.index_cast %add3A_616 : i32 to index
        %get3A_618 = tpu.vector_load %arg8[%get3A_617] {strides = array<i32>} : memref<4096xi32, #tpu.memory_space<vmem>>, vector<16xi32>,
        %add3A_619 = arith.addi %add3A_612, %get3A_618 : vector<16xi32>
        %mul3A_620 = arith.constant 16 : i32
        %mul3A_621 = arith.muli %sub3A_430, %mul3A_620 : i32
        %add3A_622 = arith.constant 3328 : i32
        %add3A_623 = arith.addi %add3A_622, %mul3A_621 : i32
        %get3A_624 = arith.index_cast %add3A_623 : i32 to index
        %get3A_625 = tpu.vector_load %arg9[%get3A_624] {strides = array<i32>} : memref<4096xi32, #tpu.memory_space<vmem>>, vector<16xi32>,
        %add3A_626 = arith.addi %add3A_619, %get3A_625 : vector<16xi32>
        %mul3A_627 = arith.constant 16 : i32
        %mul3A_628 = arith.muli %sub3A_430, %mul3A_627 : i32
        %add3A_629 = arith.constant 3584 : i32
        %add3A_630 = arith.addi %add3A_629, %mul3A_628 : i32
        %get3A_631 = arith.index_cast %add3A_630 : i32 to index
        %get3A_632 = tpu.vector_load %arg8[%get3A_631] {strides = array<i32>} : memref<4096xi32, #tpu.memory_space<vmem>>, vector<16xi32>,
        %add3A_633 = arith.addi %add3A_626, %get3A_632 : vector<16xi32>
        %mul3A_634 = arith.constant 16 : i32
        %mul3A_635 = arith.muli %sub3A_430, %mul3A_634 : i32
        %add3A_636 = arith.constant 3584 : i32
        %add3A_637 = arith.addi %add3A_636, %mul3A_635 : i32
        %get3A_638 = arith.index_cast %add3A_637 : i32 to index
        %get3A_639 = tpu.vector_load %arg9[%get3A_638] {strides = array<i32>} : memref<4096xi32, #tpu.memory_space<vmem>>, vector<16xi32>,
        %add3A_640 = arith.addi %add3A_633, %get3A_639 : vector<16xi32>
        %mul3A_641 = arith.constant 16 : i32
        %mul3A_642 = arith.muli %sub3A_430, %mul3A_641 : i32
        %add3A_643 = arith.constant 3840 : i32
        %add3A_644 = arith.addi %add3A_643, %mul3A_642 : i32
        %get3A_645 = arith.index_cast %add3A_644 : i32 to index
        %get3A_646 = tpu.vector_load %arg8[%get3A_645] {strides = array<i32>} : memref<4096xi32, #tpu.memory_space<vmem>>, vector<16xi32>,
        %add3A_647 = arith.addi %add3A_640, %get3A_646 : vector<16xi32>
        %mul3A_648 = arith.constant 16 : i32
        %mul3A_649 = arith.muli %sub3A_430, %mul3A_648 : i32
        %add3A_650 = arith.constant 3840 : i32
        %add3A_651 = arith.addi %add3A_650, %mul3A_649 : i32
        %get3A_652 = arith.index_cast %add3A_651 : i32 to index
        %get3A_653 = tpu.vector_load %arg9[%get3A_652] {strides = array<i32>} : memref<4096xi32, #tpu.memory_space<vmem>>, vector<16xi32>,
        %add3A_654 = arith.addi %add3A_647, %get3A_653 : vector<16xi32>
        %rev3A = arith.constant 15 : i32
        %rev3A_655 = vector.broadcast %rev3A : i32 to vector<16xi32>
        %rev3A_656 = tpu.iota {dimensions = array<i32: 0>} : vector<16xi32>
        %rev3A_657 = arith.subi %rev3A_655, %rev3A_656 : vector<16xi32>
        %rev3A_658 = tpu.dynamic_gather %add3A_654[%rev3A_657] in [0] : vector<16xi32>, vector<16xi32> -> vector<16xi32>
        %broadcast_in_dim3A_659 = arith.constant true
        %broadcast_in_dim3A_660 = vector.broadcast %broadcast_in_dim3A_659 : i1 to vector<16xi1>
        %masked_cumsum3A_661 = tpu.scan <sum>, %rev3A_658 masked %broadcast_in_dim3A_660 : vector<16xi32>, vector<16xi1> -> vector<16xi32>
        %add3A_662 = vector.broadcast %scan3A_428 : i32 to vector<16xi32>
        %add3A_663 = arith.addi %masked_cumsum3A_661, %add3A_662 : vector<16xi32>
        %ge3A = arith.constant 64 : i32
        %ge3A_664 = vector.broadcast %ge3A : i32 to vector<16xi32>
        %ge3A_665 = arith.cmpi sge, %add3A_663, %ge3A_664 : vector<16xi32>
        %convert_element_type3A_666 = arith.extui %ge3A_665 : vector<16xi1> to vector<16xi32>
        %reduce_sum3A_667 = arith.constant true
        %reduce_sum3A_668 = vector.broadcast %reduce_sum3A_667 : i1 to vector<16xi1>
        %reduce_sum3A_669 = tpu.scan <sum>, %convert_element_type3A_666 masked %reduce_sum3A_668 : vector<16xi32>, vector<16xi1> -> vector<16xi32>
        %reduce_sum3A_670 = vector.extract %reduce_sum3A_669[15] : i32 from vector<16xi32>
        %sub3A_671 = arith.constant 16 : i32
        %sub3A_672 = arith.subi %sub3A_671, %reduce_sum3A_670 : i32
        %jit3A_673 = arith.constant 1073741824 : i32
        %broadcast_in_dim3A_674 = vector.broadcast %jit3A_673 : i32 to vector<16xi32>
        %select_n3A_675 = arith.select %ge3A_665, %add3A_663, %broadcast_in_dim3A_674 : vector<16xi1>, vector<16xi32>
        %reduce_min3A_676 = arith.constant true
        %reduce_min3A_677 = vector.broadcast %reduce_min3A_676 : i1 to vector<16xi1>
        %reduce_min3A_678 = arith.constant -2147483648 : i32
        %reduce_min3A_679 = vector.broadcast %reduce_min3A_678 : i32 to vector<16xi32>
        %reduce_min3A_680 = arith.xori %select_n3A_675, %reduce_min3A_679 : vector<16xi32>
        %reduce_min3A_681 = tpu.scan <min>, %reduce_min3A_680 masked %reduce_min3A_677 : vector<16xi32>, vector<16xi1> -> vector<16xi32>
        %reduce_min3A_682 = arith.xori %reduce_min3A_681, %reduce_min3A_679 : vector<16xi32>
        %reduce_min3A_683 = vector.extract %reduce_min3A_682[15] : i32 from vector<16xi32>
        %jit3A_684 = arith.constant -1073741824 : i32
        %broadcast_in_dim3A_685 = vector.broadcast %jit3A_684 : i32 to vector<16xi32>
        %select_n3A_686 = arith.select %ge3A_665, %broadcast_in_dim3A_685, %add3A_663 : vector<16xi1>, vector<16xi32>
        %reduce_max3A_687 = arith.constant true
        %reduce_max3A_688 = vector.broadcast %reduce_max3A_687 : i1 to vector<16xi1>
        %reduce_max3A_689 = arith.constant -2147483648 : i32
        %reduce_max3A_690 = vector.broadcast %reduce_max3A_689 : i32 to vector<16xi32>
        %reduce_max3A_691 = arith.xori %select_n3A_686, %reduce_max3A_690 : vector<16xi32>
        %reduce_max3A_692 = tpu.scan <max>, %reduce_max3A_691 masked %reduce_max3A_688 : vector<16xi32>, vector<16xi1> -> vector<16xi32>
        %reduce_max3A_693 = arith.xori %reduce_max3A_692, %reduce_max3A_690 : vector<16xi32>
        %reduce_max3A_694 = vector.extract %reduce_max3A_693[15] : i32 from vector<16xi32>
        %max3A_695 = arith.maxsi %reduce_max3A_694, %scan3A_428 : i32
        %not3A = arith.constant true
        %not3A_696 = arith.xori %scan3A_424, %not3A : i1
        %gt3A_697 = arith.constant 0 : i32
        %gt3A_698 = arith.cmpi sgt, %reduce_sum3A_670, %gt3A_697 : i32
        %and3A_699 = arith.andi %not3A_696, %gt3A_698 : i1
        %gt3A_700 = arith.constant 0 : i32
        %gt3A_701 = arith.cmpi sgt, %reduce_sum3A_670, %gt3A_700 : i32
        %or3A_702 = arith.ori %scan3A_424, %gt3A_701 : i1
        %mul3A_703 = arith.constant 16 : i32
        %mul3A_704 = arith.muli %sub3A_430, %mul3A_703 : i32
        %add3A_705 = arith.constant 15 : i32
        %add3A_706 = arith.addi %mul3A_704, %add3A_705 : i32
        %sub3A_707 = arith.subi %add3A_706, %sub3A_672 : i32
        %select_n3A_708 = arith.select %and3A_699, %sub3A_707, %scan3A_425 : i32
        %select_n3A_709 = arith.select %and3A_699, %max3A_695, %scan3A_426 : i32
        %sub3A_710 = arith.subi %reduce_min3A_683, %max3A_695 : i32
        %select_n3A_711 = arith.select %and3A_699, %sub3A_710, %scan3A_427 : i32
        %reduce_sum3A_712 = arith.constant true
        %reduce_sum3A_713 = vector.broadcast %reduce_sum3A_712 : i1 to vector<16xi1>
        %reduce_sum3A_714 = tpu.scan <sum>, %rev3A_658 masked %reduce_sum3A_713 : vector<16xi32>, vector<16xi1> -> vector<16xi32>
        %reduce_sum3A_715 = vector.extract %reduce_sum3A_714[15] : i32 from vector<16xi32>
        %add3A_716 = arith.addi %scan3A_428, %reduce_sum3A_715 : i32
        scf.yield %or3A_702, %select_n3A_708, %select_n3A_709, %select_n3A_711, %add3A_716 : i1, i32, i32, i32, i32
      }
      %scan3A_138 = arith.constant 16 : i32
      %broadcast_in_dim3A_139 = vector.broadcast %scan3A_137#1 : i32 to vector<16xi32>
      %convert_element_type3A_140 = arith.sitofp %broadcast_in_dim3A_139 : vector<16xi32> to vector<16xf32>
      %sub3A_141 = arith.constant 2.000000e+00 : f32
      %sub3A_142 = vector.broadcast %sub3A_141 : f32 to vector<16xf32>
      %sub3A_143 = arith.subf %convert_element_type3A_140, %sub3A_142 : vector<16xf32>
      %div3A_144 = arith.divf %sub3A_143, %div3A : vector<16xf32>
      %add3A_145 = vector.broadcast %neg3A_112 : f32 to vector<16xf32>
      %add3A_146 = arith.addf %add3A_145, %div3A_144 : vector<16xf32>
      %broadcast_in_dim3A_147 = vector.broadcast %scan3A_137#1 : i32 to vector<16xi32>
      %add3A_148 = arith.addi %mul3A_10, %broadcast_in_dim3A_147 : vector<16xi32>
      %scan3A_149 = arith.constant 0 : i32
      %scan3A_150 = arith.constant 0 : i32
      %scan3A_151 = arith.constant 0 : i32
      %scan3A_152 = arith.constant 625 : i32
      %scan3A_153 = arith.addi %scan3A_151, %scan3A_152 : i32
      %scan3A_154 = arith.constant 1 : i32
      %scan3A_155:2 = scf.for %scan3A_423 = %scan3A_151 to %scan3A_153 step %scan3A_154 iter_args(%scan3A_424 = %scan3A_149, %scan3A_425 = %scan3A_150) -> (i32, i32)  : i32 {
        %mul3A_426 = arith.constant 16 : i32
        %mul3A_427 = arith.muli %scan3A_423, %mul3A_426 : i32
        %get3A_428 = arith.index_cast %mul3A_427 : i32 to index
        %get3A_429 = tpu.vector_load %arg10[%get3A_428] {strides = array<i32>} : memref<10000xf32, #tpu.memory_space<vmem>>, vector<16xf32>,
        %ge3A = arith.cmpf oge, %get3A_429, %add3A_146 : vector<16xf32>
        %reduce_or3A = arith.constant 1.000000e+00 : f32
        %reduce_or3A_430 = arith.constant 0.000000e+00 : f32
        %reduce_or3A_431 = vector.broadcast %reduce_or3A : f32 to vector<16xf32>
        %reduce_or3A_432 = vector.broadcast %reduce_or3A_430 : f32 to vector<16xf32>
        %reduce_or3A_433 = arith.select %ge3A, %reduce_or3A_431, %reduce_or3A_432 : vector<16xi1>, vector<16xf32>
        %reduce_or3A_434 = arith.constant true
        %reduce_or3A_435 = vector.broadcast %reduce_or3A_434 : i1 to vector<16xi1>
        %reduce_or3A_436 = tpu.scan <max>, %reduce_or3A_433 masked %reduce_or3A_435 : vector<16xf32>, vector<16xi1> -> vector<16xf32>
        %reduce_or3A_437 = vector.extract %reduce_or3A_436[15] : f32 from vector<16xf32>
        %reduce_or3A_438 = arith.constant 0.000000e+00 : f32
        %reduce_or3A_439 = arith.cmpf ogt, %reduce_or3A_437, %reduce_or3A_438 : f32
        %convert_element_type3A_440 = arith.extui %reduce_or3A_439 : i1 to i32
        %cond3A_441 = arith.constant 0 : i32
        %cond3A_442 = arith.cmpi ne, %convert_element_type3A_440, %cond3A_441 : i32
        %cond3A_443:2 = scf.if %cond3A_442 -> (i32, i32) {
          %mul3A_444 = arith.constant 10 : i32
          %mul3A_445 = arith.muli %scan3A_423, %mul3A_444 : i32
          %add3A_446 = arith.constant 0 : i32
          %add3A_447 = arith.addi %mul3A_445, %add3A_446 : i32
          %mul3A_448 = arith.constant 16 : i32
          %mul3A_449 = arith.muli %add3A_447, %mul3A_448 : i32
          %get3A_450 = arith.index_cast %mul3A_449 : i32 to index
          %get3A_451 = tpu.vector_load %arg7[%get3A_450] {strides = array<i32>} : memref<100000xf32, #tpu.memory_space<vmem>>, vector<16xf32>,
          %mul3A_452 = arith.mulf %get3A_451, %div3A : vector<16xf32>
          %add3A_453 = arith.addf %mul3A_452, %sub3A_122 : vector<16xf32>
          %convert_element_type3A_454 = arith.fptosi %add3A_453 : vector<16xf32> to vector<16xi32>
          %max3A_455 = arith.maxsi %convert_element_type3A_454, %mul3A_10 : vector<16xi32>
          %min3A_456 = arith.minsi %max3A_455, %add3A_125 : vector<16xi32>
          %gt3A_457 = arith.cmpi sgt, %min3A_456, %add3A_148 : vector<16xi32>
          %lt3A_458 = arith.constant 240 : i32
          %lt3A_459 = arith.cmpi slt, %scan3A_424, %lt3A_458 : i32
          %and3A_460 = vector.broadcast %lt3A_459 : i1 to vector<16xi1>
          %and3A_461 = arith.andi %gt3A_457, %and3A_460 : vector<16xi1>
          %eq3A_462 = arith.cmpi eq, %min3A_456, %add3A_148 : vector<16xi32>
          %lt3A_463 = arith.constant 192 : i32
          %lt3A_464 = arith.cmpi slt, %scan3A_425, %lt3A_463 : i32
          %and3A_465 = vector.broadcast %lt3A_464 : i1 to vector<16xi1>
          %and3A_466 = arith.andi %eq3A_462, %and3A_465 : vector<16xi1>
          %convert_element_type3A_467 = arith.extui %and3A_461 : vector<16xi1> to vector<16xi32>
          %reduce_sum3A_468 = arith.constant true
          %reduce_sum3A_469 = vector.broadcast %reduce_sum3A_468 : i1 to vector<16xi1>
          %reduce_sum3A_470 = tpu.scan <sum>, %convert_element_type3A_467 masked %reduce_sum3A_469 : vector<16xi32>, vector<16xi1> -> vector<16xi32>
          %reduce_sum3A_471 = vector.extract %reduce_sum3A_470[15] : i32 from vector<16xi32>
          %convert_element_type3A_472 = arith.extui %and3A_466 : vector<16xi1> to vector<16xi32>
          %reduce_sum3A_473 = arith.constant true
          %reduce_sum3A_474 = vector.broadcast %reduce_sum3A_473 : i1 to vector<16xi1>
          %reduce_sum3A_475 = tpu.scan <sum>, %convert_element_type3A_472 masked %reduce_sum3A_474 : vector<16xi32>, vector<16xi1> -> vector<16xi32>
          %reduce_sum3A_476 = vector.extract %reduce_sum3A_475[15] : i32 from vector<16xi32>
          %add3A_477 = arith.addi %reduce_sum3A_471, %reduce_sum3A_476 : i32
          %gt3A_478 = arith.constant 0 : i32
          %gt3A_479 = arith.cmpi sgt, %add3A_477, %gt3A_478 : i32
          %convert_element_type3A_480 = arith.extui %gt3A_479 : i1 to i32
          %cond3A_481 = arith.constant 0 : i32
          %cond3A_482 = arith.cmpi ne, %convert_element_type3A_480, %cond3A_481 : i32
          scf.if %cond3A_482 {
            %mul3A_854 = arith.constant 16 : i32
            %mul3A_855 = arith.muli %add3A_447, %mul3A_854 : i32
            %add3A_856 = vector.broadcast %mul3A_855 : i32 to vector<16xi32>
            %add3A_857 = arith.addi %add3A_856, %iota3A : vector<16xi32>
            %swap3A_858 = arith.index_cast %scan3A_424 : i32 to index
            %swap3A_859 = tpu.vector_load %arg11[%swap3A_858] masked %and3A_461 {strides = array<i32>} : memref<464xf32, #tpu.memory_space<vmem>>, vector<16xf32>, vector<16xi1>
            tpu.vector_store %arg11[%swap3A_858], %get3A_451 masked %and3A_461 {strides = array<i32>} : memref<464xf32, #tpu.memory_space<vmem>>, vector<16xf32>, vector<16xi1>
            %swap3A_860 = arith.index_cast %scan3A_424 : i32 to index
            %swap3A_861 = tpu.vector_load %arg12[%swap3A_860] masked %and3A_461 {strides = array<i32>} : memref<464xi32, #tpu.memory_space<vmem>>, vector<16xi32>, vector<16xi1>
            tpu.vector_store %arg12[%swap3A_860], %add3A_857 masked %and3A_461 {strides = array<i32>} : memref<464xi32, #tpu.memory_space<vmem>>, vector<16xi32>, vector<16xi1>
            %add3A_862 = arith.constant 256 : i32
            %add3A_863 = arith.addi %add3A_862, %scan3A_425 : i32
            %swap3A_864 = arith.index_cast %add3A_863 : i32 to index
            %swap3A_865 = tpu.vector_load %arg11[%swap3A_864] masked %and3A_466 {strides = array<i32>} : memref<464xf32, #tpu.memory_space<vmem>>, vector<16xf32>, vector<16xi1>
            tpu.vector_store %arg11[%swap3A_864], %get3A_451 masked %and3A_466 {strides = array<i32>} : memref<464xf32, #tpu.memory_space<vmem>>, vector<16xf32>, vector<16xi1>
            %add3A_866 = arith.constant 256 : i32
            %add3A_867 = arith.addi %add3A_866, %scan3A_425 : i32
            %swap3A_868 = arith.index_cast %add3A_867 : i32 to index
            %swap3A_869 = tpu.vector_load %arg12[%swap3A_868] masked %and3A_466 {strides = array<i32>} : memref<464xi32, #tpu.memory_space<vmem>>, vector<16xi32>, vector<16xi1>
            tpu.vector_store %arg12[%swap3A_868], %add3A_857 masked %and3A_466 {strides = array<i32>} : memref<464xi32, #tpu.memory_space<vmem>>, vector<16xi32>, vector<16xi1>
          } else {
          }
          %add3A_483 = arith.addi %scan3A_424, %reduce_sum3A_471 : i32
          %add3A_484 = arith.addi %scan3A_425, %reduce_sum3A_476 : i32
          %mul3A_485 = arith.constant 10 : i32
          %mul3A_486 = arith.muli %scan3A_423, %mul3A_485 : i32
          %add3A_487 = arith.constant 1 : i32
          %add3A_488 = arith.addi %mul3A_486, %add3A_487 : i32
          %mul3A_489 = arith.constant 16 : i32
          %mul3A_490 = arith.muli %add3A_488, %mul3A_489 : i32
          %get3A_491 = arith.index_cast %mul3A_490 : i32 to index
          %get3A_492 = tpu.vector_load %arg7[%get3A_491] {strides = array<i32>} : memref<100000xf32, #tpu.memory_space<vmem>>, vector<16xf32>,
          %mul3A_493 = arith.mulf %get3A_492, %div3A : vector<16xf32>
          %add3A_494 = arith.addf %mul3A_493, %sub3A_122 : vector<16xf32>
          %convert_element_type3A_495 = arith.fptosi %add3A_494 : vector<16xf32> to vector<16xi32>
          %max3A_496 = arith.maxsi %convert_element_type3A_495, %mul3A_10 : vector<16xi32>
          %min3A_497 = arith.minsi %max3A_496, %add3A_125 : vector<16xi32>
          %gt3A_498 = arith.cmpi sgt, %min3A_497, %add3A_148 : vector<16xi32>
          %lt3A_499 = arith.constant 240 : i32
          %lt3A_500 = arith.cmpi slt, %add3A_483, %lt3A_499 : i32
          %and3A_501 = vector.broadcast %lt3A_500 : i1 to vector<16xi1>
          %and3A_502 = arith.andi %gt3A_498, %and3A_501 : vector<16xi1>
          %eq3A_503 = arith.cmpi eq, %min3A_497, %add3A_148 : vector<16xi32>
          %lt3A_504 = arith.constant 192 : i32
          %lt3A_505 = arith.cmpi slt, %add3A_484, %lt3A_504 : i32
          %and3A_506 = vector.broadcast %lt3A_505 : i1 to vector<16xi1>
          %and3A_507 = arith.andi %eq3A_503, %and3A_506 : vector<16xi1>
          %convert_element_type3A_508 = arith.extui %and3A_502 : vector<16xi1> to vector<16xi32>
          %reduce_sum3A_509 = arith.constant true
          %reduce_sum3A_510 = vector.broadcast %reduce_sum3A_509 : i1 to vector<16xi1>
          %reduce_sum3A_511 = tpu.scan <sum>, %convert_element_type3A_508 masked %reduce_sum3A_510 : vector<16xi32>, vector<16xi1> -> vector<16xi32>
          %reduce_sum3A_512 = vector.extract %reduce_sum3A_511[15] : i32 from vector<16xi32>
          %convert_element_type3A_513 = arith.extui %and3A_507 : vector<16xi1> to vector<16xi32>
          %reduce_sum3A_514 = arith.constant true
          %reduce_sum3A_515 = vector.broadcast %reduce_sum3A_514 : i1 to vector<16xi1>
          %reduce_sum3A_516 = tpu.scan <sum>, %convert_element_type3A_513 masked %reduce_sum3A_515 : vector<16xi32>, vector<16xi1> -> vector<16xi32>
          %reduce_sum3A_517 = vector.extract %reduce_sum3A_516[15] : i32 from vector<16xi32>
          %add3A_518 = arith.addi %reduce_sum3A_512, %reduce_sum3A_517 : i32
          %gt3A_519 = arith.constant 0 : i32
          %gt3A_520 = arith.cmpi sgt, %add3A_518, %gt3A_519 : i32
          %convert_element_type3A_521 = arith.extui %gt3A_520 : i1 to i32
          %cond3A_522 = arith.constant 0 : i32
          %cond3A_523 = arith.cmpi ne, %convert_element_type3A_521, %cond3A_522 : i32
          scf.if %cond3A_523 {
            %mul3A_854 = arith.constant 16 : i32
            %mul3A_855 = arith.muli %add3A_488, %mul3A_854 : i32
            %add3A_856 = vector.broadcast %mul3A_855 : i32 to vector<16xi32>
            %add3A_857 = arith.addi %add3A_856, %iota3A : vector<16xi32>
            %swap3A_858 = arith.index_cast %add3A_483 : i32 to index
            %swap3A_859 = tpu.vector_load %arg11[%swap3A_858] masked %and3A_502 {strides = array<i32>} : memref<464xf32, #tpu.memory_space<vmem>>, vector<16xf32>, vector<16xi1>
            tpu.vector_store %arg11[%swap3A_858], %get3A_492 masked %and3A_502 {strides = array<i32>} : memref<464xf32, #tpu.memory_space<vmem>>, vector<16xf32>, vector<16xi1>
            %swap3A_860 = arith.index_cast %add3A_483 : i32 to index
            %swap3A_861 = tpu.vector_load %arg12[%swap3A_860] masked %and3A_502 {strides = array<i32>} : memref<464xi32, #tpu.memory_space<vmem>>, vector<16xi32>, vector<16xi1>
            tpu.vector_store %arg12[%swap3A_860], %add3A_857 masked %and3A_502 {strides = array<i32>} : memref<464xi32, #tpu.memory_space<vmem>>, vector<16xi32>, vector<16xi1>
            %add3A_862 = arith.constant 256 : i32
            %add3A_863 = arith.addi %add3A_862, %add3A_484 : i32
            %swap3A_864 = arith.index_cast %add3A_863 : i32 to index
            %swap3A_865 = tpu.vector_load %arg11[%swap3A_864] masked %and3A_507 {strides = array<i32>} : memref<464xf32, #tpu.memory_space<vmem>>, vector<16xf32>, vector<16xi1>
            tpu.vector_store %arg11[%swap3A_864], %get3A_492 masked %and3A_507 {strides = array<i32>} : memref<464xf32, #tpu.memory_space<vmem>>, vector<16xf32>, vector<16xi1>
            %add3A_866 = arith.constant 256 : i32
            %add3A_867 = arith.addi %add3A_866, %add3A_484 : i32
            %swap3A_868 = arith.index_cast %add3A_867 : i32 to index
            %swap3A_869 = tpu.vector_load %arg12[%swap3A_868] masked %and3A_507 {strides = array<i32>} : memref<464xi32, #tpu.memory_space<vmem>>, vector<16xi32>, vector<16xi1>
            tpu.vector_store %arg12[%swap3A_868], %add3A_857 masked %and3A_507 {strides = array<i32>} : memref<464xi32, #tpu.memory_space<vmem>>, vector<16xi32>, vector<16xi1>
          } else {
          }
          %add3A_524 = arith.addi %add3A_483, %reduce_sum3A_512 : i32
          %add3A_525 = arith.addi %add3A_484, %reduce_sum3A_517 : i32
          %mul3A_526 = arith.constant 10 : i32
          %mul3A_527 = arith.muli %scan3A_423, %mul3A_526 : i32
          %add3A_528 = arith.constant 2 : i32
          %add3A_529 = arith.addi %mul3A_527, %add3A_528 : i32
          %mul3A_530 = arith.constant 16 : i32
          %mul3A_531 = arith.muli %add3A_529, %mul3A_530 : i32
          %get3A_532 = arith.index_cast %mul3A_531 : i32 to index
          %get3A_533 = tpu.vector_load %arg7[%get3A_532] {strides = array<i32>} : memref<100000xf32, #tpu.memory_space<vmem>>, vector<16xf32>,
          %mul3A_534 = arith.mulf %get3A_533, %div3A : vector<16xf32>
          %add3A_535 = arith.addf %mul3A_534, %sub3A_122 : vector<16xf32>
          %convert_element_type3A_536 = arith.fptosi %add3A_535 : vector<16xf32> to vector<16xi32>
          %max3A_537 = arith.maxsi %convert_element_type3A_536, %mul3A_10 : vector<16xi32>
          %min3A_538 = arith.minsi %max3A_537, %add3A_125 : vector<16xi32>
          %gt3A_539 = arith.cmpi sgt, %min3A_538, %add3A_148 : vector<16xi32>
          %lt3A_540 = arith.constant 240 : i32
          %lt3A_541 = arith.cmpi slt, %add3A_524, %lt3A_540 : i32
          %and3A_542 = vector.broadcast %lt3A_541 : i1 to vector<16xi1>
          %and3A_543 = arith.andi %gt3A_539, %and3A_542 : vector<16xi1>
          %eq3A_544 = arith.cmpi eq, %min3A_538, %add3A_148 : vector<16xi32>
          %lt3A_545 = arith.constant 192 : i32
          %lt3A_546 = arith.cmpi slt, %add3A_525, %lt3A_545 : i32
          %and3A_547 = vector.broadcast %lt3A_546 : i1 to vector<16xi1>
          %and3A_548 = arith.andi %eq3A_544, %and3A_547 : vector<16xi1>
          %convert_element_type3A_549 = arith.extui %and3A_543 : vector<16xi1> to vector<16xi32>
          %reduce_sum3A_550 = arith.constant true
          %reduce_sum3A_551 = vector.broadcast %reduce_sum3A_550 : i1 to vector<16xi1>
          %reduce_sum3A_552 = tpu.scan <sum>, %convert_element_type3A_549 masked %reduce_sum3A_551 : vector<16xi32>, vector<16xi1> -> vector<16xi32>
          %reduce_sum3A_553 = vector.extract %reduce_sum3A_552[15] : i32 from vector<16xi32>
          %convert_element_type3A_554 = arith.extui %and3A_548 : vector<16xi1> to vector<16xi32>
          %reduce_sum3A_555 = arith.constant true
          %reduce_sum3A_556 = vector.broadcast %reduce_sum3A_555 : i1 to vector<16xi1>
          %reduce_sum3A_557 = tpu.scan <sum>, %convert_element_type3A_554 masked %reduce_sum3A_556 : vector<16xi32>, vector<16xi1> -> vector<16xi32>
          %reduce_sum3A_558 = vector.extract %reduce_sum3A_557[15] : i32 from vector<16xi32>
          %add3A_559 = arith.addi %reduce_sum3A_553, %reduce_sum3A_558 : i32
          %gt3A_560 = arith.constant 0 : i32
          %gt3A_561 = arith.cmpi sgt, %add3A_559, %gt3A_560 : i32
          %convert_element_type3A_562 = arith.extui %gt3A_561 : i1 to i32
          %cond3A_563 = arith.constant 0 : i32
          %cond3A_564 = arith.cmpi ne, %convert_element_type3A_562, %cond3A_563 : i32
          scf.if %cond3A_564 {
            %mul3A_854 = arith.constant 16 : i32
            %mul3A_855 = arith.muli %add3A_529, %mul3A_854 : i32
            %add3A_856 = vector.broadcast %mul3A_855 : i32 to vector<16xi32>
            %add3A_857 = arith.addi %add3A_856, %iota3A : vector<16xi32>
            %swap3A_858 = arith.index_cast %add3A_524 : i32 to index
            %swap3A_859 = tpu.vector_load %arg11[%swap3A_858] masked %and3A_543 {strides = array<i32>} : memref<464xf32, #tpu.memory_space<vmem>>, vector<16xf32>, vector<16xi1>
            tpu.vector_store %arg11[%swap3A_858], %get3A_533 masked %and3A_543 {strides = array<i32>} : memref<464xf32, #tpu.memory_space<vmem>>, vector<16xf32>, vector<16xi1>
            %swap3A_860 = arith.index_cast %add3A_524 : i32 to index
            %swap3A_861 = tpu.vector_load %arg12[%swap3A_860] masked %and3A_543 {strides = array<i32>} : memref<464xi32, #tpu.memory_space<vmem>>, vector<16xi32>, vector<16xi1>
            tpu.vector_store %arg12[%swap3A_860], %add3A_857 masked %and3A_543 {strides = array<i32>} : memref<464xi32, #tpu.memory_space<vmem>>, vector<16xi32>, vector<16xi1>
            %add3A_862 = arith.constant 256 : i32
            %add3A_863 = arith.addi %add3A_862, %add3A_525 : i32
            %swap3A_864 = arith.index_cast %add3A_863 : i32 to index
            %swap3A_865 = tpu.vector_load %arg11[%swap3A_864] masked %and3A_548 {strides = array<i32>} : memref<464xf32, #tpu.memory_space<vmem>>, vector<16xf32>, vector<16xi1>
            tpu.vector_store %arg11[%swap3A_864], %get3A_533 masked %and3A_548 {strides = array<i32>} : memref<464xf32, #tpu.memory_space<vmem>>, vector<16xf32>, vector<16xi1>
            %add3A_866 = arith.constant 256 : i32
            %add3A_867 = arith.addi %add3A_866, %add3A_525 : i32
            %swap3A_868 = arith.index_cast %add3A_867 : i32 to index
            %swap3A_869 = tpu.vector_load %arg12[%swap3A_868] masked %and3A_548 {strides = array<i32>} : memref<464xi32, #tpu.memory_space<vmem>>, vector<16xi32>, vector<16xi1>
            tpu.vector_store %arg12[%swap3A_868], %add3A_857 masked %and3A_548 {strides = array<i32>} : memref<464xi32, #tpu.memory_space<vmem>>, vector<16xi32>, vector<16xi1>
          } else {
          }
          %add3A_565 = arith.addi %add3A_524, %reduce_sum3A_553 : i32
          %add3A_566 = arith.addi %add3A_525, %reduce_sum3A_558 : i32
          %mul3A_567 = arith.constant 10 : i32
          %mul3A_568 = arith.muli %scan3A_423, %mul3A_567 : i32
          %add3A_569 = arith.constant 3 : i32
          %add3A_570 = arith.addi %mul3A_568, %add3A_569 : i32
          %mul3A_571 = arith.constant 16 : i32
          %mul3A_572 = arith.muli %add3A_570, %mul3A_571 : i32
          %get3A_573 = arith.index_cast %mul3A_572 : i32 to index
          %get3A_574 = tpu.vector_load %arg7[%get3A_573] {strides = array<i32>} : memref<100000xf32, #tpu.memory_space<vmem>>, vector<16xf32>,
          %mul3A_575 = arith.mulf %get3A_574, %div3A : vector<16xf32>
          %add3A_576 = arith.addf %mul3A_575, %sub3A_122 : vector<16xf32>
          %convert_element_type3A_577 = arith.fptosi %add3A_576 : vector<16xf32> to vector<16xi32>
          %max3A_578 = arith.maxsi %convert_element_type3A_577, %mul3A_10 : vector<16xi32>
          %min3A_579 = arith.minsi %max3A_578, %add3A_125 : vector<16xi32>
          %gt3A_580 = arith.cmpi sgt, %min3A_579, %add3A_148 : vector<16xi32>
          %lt3A_581 = arith.constant 240 : i32
          %lt3A_582 = arith.cmpi slt, %add3A_565, %lt3A_581 : i32
          %and3A_583 = vector.broadcast %lt3A_582 : i1 to vector<16xi1>
          %and3A_584 = arith.andi %gt3A_580, %and3A_583 : vector<16xi1>
          %eq3A_585 = arith.cmpi eq, %min3A_579, %add3A_148 : vector<16xi32>
          %lt3A_586 = arith.constant 192 : i32
          %lt3A_587 = arith.cmpi slt, %add3A_566, %lt3A_586 : i32
          %and3A_588 = vector.broadcast %lt3A_587 : i1 to vector<16xi1>
          %and3A_589 = arith.andi %eq3A_585, %and3A_588 : vector<16xi1>
          %convert_element_type3A_590 = arith.extui %and3A_584 : vector<16xi1> to vector<16xi32>
          %reduce_sum3A_591 = arith.constant true
          %reduce_sum3A_592 = vector.broadcast %reduce_sum3A_591 : i1 to vector<16xi1>
          %reduce_sum3A_593 = tpu.scan <sum>, %convert_element_type3A_590 masked %reduce_sum3A_592 : vector<16xi32>, vector<16xi1> -> vector<16xi32>
          %reduce_sum3A_594 = vector.extract %reduce_sum3A_593[15] : i32 from vector<16xi32>
          %convert_element_type3A_595 = arith.extui %and3A_589 : vector<16xi1> to vector<16xi32>
          %reduce_sum3A_596 = arith.constant true
          %reduce_sum3A_597 = vector.broadcast %reduce_sum3A_596 : i1 to vector<16xi1>
          %reduce_sum3A_598 = tpu.scan <sum>, %convert_element_type3A_595 masked %reduce_sum3A_597 : vector<16xi32>, vector<16xi1> -> vector<16xi32>
          %reduce_sum3A_599 = vector.extract %reduce_sum3A_598[15] : i32 from vector<16xi32>
          %add3A_600 = arith.addi %reduce_sum3A_594, %reduce_sum3A_599 : i32
          %gt3A_601 = arith.constant 0 : i32
          %gt3A_602 = arith.cmpi sgt, %add3A_600, %gt3A_601 : i32
          %convert_element_type3A_603 = arith.extui %gt3A_602 : i1 to i32
          %cond3A_604 = arith.constant 0 : i32
          %cond3A_605 = arith.cmpi ne, %convert_element_type3A_603, %cond3A_604 : i32
          scf.if %cond3A_605 {
            %mul3A_854 = arith.constant 16 : i32
            %mul3A_855 = arith.muli %add3A_570, %mul3A_854 : i32
            %add3A_856 = vector.broadcast %mul3A_855 : i32 to vector<16xi32>
            %add3A_857 = arith.addi %add3A_856, %iota3A : vector<16xi32>
            %swap3A_858 = arith.index_cast %add3A_565 : i32 to index
            %swap3A_859 = tpu.vector_load %arg11[%swap3A_858] masked %and3A_584 {strides = array<i32>} : memref<464xf32, #tpu.memory_space<vmem>>, vector<16xf32>, vector<16xi1>
            tpu.vector_store %arg11[%swap3A_858], %get3A_574 masked %and3A_584 {strides = array<i32>} : memref<464xf32, #tpu.memory_space<vmem>>, vector<16xf32>, vector<16xi1>
            %swap3A_860 = arith.index_cast %add3A_565 : i32 to index
            %swap3A_861 = tpu.vector_load %arg12[%swap3A_860] masked %and3A_584 {strides = array<i32>} : memref<464xi32, #tpu.memory_space<vmem>>, vector<16xi32>, vector<16xi1>
            tpu.vector_store %arg12[%swap3A_860], %add3A_857 masked %and3A_584 {strides = array<i32>} : memref<464xi32, #tpu.memory_space<vmem>>, vector<16xi32>, vector<16xi1>
            %add3A_862 = arith.constant 256 : i32
            %add3A_863 = arith.addi %add3A_862, %add3A_566 : i32
            %swap3A_864 = arith.index_cast %add3A_863 : i32 to index
            %swap3A_865 = tpu.vector_load %arg11[%swap3A_864] masked %and3A_589 {strides = array<i32>} : memref<464xf32, #tpu.memory_space<vmem>>, vector<16xf32>, vector<16xi1>
            tpu.vector_store %arg11[%swap3A_864], %get3A_574 masked %and3A_589 {strides = array<i32>} : memref<464xf32, #tpu.memory_space<vmem>>, vector<16xf32>, vector<16xi1>
            %add3A_866 = arith.constant 256 : i32
            %add3A_867 = arith.addi %add3A_866, %add3A_566 : i32
            %swap3A_868 = arith.index_cast %add3A_867 : i32 to index
            %swap3A_869 = tpu.vector_load %arg12[%swap3A_868] masked %and3A_589 {strides = array<i32>} : memref<464xi32, #tpu.memory_space<vmem>>, vector<16xi32>, vector<16xi1>
            tpu.vector_store %arg12[%swap3A_868], %add3A_857 masked %and3A_589 {strides = array<i32>} : memref<464xi32, #tpu.memory_space<vmem>>, vector<16xi32>, vector<16xi1>
          } else {
          }
          %add3A_606 = arith.addi %add3A_565, %reduce_sum3A_594 : i32
          %add3A_607 = arith.addi %add3A_566, %reduce_sum3A_599 : i32
          %mul3A_608 = arith.constant 10 : i32
          %mul3A_609 = arith.muli %scan3A_423, %mul3A_608 : i32
          %add3A_610 = arith.constant 4 : i32
          %add3A_611 = arith.addi %mul3A_609, %add3A_610 : i32
          %mul3A_612 = arith.constant 16 : i32
          %mul3A_613 = arith.muli %add3A_611, %mul3A_612 : i32
          %get3A_614 = arith.index_cast %mul3A_613 : i32 to index
          %get3A_615 = tpu.vector_load %arg7[%get3A_614] {strides = array<i32>} : memref<100000xf32, #tpu.memory_space<vmem>>, vector<16xf32>,
          %mul3A_616 = arith.mulf %get3A_615, %div3A : vector<16xf32>
          %add3A_617 = arith.addf %mul3A_616, %sub3A_122 : vector<16xf32>
          %convert_element_type3A_618 = arith.fptosi %add3A_617 : vector<16xf32> to vector<16xi32>
          %max3A_619 = arith.maxsi %convert_element_type3A_618, %mul3A_10 : vector<16xi32>
          %min3A_620 = arith.minsi %max3A_619, %add3A_125 : vector<16xi32>
          %gt3A_621 = arith.cmpi sgt, %min3A_620, %add3A_148 : vector<16xi32>
          %lt3A_622 = arith.constant 240 : i32
          %lt3A_623 = arith.cmpi slt, %add3A_606, %lt3A_622 : i32
          %and3A_624 = vector.broadcast %lt3A_623 : i1 to vector<16xi1>
          %and3A_625 = arith.andi %gt3A_621, %and3A_624 : vector<16xi1>
          %eq3A_626 = arith.cmpi eq, %min3A_620, %add3A_148 : vector<16xi32>
          %lt3A_627 = arith.constant 192 : i32
          %lt3A_628 = arith.cmpi slt, %add3A_607, %lt3A_627 : i32
          %and3A_629 = vector.broadcast %lt3A_628 : i1 to vector<16xi1>
          %and3A_630 = arith.andi %eq3A_626, %and3A_629 : vector<16xi1>
          %convert_element_type3A_631 = arith.extui %and3A_625 : vector<16xi1> to vector<16xi32>
          %reduce_sum3A_632 = arith.constant true
          %reduce_sum3A_633 = vector.broadcast %reduce_sum3A_632 : i1 to vector<16xi1>
          %reduce_sum3A_634 = tpu.scan <sum>, %convert_element_type3A_631 masked %reduce_sum3A_633 : vector<16xi32>, vector<16xi1> -> vector<16xi32>
          %reduce_sum3A_635 = vector.extract %reduce_sum3A_634[15] : i32 from vector<16xi32>
          %convert_element_type3A_636 = arith.extui %and3A_630 : vector<16xi1> to vector<16xi32>
          %reduce_sum3A_637 = arith.constant true
          %reduce_sum3A_638 = vector.broadcast %reduce_sum3A_637 : i1 to vector<16xi1>
          %reduce_sum3A_639 = tpu.scan <sum>, %convert_element_type3A_636 masked %reduce_sum3A_638 : vector<16xi32>, vector<16xi1> -> vector<16xi32>
          %reduce_sum3A_640 = vector.extract %reduce_sum3A_639[15] : i32 from vector<16xi32>
          %add3A_641 = arith.addi %reduce_sum3A_635, %reduce_sum3A_640 : i32
          %gt3A_642 = arith.constant 0 : i32
          %gt3A_643 = arith.cmpi sgt, %add3A_641, %gt3A_642 : i32
          %convert_element_type3A_644 = arith.extui %gt3A_643 : i1 to i32
          %cond3A_645 = arith.constant 0 : i32
          %cond3A_646 = arith.cmpi ne, %convert_element_type3A_644, %cond3A_645 : i32
          scf.if %cond3A_646 {
            %mul3A_854 = arith.constant 16 : i32
            %mul3A_855 = arith.muli %add3A_611, %mul3A_854 : i32
            %add3A_856 = vector.broadcast %mul3A_855 : i32 to vector<16xi32>
            %add3A_857 = arith.addi %add3A_856, %iota3A : vector<16xi32>
            %swap3A_858 = arith.index_cast %add3A_606 : i32 to index
            %swap3A_859 = tpu.vector_load %arg11[%swap3A_858] masked %and3A_625 {strides = array<i32>} : memref<464xf32, #tpu.memory_space<vmem>>, vector<16xf32>, vector<16xi1>
            tpu.vector_store %arg11[%swap3A_858], %get3A_615 masked %and3A_625 {strides = array<i32>} : memref<464xf32, #tpu.memory_space<vmem>>, vector<16xf32>, vector<16xi1>
            %swap3A_860 = arith.index_cast %add3A_606 : i32 to index
            %swap3A_861 = tpu.vector_load %arg12[%swap3A_860] masked %and3A_625 {strides = array<i32>} : memref<464xi32, #tpu.memory_space<vmem>>, vector<16xi32>, vector<16xi1>
            tpu.vector_store %arg12[%swap3A_860], %add3A_857 masked %and3A_625 {strides = array<i32>} : memref<464xi32, #tpu.memory_space<vmem>>, vector<16xi32>, vector<16xi1>
            %add3A_862 = arith.constant 256 : i32
            %add3A_863 = arith.addi %add3A_862, %add3A_607 : i32
            %swap3A_864 = arith.index_cast %add3A_863 : i32 to index
            %swap3A_865 = tpu.vector_load %arg11[%swap3A_864] masked %and3A_630 {strides = array<i32>} : memref<464xf32, #tpu.memory_space<vmem>>, vector<16xf32>, vector<16xi1>
            tpu.vector_store %arg11[%swap3A_864], %get3A_615 masked %and3A_630 {strides = array<i32>} : memref<464xf32, #tpu.memory_space<vmem>>, vector<16xf32>, vector<16xi1>
            %add3A_866 = arith.constant 256 : i32
            %add3A_867 = arith.addi %add3A_866, %add3A_607 : i32
            %swap3A_868 = arith.index_cast %add3A_867 : i32 to index
            %swap3A_869 = tpu.vector_load %arg12[%swap3A_868] masked %and3A_630 {strides = array<i32>} : memref<464xi32, #tpu.memory_space<vmem>>, vector<16xi32>, vector<16xi1>
            tpu.vector_store %arg12[%swap3A_868], %add3A_857 masked %and3A_630 {strides = array<i32>} : memref<464xi32, #tpu.memory_space<vmem>>, vector<16xi32>, vector<16xi1>
          } else {
          }
          %add3A_647 = arith.addi %add3A_606, %reduce_sum3A_635 : i32
          %add3A_648 = arith.addi %add3A_607, %reduce_sum3A_640 : i32
          %mul3A_649 = arith.constant 10 : i32
          %mul3A_650 = arith.muli %scan3A_423, %mul3A_649 : i32
          %add3A_651 = arith.constant 5 : i32
          %add3A_652 = arith.addi %mul3A_650, %add3A_651 : i32
          %mul3A_653 = arith.constant 16 : i32
          %mul3A_654 = arith.muli %add3A_652, %mul3A_653 : i32
          %get3A_655 = arith.index_cast %mul3A_654 : i32 to index
          %get3A_656 = tpu.vector_load %arg7[%get3A_655] {strides = array<i32>} : memref<100000xf32, #tpu.memory_space<vmem>>, vector<16xf32>,
          %mul3A_657 = arith.mulf %get3A_656, %div3A : vector<16xf32>
          %add3A_658 = arith.addf %mul3A_657, %sub3A_122 : vector<16xf32>
          %convert_element_type3A_659 = arith.fptosi %add3A_658 : vector<16xf32> to vector<16xi32>
          %max3A_660 = arith.maxsi %convert_element_type3A_659, %mul3A_10 : vector<16xi32>
          %min3A_661 = arith.minsi %max3A_660, %add3A_125 : vector<16xi32>
          %gt3A_662 = arith.cmpi sgt, %min3A_661, %add3A_148 : vector<16xi32>
          %lt3A_663 = arith.constant 240 : i32
          %lt3A_664 = arith.cmpi slt, %add3A_647, %lt3A_663 : i32
          %and3A_665 = vector.broadcast %lt3A_664 : i1 to vector<16xi1>
          %and3A_666 = arith.andi %gt3A_662, %and3A_665 : vector<16xi1>
          %eq3A_667 = arith.cmpi eq, %min3A_661, %add3A_148 : vector<16xi32>
          %lt3A_668 = arith.constant 192 : i32
          %lt3A_669 = arith.cmpi slt, %add3A_648, %lt3A_668 : i32
          %and3A_670 = vector.broadcast %lt3A_669 : i1 to vector<16xi1>
          %and3A_671 = arith.andi %eq3A_667, %and3A_670 : vector<16xi1>
          %convert_element_type3A_672 = arith.extui %and3A_666 : vector<16xi1> to vector<16xi32>
          %reduce_sum3A_673 = arith.constant true
          %reduce_sum3A_674 = vector.broadcast %reduce_sum3A_673 : i1 to vector<16xi1>
          %reduce_sum3A_675 = tpu.scan <sum>, %convert_element_type3A_672 masked %reduce_sum3A_674 : vector<16xi32>, vector<16xi1> -> vector<16xi32>
          %reduce_sum3A_676 = vector.extract %reduce_sum3A_675[15] : i32 from vector<16xi32>
          %convert_element_type3A_677 = arith.extui %and3A_671 : vector<16xi1> to vector<16xi32>
          %reduce_sum3A_678 = arith.constant true
          %reduce_sum3A_679 = vector.broadcast %reduce_sum3A_678 : i1 to vector<16xi1>
          %reduce_sum3A_680 = tpu.scan <sum>, %convert_element_type3A_677 masked %reduce_sum3A_679 : vector<16xi32>, vector<16xi1> -> vector<16xi32>
          %reduce_sum3A_681 = vector.extract %reduce_sum3A_680[15] : i32 from vector<16xi32>
          %add3A_682 = arith.addi %reduce_sum3A_676, %reduce_sum3A_681 : i32
          %gt3A_683 = arith.constant 0 : i32
          %gt3A_684 = arith.cmpi sgt, %add3A_682, %gt3A_683 : i32
          %convert_element_type3A_685 = arith.extui %gt3A_684 : i1 to i32
          %cond3A_686 = arith.constant 0 : i32
          %cond3A_687 = arith.cmpi ne, %convert_element_type3A_685, %cond3A_686 : i32
          scf.if %cond3A_687 {
            %mul3A_854 = arith.constant 16 : i32
            %mul3A_855 = arith.muli %add3A_652, %mul3A_854 : i32
            %add3A_856 = vector.broadcast %mul3A_855 : i32 to vector<16xi32>
            %add3A_857 = arith.addi %add3A_856, %iota3A : vector<16xi32>
            %swap3A_858 = arith.index_cast %add3A_647 : i32 to index
            %swap3A_859 = tpu.vector_load %arg11[%swap3A_858] masked %and3A_666 {strides = array<i32>} : memref<464xf32, #tpu.memory_space<vmem>>, vector<16xf32>, vector<16xi1>
            tpu.vector_store %arg11[%swap3A_858], %get3A_656 masked %and3A_666 {strides = array<i32>} : memref<464xf32, #tpu.memory_space<vmem>>, vector<16xf32>, vector<16xi1>
            %swap3A_860 = arith.index_cast %add3A_647 : i32 to index
            %swap3A_861 = tpu.vector_load %arg12[%swap3A_860] masked %and3A_666 {strides = array<i32>} : memref<464xi32, #tpu.memory_space<vmem>>, vector<16xi32>, vector<16xi1>
            tpu.vector_store %arg12[%swap3A_860], %add3A_857 masked %and3A_666 {strides = array<i32>} : memref<464xi32, #tpu.memory_space<vmem>>, vector<16xi32>, vector<16xi1>
            %add3A_862 = arith.constant 256 : i32
            %add3A_863 = arith.addi %add3A_862, %add3A_648 : i32
            %swap3A_864 = arith.index_cast %add3A_863 : i32 to index
            %swap3A_865 = tpu.vector_load %arg11[%swap3A_864] masked %and3A_671 {strides = array<i32>} : memref<464xf32, #tpu.memory_space<vmem>>, vector<16xf32>, vector<16xi1>
            tpu.vector_store %arg11[%swap3A_864], %get3A_656 masked %and3A_671 {strides = array<i32>} : memref<464xf32, #tpu.memory_space<vmem>>, vector<16xf32>, vector<16xi1>
            %add3A_866 = arith.constant 256 : i32
            %add3A_867 = arith.addi %add3A_866, %add3A_648 : i32
            %swap3A_868 = arith.index_cast %add3A_867 : i32 to index
            %swap3A_869 = tpu.vector_load %arg12[%swap3A_868] masked %and3A_671 {strides = array<i32>} : memref<464xi32, #tpu.memory_space<vmem>>, vector<16xi32>, vector<16xi1>
            tpu.vector_store %arg12[%swap3A_868], %add3A_857 masked %and3A_671 {strides = array<i32>} : memref<464xi32, #tpu.memory_space<vmem>>, vector<16xi32>, vector<16xi1>
          } else {
          }
          %add3A_688 = arith.addi %add3A_647, %reduce_sum3A_676 : i32
          %add3A_689 = arith.addi %add3A_648, %reduce_sum3A_681 : i32
          %mul3A_690 = arith.constant 10 : i32
          %mul3A_691 = arith.muli %scan3A_423, %mul3A_690 : i32
          %add3A_692 = arith.constant 6 : i32
          %add3A_693 = arith.addi %mul3A_691, %add3A_692 : i32
          %mul3A_694 = arith.constant 16 : i32
          %mul3A_695 = arith.muli %add3A_693, %mul3A_694 : i32
          %get3A_696 = arith.index_cast %mul3A_695 : i32 to index
          %get3A_697 = tpu.vector_load %arg7[%get3A_696] {strides = array<i32>} : memref<100000xf32, #tpu.memory_space<vmem>>, vector<16xf32>,
          %mul3A_698 = arith.mulf %get3A_697, %div3A : vector<16xf32>
          %add3A_699 = arith.addf %mul3A_698, %sub3A_122 : vector<16xf32>
          %convert_element_type3A_700 = arith.fptosi %add3A_699 : vector<16xf32> to vector<16xi32>
          %max3A_701 = arith.maxsi %convert_element_type3A_700, %mul3A_10 : vector<16xi32>
          %min3A_702 = arith.minsi %max3A_701, %add3A_125 : vector<16xi32>
          %gt3A_703 = arith.cmpi sgt, %min3A_702, %add3A_148 : vector<16xi32>
          %lt3A_704 = arith.constant 240 : i32
          %lt3A_705 = arith.cmpi slt, %add3A_688, %lt3A_704 : i32
          %and3A_706 = vector.broadcast %lt3A_705 : i1 to vector<16xi1>
          %and3A_707 = arith.andi %gt3A_703, %and3A_706 : vector<16xi1>
          %eq3A_708 = arith.cmpi eq, %min3A_702, %add3A_148 : vector<16xi32>
          %lt3A_709 = arith.constant 192 : i32
          %lt3A_710 = arith.cmpi slt, %add3A_689, %lt3A_709 : i32
          %and3A_711 = vector.broadcast %lt3A_710 : i1 to vector<16xi1>
          %and3A_712 = arith.andi %eq3A_708, %and3A_711 : vector<16xi1>
          %convert_element_type3A_713 = arith.extui %and3A_707 : vector<16xi1> to vector<16xi32>
          %reduce_sum3A_714 = arith.constant true
          %reduce_sum3A_715 = vector.broadcast %reduce_sum3A_714 : i1 to vector<16xi1>
          %reduce_sum3A_716 = tpu.scan <sum>, %convert_element_type3A_713 masked %reduce_sum3A_715 : vector<16xi32>, vector<16xi1> -> vector<16xi32>
          %reduce_sum3A_717 = vector.extract %reduce_sum3A_716[15] : i32 from vector<16xi32>
          %convert_element_type3A_718 = arith.extui %and3A_712 : vector<16xi1> to vector<16xi32>
          %reduce_sum3A_719 = arith.constant true
          %reduce_sum3A_720 = vector.broadcast %reduce_sum3A_719 : i1 to vector<16xi1>
          %reduce_sum3A_721 = tpu.scan <sum>, %convert_element_type3A_718 masked %reduce_sum3A_720 : vector<16xi32>, vector<16xi1> -> vector<16xi32>
          %reduce_sum3A_722 = vector.extract %reduce_sum3A_721[15] : i32 from vector<16xi32>
          %add3A_723 = arith.addi %reduce_sum3A_717, %reduce_sum3A_722 : i32
          %gt3A_724 = arith.constant 0 : i32
          %gt3A_725 = arith.cmpi sgt, %add3A_723, %gt3A_724 : i32
          %convert_element_type3A_726 = arith.extui %gt3A_725 : i1 to i32
          %cond3A_727 = arith.constant 0 : i32
          %cond3A_728 = arith.cmpi ne, %convert_element_type3A_726, %cond3A_727 : i32
          scf.if %cond3A_728 {
            %mul3A_854 = arith.constant 16 : i32
            %mul3A_855 = arith.muli %add3A_693, %mul3A_854 : i32
            %add3A_856 = vector.broadcast %mul3A_855 : i32 to vector<16xi32>
            %add3A_857 = arith.addi %add3A_856, %iota3A : vector<16xi32>
            %swap3A_858 = arith.index_cast %add3A_688 : i32 to index
            %swap3A_859 = tpu.vector_load %arg11[%swap3A_858] masked %and3A_707 {strides = array<i32>} : memref<464xf32, #tpu.memory_space<vmem>>, vector<16xf32>, vector<16xi1>
            tpu.vector_store %arg11[%swap3A_858], %get3A_697 masked %and3A_707 {strides = array<i32>} : memref<464xf32, #tpu.memory_space<vmem>>, vector<16xf32>, vector<16xi1>
            %swap3A_860 = arith.index_cast %add3A_688 : i32 to index
            %swap3A_861 = tpu.vector_load %arg12[%swap3A_860] masked %and3A_707 {strides = array<i32>} : memref<464xi32, #tpu.memory_space<vmem>>, vector<16xi32>, vector<16xi1>
            tpu.vector_store %arg12[%swap3A_860], %add3A_857 masked %and3A_707 {strides = array<i32>} : memref<464xi32, #tpu.memory_space<vmem>>, vector<16xi32>, vector<16xi1>
            %add3A_862 = arith.constant 256 : i32
            %add3A_863 = arith.addi %add3A_862, %add3A_689 : i32
            %swap3A_864 = arith.index_cast %add3A_863 : i32 to index
            %swap3A_865 = tpu.vector_load %arg11[%swap3A_864] masked %and3A_712 {strides = array<i32>} : memref<464xf32, #tpu.memory_space<vmem>>, vector<16xf32>, vector<16xi1>
            tpu.vector_store %arg11[%swap3A_864], %get3A_697 masked %and3A_712 {strides = array<i32>} : memref<464xf32, #tpu.memory_space<vmem>>, vector<16xf32>, vector<16xi1>
            %add3A_866 = arith.constant 256 : i32
            %add3A_867 = arith.addi %add3A_866, %add3A_689 : i32
            %swap3A_868 = arith.index_cast %add3A_867 : i32 to index
            %swap3A_869 = tpu.vector_load %arg12[%swap3A_868] masked %and3A_712 {strides = array<i32>} : memref<464xi32, #tpu.memory_space<vmem>>, vector<16xi32>, vector<16xi1>
            tpu.vector_store %arg12[%swap3A_868], %add3A_857 masked %and3A_712 {strides = array<i32>} : memref<464xi32, #tpu.memory_space<vmem>>, vector<16xi32>, vector<16xi1>
          } else {
          }
          %add3A_729 = arith.addi %add3A_688, %reduce_sum3A_717 : i32
          %add3A_730 = arith.addi %add3A_689, %reduce_sum3A_722 : i32
          %mul3A_731 = arith.constant 10 : i32
          %mul3A_732 = arith.muli %scan3A_423, %mul3A_731 : i32
          %add3A_733 = arith.constant 7 : i32
          %add3A_734 = arith.addi %mul3A_732, %add3A_733 : i32
          %mul3A_735 = arith.constant 16 : i32
          %mul3A_736 = arith.muli %add3A_734, %mul3A_735 : i32
          %get3A_737 = arith.index_cast %mul3A_736 : i32 to index
          %get3A_738 = tpu.vector_load %arg7[%get3A_737] {strides = array<i32>} : memref<100000xf32, #tpu.memory_space<vmem>>, vector<16xf32>,
          %mul3A_739 = arith.mulf %get3A_738, %div3A : vector<16xf32>
          %add3A_740 = arith.addf %mul3A_739, %sub3A_122 : vector<16xf32>
          %convert_element_type3A_741 = arith.fptosi %add3A_740 : vector<16xf32> to vector<16xi32>
          %max3A_742 = arith.maxsi %convert_element_type3A_741, %mul3A_10 : vector<16xi32>
          %min3A_743 = arith.minsi %max3A_742, %add3A_125 : vector<16xi32>
          %gt3A_744 = arith.cmpi sgt, %min3A_743, %add3A_148 : vector<16xi32>
          %lt3A_745 = arith.constant 240 : i32
          %lt3A_746 = arith.cmpi slt, %add3A_729, %lt3A_745 : i32
          %and3A_747 = vector.broadcast %lt3A_746 : i1 to vector<16xi1>
          %and3A_748 = arith.andi %gt3A_744, %and3A_747 : vector<16xi1>
          %eq3A_749 = arith.cmpi eq, %min3A_743, %add3A_148 : vector<16xi32>
          %lt3A_750 = arith.constant 192 : i32
          %lt3A_751 = arith.cmpi slt, %add3A_730, %lt3A_750 : i32
          %and3A_752 = vector.broadcast %lt3A_751 : i1 to vector<16xi1>
          %and3A_753 = arith.andi %eq3A_749, %and3A_752 : vector<16xi1>
          %convert_element_type3A_754 = arith.extui %and3A_748 : vector<16xi1> to vector<16xi32>
          %reduce_sum3A_755 = arith.constant true
          %reduce_sum3A_756 = vector.broadcast %reduce_sum3A_755 : i1 to vector<16xi1>
          %reduce_sum3A_757 = tpu.scan <sum>, %convert_element_type3A_754 masked %reduce_sum3A_756 : vector<16xi32>, vector<16xi1> -> vector<16xi32>
          %reduce_sum3A_758 = vector.extract %reduce_sum3A_757[15] : i32 from vector<16xi32>
          %convert_element_type3A_759 = arith.extui %and3A_753 : vector<16xi1> to vector<16xi32>
          %reduce_sum3A_760 = arith.constant true
          %reduce_sum3A_761 = vector.broadcast %reduce_sum3A_760 : i1 to vector<16xi1>
          %reduce_sum3A_762 = tpu.scan <sum>, %convert_element_type3A_759 masked %reduce_sum3A_761 : vector<16xi32>, vector<16xi1> -> vector<16xi32>
          %reduce_sum3A_763 = vector.extract %reduce_sum3A_762[15] : i32 from vector<16xi32>
          %add3A_764 = arith.addi %reduce_sum3A_758, %reduce_sum3A_763 : i32
          %gt3A_765 = arith.constant 0 : i32
          %gt3A_766 = arith.cmpi sgt, %add3A_764, %gt3A_765 : i32
          %convert_element_type3A_767 = arith.extui %gt3A_766 : i1 to i32
          %cond3A_768 = arith.constant 0 : i32
          %cond3A_769 = arith.cmpi ne, %convert_element_type3A_767, %cond3A_768 : i32
          scf.if %cond3A_769 {
            %mul3A_854 = arith.constant 16 : i32
            %mul3A_855 = arith.muli %add3A_734, %mul3A_854 : i32
            %add3A_856 = vector.broadcast %mul3A_855 : i32 to vector<16xi32>
            %add3A_857 = arith.addi %add3A_856, %iota3A : vector<16xi32>
            %swap3A_858 = arith.index_cast %add3A_729 : i32 to index
            %swap3A_859 = tpu.vector_load %arg11[%swap3A_858] masked %and3A_748 {strides = array<i32>} : memref<464xf32, #tpu.memory_space<vmem>>, vector<16xf32>, vector<16xi1>
            tpu.vector_store %arg11[%swap3A_858], %get3A_738 masked %and3A_748 {strides = array<i32>} : memref<464xf32, #tpu.memory_space<vmem>>, vector<16xf32>, vector<16xi1>
            %swap3A_860 = arith.index_cast %add3A_729 : i32 to index
            %swap3A_861 = tpu.vector_load %arg12[%swap3A_860] masked %and3A_748 {strides = array<i32>} : memref<464xi32, #tpu.memory_space<vmem>>, vector<16xi32>, vector<16xi1>
            tpu.vector_store %arg12[%swap3A_860], %add3A_857 masked %and3A_748 {strides = array<i32>} : memref<464xi32, #tpu.memory_space<vmem>>, vector<16xi32>, vector<16xi1>
            %add3A_862 = arith.constant 256 : i32
            %add3A_863 = arith.addi %add3A_862, %add3A_730 : i32
            %swap3A_864 = arith.index_cast %add3A_863 : i32 to index
            %swap3A_865 = tpu.vector_load %arg11[%swap3A_864] masked %and3A_753 {strides = array<i32>} : memref<464xf32, #tpu.memory_space<vmem>>, vector<16xf32>, vector<16xi1>
            tpu.vector_store %arg11[%swap3A_864], %get3A_738 masked %and3A_753 {strides = array<i32>} : memref<464xf32, #tpu.memory_space<vmem>>, vector<16xf32>, vector<16xi1>
            %add3A_866 = arith.constant 256 : i32
            %add3A_867 = arith.addi %add3A_866, %add3A_730 : i32
            %swap3A_868 = arith.index_cast %add3A_867 : i32 to index
            %swap3A_869 = tpu.vector_load %arg12[%swap3A_868] masked %and3A_753 {strides = array<i32>} : memref<464xi32, #tpu.memory_space<vmem>>, vector<16xi32>, vector<16xi1>
            tpu.vector_store %arg12[%swap3A_868], %add3A_857 masked %and3A_753 {strides = array<i32>} : memref<464xi32, #tpu.memory_space<vmem>>, vector<16xi32>, vector<16xi1>
          } else {
          }
          %add3A_770 = arith.addi %add3A_729, %reduce_sum3A_758 : i32
          %add3A_771 = arith.addi %add3A_730, %reduce_sum3A_763 : i32
          %mul3A_772 = arith.constant 10 : i32
          %mul3A_773 = arith.muli %scan3A_423, %mul3A_772 : i32
          %add3A_774 = arith.constant 8 : i32
          %add3A_775 = arith.addi %mul3A_773, %add3A_774 : i32
          %mul3A_776 = arith.constant 16 : i32
          %mul3A_777 = arith.muli %add3A_775, %mul3A_776 : i32
          %get3A_778 = arith.index_cast %mul3A_777 : i32 to index
          %get3A_779 = tpu.vector_load %arg7[%get3A_778] {strides = array<i32>} : memref<100000xf32, #tpu.memory_space<vmem>>, vector<16xf32>,
          %mul3A_780 = arith.mulf %get3A_779, %div3A : vector<16xf32>
          %add3A_781 = arith.addf %mul3A_780, %sub3A_122 : vector<16xf32>
          %convert_element_type3A_782 = arith.fptosi %add3A_781 : vector<16xf32> to vector<16xi32>
          %max3A_783 = arith.maxsi %convert_element_type3A_782, %mul3A_10 : vector<16xi32>
          %min3A_784 = arith.minsi %max3A_783, %add3A_125 : vector<16xi32>
          %gt3A_785 = arith.cmpi sgt, %min3A_784, %add3A_148 : vector<16xi32>
          %lt3A_786 = arith.constant 240 : i32
          %lt3A_787 = arith.cmpi slt, %add3A_770, %lt3A_786 : i32
          %and3A_788 = vector.broadcast %lt3A_787 : i1 to vector<16xi1>
          %and3A_789 = arith.andi %gt3A_785, %and3A_788 : vector<16xi1>
          %eq3A_790 = arith.cmpi eq, %min3A_784, %add3A_148 : vector<16xi32>
          %lt3A_791 = arith.constant 192 : i32
          %lt3A_792 = arith.cmpi slt, %add3A_771, %lt3A_791 : i32
          %and3A_793 = vector.broadcast %lt3A_792 : i1 to vector<16xi1>
          %and3A_794 = arith.andi %eq3A_790, %and3A_793 : vector<16xi1>
          %convert_element_type3A_795 = arith.extui %and3A_789 : vector<16xi1> to vector<16xi32>
          %reduce_sum3A_796 = arith.constant true
          %reduce_sum3A_797 = vector.broadcast %reduce_sum3A_796 : i1 to vector<16xi1>
          %reduce_sum3A_798 = tpu.scan <sum>, %convert_element_type3A_795 masked %reduce_sum3A_797 : vector<16xi32>, vector<16xi1> -> vector<16xi32>
          %reduce_sum3A_799 = vector.extract %reduce_sum3A_798[15] : i32 from vector<16xi32>
          %convert_element_type3A_800 = arith.extui %and3A_794 : vector<16xi1> to vector<16xi32>
          %reduce_sum3A_801 = arith.constant true
          %reduce_sum3A_802 = vector.broadcast %reduce_sum3A_801 : i1 to vector<16xi1>
          %reduce_sum3A_803 = tpu.scan <sum>, %convert_element_type3A_800 masked %reduce_sum3A_802 : vector<16xi32>, vector<16xi1> -> vector<16xi32>
          %reduce_sum3A_804 = vector.extract %reduce_sum3A_803[15] : i32 from vector<16xi32>
          %add3A_805 = arith.addi %reduce_sum3A_799, %reduce_sum3A_804 : i32
          %gt3A_806 = arith.constant 0 : i32
          %gt3A_807 = arith.cmpi sgt, %add3A_805, %gt3A_806 : i32
          %convert_element_type3A_808 = arith.extui %gt3A_807 : i1 to i32
          %cond3A_809 = arith.constant 0 : i32
          %cond3A_810 = arith.cmpi ne, %convert_element_type3A_808, %cond3A_809 : i32
          scf.if %cond3A_810 {
            %mul3A_854 = arith.constant 16 : i32
            %mul3A_855 = arith.muli %add3A_775, %mul3A_854 : i32
            %add3A_856 = vector.broadcast %mul3A_855 : i32 to vector<16xi32>
            %add3A_857 = arith.addi %add3A_856, %iota3A : vector<16xi32>
            %swap3A_858 = arith.index_cast %add3A_770 : i32 to index
            %swap3A_859 = tpu.vector_load %arg11[%swap3A_858] masked %and3A_789 {strides = array<i32>} : memref<464xf32, #tpu.memory_space<vmem>>, vector<16xf32>, vector<16xi1>
            tpu.vector_store %arg11[%swap3A_858], %get3A_779 masked %and3A_789 {strides = array<i32>} : memref<464xf32, #tpu.memory_space<vmem>>, vector<16xf32>, vector<16xi1>
            %swap3A_860 = arith.index_cast %add3A_770 : i32 to index
            %swap3A_861 = tpu.vector_load %arg12[%swap3A_860] masked %and3A_789 {strides = array<i32>} : memref<464xi32, #tpu.memory_space<vmem>>, vector<16xi32>, vector<16xi1>
            tpu.vector_store %arg12[%swap3A_860], %add3A_857 masked %and3A_789 {strides = array<i32>} : memref<464xi32, #tpu.memory_space<vmem>>, vector<16xi32>, vector<16xi1>
            %add3A_862 = arith.constant 256 : i32
            %add3A_863 = arith.addi %add3A_862, %add3A_771 : i32
            %swap3A_864 = arith.index_cast %add3A_863 : i32 to index
            %swap3A_865 = tpu.vector_load %arg11[%swap3A_864] masked %and3A_794 {strides = array<i32>} : memref<464xf32, #tpu.memory_space<vmem>>, vector<16xf32>, vector<16xi1>
            tpu.vector_store %arg11[%swap3A_864], %get3A_779 masked %and3A_794 {strides = array<i32>} : memref<464xf32, #tpu.memory_space<vmem>>, vector<16xf32>, vector<16xi1>
            %add3A_866 = arith.constant 256 : i32
            %add3A_867 = arith.addi %add3A_866, %add3A_771 : i32
            %swap3A_868 = arith.index_cast %add3A_867 : i32 to index
            %swap3A_869 = tpu.vector_load %arg12[%swap3A_868] masked %and3A_794 {strides = array<i32>} : memref<464xi32, #tpu.memory_space<vmem>>, vector<16xi32>, vector<16xi1>
            tpu.vector_store %arg12[%swap3A_868], %add3A_857 masked %and3A_794 {strides = array<i32>} : memref<464xi32, #tpu.memory_space<vmem>>, vector<16xi32>, vector<16xi1>
          } else {
          }
          %add3A_811 = arith.addi %add3A_770, %reduce_sum3A_799 : i32
          %add3A_812 = arith.addi %add3A_771, %reduce_sum3A_804 : i32
          %mul3A_813 = arith.constant 10 : i32
          %mul3A_814 = arith.muli %scan3A_423, %mul3A_813 : i32
          %add3A_815 = arith.constant 9 : i32
          %add3A_816 = arith.addi %mul3A_814, %add3A_815 : i32
          %mul3A_817 = arith.constant 16 : i32
          %mul3A_818 = arith.muli %add3A_816, %mul3A_817 : i32
          %get3A_819 = arith.index_cast %mul3A_818 : i32 to index
          %get3A_820 = tpu.vector_load %arg7[%get3A_819] {strides = array<i32>} : memref<100000xf32, #tpu.memory_space<vmem>>, vector<16xf32>,
          %mul3A_821 = arith.mulf %get3A_820, %div3A : vector<16xf32>
          %add3A_822 = arith.addf %mul3A_821, %sub3A_122 : vector<16xf32>
          %convert_element_type3A_823 = arith.fptosi %add3A_822 : vector<16xf32> to vector<16xi32>
          %max3A_824 = arith.maxsi %convert_element_type3A_823, %mul3A_10 : vector<16xi32>
          %min3A_825 = arith.minsi %max3A_824, %add3A_125 : vector<16xi32>
          %gt3A_826 = arith.cmpi sgt, %min3A_825, %add3A_148 : vector<16xi32>
          %lt3A_827 = arith.constant 240 : i32
          %lt3A_828 = arith.cmpi slt, %add3A_811, %lt3A_827 : i32
          %and3A_829 = vector.broadcast %lt3A_828 : i1 to vector<16xi1>
          %and3A_830 = arith.andi %gt3A_826, %and3A_829 : vector<16xi1>
          %eq3A_831 = arith.cmpi eq, %min3A_825, %add3A_148 : vector<16xi32>
          %lt3A_832 = arith.constant 192 : i32
          %lt3A_833 = arith.cmpi slt, %add3A_812, %lt3A_832 : i32
          %and3A_834 = vector.broadcast %lt3A_833 : i1 to vector<16xi1>
          %and3A_835 = arith.andi %eq3A_831, %and3A_834 : vector<16xi1>
          %convert_element_type3A_836 = arith.extui %and3A_830 : vector<16xi1> to vector<16xi32>
          %reduce_sum3A_837 = arith.constant true
          %reduce_sum3A_838 = vector.broadcast %reduce_sum3A_837 : i1 to vector<16xi1>
          %reduce_sum3A_839 = tpu.scan <sum>, %convert_element_type3A_836 masked %reduce_sum3A_838 : vector<16xi32>, vector<16xi1> -> vector<16xi32>
          %reduce_sum3A_840 = vector.extract %reduce_sum3A_839[15] : i32 from vector<16xi32>
          %convert_element_type3A_841 = arith.extui %and3A_835 : vector<16xi1> to vector<16xi32>
          %reduce_sum3A_842 = arith.constant true
          %reduce_sum3A_843 = vector.broadcast %reduce_sum3A_842 : i1 to vector<16xi1>
          %reduce_sum3A_844 = tpu.scan <sum>, %convert_element_type3A_841 masked %reduce_sum3A_843 : vector<16xi32>, vector<16xi1> -> vector<16xi32>
          %reduce_sum3A_845 = vector.extract %reduce_sum3A_844[15] : i32 from vector<16xi32>
          %add3A_846 = arith.addi %reduce_sum3A_840, %reduce_sum3A_845 : i32
          %gt3A_847 = arith.constant 0 : i32
          %gt3A_848 = arith.cmpi sgt, %add3A_846, %gt3A_847 : i32
          %convert_element_type3A_849 = arith.extui %gt3A_848 : i1 to i32
          %cond3A_850 = arith.constant 0 : i32
          %cond3A_851 = arith.cmpi ne, %convert_element_type3A_849, %cond3A_850 : i32
          scf.if %cond3A_851 {
            %mul3A_854 = arith.constant 16 : i32
            %mul3A_855 = arith.muli %add3A_816, %mul3A_854 : i32
            %add3A_856 = vector.broadcast %mul3A_855 : i32 to vector<16xi32>
            %add3A_857 = arith.addi %add3A_856, %iota3A : vector<16xi32>
            %swap3A_858 = arith.index_cast %add3A_811 : i32 to index
            %swap3A_859 = tpu.vector_load %arg11[%swap3A_858] masked %and3A_830 {strides = array<i32>} : memref<464xf32, #tpu.memory_space<vmem>>, vector<16xf32>, vector<16xi1>
            tpu.vector_store %arg11[%swap3A_858], %get3A_820 masked %and3A_830 {strides = array<i32>} : memref<464xf32, #tpu.memory_space<vmem>>, vector<16xf32>, vector<16xi1>
            %swap3A_860 = arith.index_cast %add3A_811 : i32 to index
            %swap3A_861 = tpu.vector_load %arg12[%swap3A_860] masked %and3A_830 {strides = array<i32>} : memref<464xi32, #tpu.memory_space<vmem>>, vector<16xi32>, vector<16xi1>
            tpu.vector_store %arg12[%swap3A_860], %add3A_857 masked %and3A_830 {strides = array<i32>} : memref<464xi32, #tpu.memory_space<vmem>>, vector<16xi32>, vector<16xi1>
            %add3A_862 = arith.constant 256 : i32
            %add3A_863 = arith.addi %add3A_862, %add3A_812 : i32
            %swap3A_864 = arith.index_cast %add3A_863 : i32 to index
            %swap3A_865 = tpu.vector_load %arg11[%swap3A_864] masked %and3A_835 {strides = array<i32>} : memref<464xf32, #tpu.memory_space<vmem>>, vector<16xf32>, vector<16xi1>
            tpu.vector_store %arg11[%swap3A_864], %get3A_820 masked %and3A_835 {strides = array<i32>} : memref<464xf32, #tpu.memory_space<vmem>>, vector<16xf32>, vector<16xi1>
            %add3A_866 = arith.constant 256 : i32
            %add3A_867 = arith.addi %add3A_866, %add3A_812 : i32
            %swap3A_868 = arith.index_cast %add3A_867 : i32 to index
            %swap3A_869 = tpu.vector_load %arg12[%swap3A_868] masked %and3A_835 {strides = array<i32>} : memref<464xi32, #tpu.memory_space<vmem>>, vector<16xi32>, vector<16xi1>
            tpu.vector_store %arg12[%swap3A_868], %add3A_857 masked %and3A_835 {strides = array<i32>} : memref<464xi32, #tpu.memory_space<vmem>>, vector<16xi32>, vector<16xi1>
          } else {
          }
          %add3A_852 = arith.addi %add3A_811, %reduce_sum3A_840 : i32
          %add3A_853 = arith.addi %add3A_812, %reduce_sum3A_845 : i32
          scf.yield %add3A_852, %add3A_853 : i32, i32
        } else {
          scf.yield %scan3A_424, %scan3A_425 : i32, i32
        }
        scf.yield %cond3A_443#0, %cond3A_443#1 : i32, i32
      }
      %scan3A_156 = arith.constant 625 : i32
      %min3A = arith.constant 208 : i32
      %min3A_157 = arith.minsi %scan3A_155#1, %min3A : i32
      %add3A_158 = arith.constant 271 : i32
      %add3A_159 = arith.addi %add3A_158, %min3A_157 : i32
      %jit3A = arith.constant 16 : i32
      %div3A_160 = arith.divsi %add3A_159, %jit3A : i32
      %sign3A = arith.constant 0 : i32
      %sign3A_161 = arith.cmpi sgt, %add3A_159, %sign3A : i32
      %sign3A_162 = arith.extui %sign3A_161 : i1 to i32
      %sign3A_163 = arith.constant 0 : i32
      %sign3A_164 = arith.cmpi slt, %add3A_159, %sign3A_163 : i32
      %sign3A_165 = arith.extui %sign3A_164 : i1 to i32
      %sign3A_166 = arith.subi %sign3A_162, %sign3A_165 : i32
      %sign3A_167 = arith.constant 0 : i32
      %sign3A_168 = arith.cmpi sgt, %jit3A, %sign3A_167 : i32
      %sign3A_169 = arith.extui %sign3A_168 : i1 to i32
      %sign3A_170 = arith.constant 0 : i32
      %sign3A_171 = arith.cmpi slt, %jit3A, %sign3A_170 : i32
      %sign3A_172 = arith.extui %sign3A_171 : i1 to i32
      %sign3A_173 = arith.subi %sign3A_169, %sign3A_172 : i32
      %ne3A = arith.cmpi ne, %sign3A_166, %sign3A_173 : i32
      %rem3A = arith.remsi %add3A_159, %jit3A : i32
      %ne3A_174 = arith.constant 0 : i32
      %ne3A_175 = arith.cmpi ne, %rem3A, %ne3A_174 : i32
      %and3A = arith.andi %ne3A, %ne3A_175 : i1
      %sub3A_176 = arith.constant 1 : i32
      %sub3A_177 = arith.subi %div3A_160, %sub3A_176 : i32
      %select_n3A = arith.select %and3A, %sub3A_177, %div3A_160 : i32
      %lt3A = arith.constant 3 : i32
      %lt3A_178 = arith.cmpi slt, %scan3A_24, %lt3A : i32
      %convert_element_type3A_179 = arith.extui %lt3A_178 : i1 to i32
      %cond3A = arith.constant 0 : i32
      %cond3A_180 = arith.cmpi ne, %convert_element_type3A_179, %cond3A : i32
      scf.if %cond3A_180 {
        %add3A_423 = arith.constant 1 : i32
        %add3A_424 = arith.addi %add3A_28, %add3A_423 : i32
        %dma_start3A_425 = arith.constant 0 : i32
        %dma_start3A_426 = tpu.memref_slice %arg2[%add3A_424, %dma_start3A_425] : memref<128x100000xf32, #tpu.memory_space<hbm>> -> memref<1x100000xf32, #tpu.memory_space<hbm>>
        %dma_start3A_427 = tpu.memref_squeeze %dma_start3A_426 : memref<1x100000xf32, #tpu.memory_space<hbm>> -> memref<100000xf32, #tpu.memory_space<hbm>>
        %dma_start3A_428 = arith.constant 0 : i32
        %dma_start3A_429 = tpu.memref_slice %arg2[%add3A_424, %dma_start3A_428] : memref<128x100000xf32, #tpu.memory_space<hbm>> -> memref<1x100000xf32, #tpu.memory_space<hbm>>
        %dma_start3A_430 = tpu.memref_squeeze %dma_start3A_429 : memref<1x100000xf32, #tpu.memory_space<hbm>> -> memref<100000xf32, #tpu.memory_space<hbm>>
        tpu.enqueue_dma source(%dma_start3A_430 : memref<100000xf32, #tpu.memory_space<hbm>>) target(%arg7 : memref<100000xf32, #tpu.memory_space<vmem>>) target_semaphore(%arg19 : memref<!tpu.dma_semaphore, #tpu.memory_space<semaphore_mem>>)
      } else {
      }
      %scan3A_181 = arith.constant 0 : i32
      %scan3A_182 = arith.constant 0 : i32
      %scan3A_183 = arith.constant 64 : i32
      %scan3A_184 = arith.addi %scan3A_182, %scan3A_183 : i32
      %scan3A_185 = arith.constant 1 : i32
      %scan3A_186 = scf.for %scan3A_423 = %scan3A_182 to %scan3A_184 step %scan3A_185 iter_args(%scan3A_424 = %scan3A_181) -> (i32)  : i32 {
        %broadcast_in_dim3A_425 = arith.constant 1073741824 : i32
        %broadcast_in_dim3A_426 = vector.broadcast %broadcast_in_dim3A_425 : i32 to vector<16xi32>
        %while3A = arith.constant 0 : i32
        %while3A_427 = arith.subi %select_n3A, %while3A : i32
        %while3A_428 = arith.addi %while3A, %while3A_427 : i32
        %while3A_429 = arith.constant 1 : i32
        %while3A_430 = arith.divsi %while3A_427, %while3A_429 : i32
        %while3A_431 = arith.muli %while3A_430, %while3A_429 : i32
        %while3A_432 = arith.addi %while3A, %while3A_431 : i32
        %while3A_433 = arith.constant 1 : i32
        %while3A_434:2 = scf.for %while3A_468 = %while3A to %while3A_432 step %while3A_433 iter_args(%while3A_469 = %broadcast_in_dim3A_7, %while3A_470 = %broadcast_in_dim3A_426) -> (vector<16xf32>, vector<16xi32>)  : i32 {
          %mul3A_471 = arith.constant 16 : i32
          %mul3A_472 = arith.muli %while3A_468, %mul3A_471 : i32
          %get3A_473 = arith.index_cast %mul3A_472 : i32 to index
          %get3A_474 = tpu.vector_load %arg11[%get3A_473] {strides = array<i32>} : memref<464xf32, #tpu.memory_space<vmem>>, vector<16xf32>,
          %gt3A_475 = arith.cmpf ogt, %get3A_474, %while3A_469 : vector<16xf32>
          %select_n3A_476 = arith.select %gt3A_475, %get3A_474, %while3A_469 : vector<16xi1>, vector<16xf32>
          %mul3A_477 = arith.constant 16 : i32
          %mul3A_478 = arith.muli %while3A_468, %mul3A_477 : i32
          %add3A_479 = vector.broadcast %mul3A_478 : i32 to vector<16xi32>
          %add3A_480 = arith.addi %add3A_479, %iota3A : vector<16xi32>
          %select_n3A_481 = arith.select %gt3A_475, %add3A_480, %while3A_470 : vector<16xi1>, vector<16xi32>
          scf.yield %select_n3A_476, %select_n3A_481 : vector<16xf32>, vector<16xi32>
        }
        %while3A_435 = arith.constant 1 : i32
        %while3A_436:2 = scf.for %while3A_468 = %while3A_432 to %while3A_428 step %while3A_435 iter_args(%while3A_469 = %while3A_434#0, %while3A_470 = %while3A_434#1) -> (vector<16xf32>, vector<16xi32>)  : i32 {
          %mul3A_471 = arith.constant 16 : i32
          %mul3A_472 = arith.muli %while3A_468, %mul3A_471 : i32
          %get3A_473 = arith.index_cast %mul3A_472 : i32 to index
          %get3A_474 = tpu.vector_load %arg11[%get3A_473] {strides = array<i32>} : memref<464xf32, #tpu.memory_space<vmem>>, vector<16xf32>,
          %gt3A_475 = arith.cmpf ogt, %get3A_474, %while3A_469 : vector<16xf32>
          %select_n3A_476 = arith.select %gt3A_475, %get3A_474, %while3A_469 : vector<16xi1>, vector<16xf32>
          %mul3A_477 = arith.constant 16 : i32
          %mul3A_478 = arith.muli %while3A_468, %mul3A_477 : i32
          %add3A_479 = vector.broadcast %mul3A_478 : i32 to vector<16xi32>
          %add3A_480 = arith.addi %add3A_479, %iota3A : vector<16xi32>
          %select_n3A_481 = arith.select %gt3A_475, %add3A_480, %while3A_470 : vector<16xi1>, vector<16xi32>
          scf.yield %select_n3A_476, %select_n3A_481 : vector<16xf32>, vector<16xi32>
        }
        %reduce_max3A_437 = arith.constant true
        %reduce_max3A_438 = vector.broadcast %reduce_max3A_437 : i1 to vector<16xi1>
        %reduce_max3A_439 = tpu.scan <max>, %while3A_436#0 masked %reduce_max3A_438 : vector<16xf32>, vector<16xi1> -> vector<16xf32>
        %reduce_max3A_440 = vector.extract %reduce_max3A_439[15] : f32 from vector<16xf32>
        %eq3A_441 = vector.broadcast %reduce_max3A_440 : f32 to vector<16xf32>
        %eq3A_442 = arith.cmpf oeq, %while3A_436#0, %eq3A_441 : vector<16xf32>
        %jit3A_443 = arith.constant 1073741824 : i32
        %broadcast_in_dim3A_444 = vector.broadcast %jit3A_443 : i32 to vector<16xi32>
        %select_n3A_445 = arith.select %eq3A_442, %while3A_436#1, %broadcast_in_dim3A_444 : vector<16xi1>, vector<16xi32>
        %reduce_min3A_446 = arith.constant true
        %reduce_min3A_447 = vector.broadcast %reduce_min3A_446 : i1 to vector<16xi1>
        %reduce_min3A_448 = arith.constant -2147483648 : i32
        %reduce_min3A_449 = vector.broadcast %reduce_min3A_448 : i32 to vector<16xi32>
        %reduce_min3A_450 = arith.xori %select_n3A_445, %reduce_min3A_449 : vector<16xi32>
        %reduce_min3A_451 = tpu.scan <min>, %reduce_min3A_450 masked %reduce_min3A_447 : vector<16xi32>, vector<16xi1> -> vector<16xi32>
        %reduce_min3A_452 = arith.xori %reduce_min3A_451, %reduce_min3A_449 : vector<16xi32>
        %reduce_min3A_453 = vector.extract %reduce_min3A_452[15] : i32 from vector<16xi32>
        %broadcast_in_dim3A_454 = vector.broadcast %reduce_min3A_453 : i32 to vector<16xi32>
        %gather3A_455 = tpu.vector_load_idx %arg12[%broadcast_in_dim3A_454] : memref<464xi32, #tpu.memory_space<vmem>>[vector<16xi32>], vector<16xi32>,
        %reduce_max3A_456 = arith.constant true
        %reduce_max3A_457 = vector.broadcast %reduce_max3A_456 : i1 to vector<16xi1>
        %reduce_max3A_458 = arith.constant -2147483648 : i32
        %reduce_max3A_459 = vector.broadcast %reduce_max3A_458 : i32 to vector<16xi32>
        %reduce_max3A_460 = arith.xori %gather3A_455, %reduce_max3A_459 : vector<16xi32>
        %reduce_max3A_461 = tpu.scan <max>, %reduce_max3A_460 masked %reduce_max3A_457 : vector<16xi32>, vector<16xi1> -> vector<16xi32>
        %reduce_max3A_462 = arith.xori %reduce_max3A_461, %reduce_max3A_459 : vector<16xi32>
        %reduce_max3A_463 = vector.extract %reduce_max3A_462[15] : i32 from vector<16xi32>
        tpu.vector_store_idx %arg11[%broadcast_in_dim3A_454], %broadcast_in_dim3A_7 masked %eq3A_2 : memref<464xf32, #tpu.memory_space<vmem>>[vector<16xi32>], vector<16xf32>, vector<16xi1>
        %broadcast_in_dim3A_464 = vector.broadcast %scan3A_423 : i32 to vector<16xi32>
        %broadcast_in_dim3A_465 = vector.broadcast %reduce_max3A_440 : f32 to vector<16xf32>
        tpu.vector_store_idx %arg13[%broadcast_in_dim3A_464], %broadcast_in_dim3A_465 masked %eq3A_2 : memref<64xf32, #tpu.memory_space<vmem>>[vector<16xi32>], vector<16xf32>, vector<16xi1>
        %broadcast_in_dim3A_466 = vector.broadcast %reduce_max3A_463 : i32 to vector<16xi32>
        tpu.vector_store_idx %arg14[%broadcast_in_dim3A_464], %broadcast_in_dim3A_466 masked %eq3A_2 : memref<64xi32, #tpu.memory_space<vmem>>[vector<16xi32>], vector<16xi32>, vector<16xi1>
        %scan3A_467 = arith.constant 0 : i32
        scf.yield %scan3A_467 : i32
      }
      %scan3A_187 = arith.constant 64 : i32
      %get3A = arith.constant 0 : index
      %get3A_188 = tpu.vector_load %arg13[%get3A] {strides = array<i32>} : memref<64xf32, #tpu.memory_space<vmem>>, vector<16xf32>,
      %get3A_189 = arith.constant 16 : index
      %get3A_190 = tpu.vector_load %arg13[%get3A_189] {strides = array<i32>} : memref<64xf32, #tpu.memory_space<vmem>>, vector<16xf32>,
      %get3A_191 = arith.constant 32 : index
      %get3A_192 = tpu.vector_load %arg13[%get3A_191] {strides = array<i32>} : memref<64xf32, #tpu.memory_space<vmem>>, vector<16xf32>,
      %get3A_193 = arith.constant 48 : index
      %get3A_194 = tpu.vector_load %arg13[%get3A_193] {strides = array<i32>} : memref<64xf32, #tpu.memory_space<vmem>>, vector<16xf32>,
      %reduce_max3A_195 = arith.constant true
      %reduce_max3A_196 = vector.broadcast %reduce_max3A_195 : i1 to vector<16xi1>
      %reduce_max3A_197 = tpu.scan <max>, %get3A_188 masked %reduce_max3A_196 : vector<16xf32>, vector<16xi1> -> vector<16xf32>
      %reduce_max3A_198 = vector.extract %reduce_max3A_197[15] : f32 from vector<16xf32>
      %sub3A_199 = vector.broadcast %reduce_max3A_198 : f32 to vector<16xf32>
      %sub3A_200 = arith.subf %get3A_188, %sub3A_199 : vector<16xf32>
      %exp3A = math.exp %sub3A_200 : vector<16xf32>
      %sub3A_201 = vector.broadcast %reduce_max3A_198 : f32 to vector<16xf32>
      %sub3A_202 = arith.subf %get3A_190, %sub3A_201 : vector<16xf32>
      %exp3A_203 = math.exp %sub3A_202 : vector<16xf32>
      %sub3A_204 = vector.broadcast %reduce_max3A_198 : f32 to vector<16xf32>
      %sub3A_205 = arith.subf %get3A_192, %sub3A_204 : vector<16xf32>
      %exp3A_206 = math.exp %sub3A_205 : vector<16xf32>
      %sub3A_207 = vector.broadcast %reduce_max3A_198 : f32 to vector<16xf32>
      %sub3A_208 = arith.subf %get3A_194, %sub3A_207 : vector<16xf32>
      %exp3A_209 = math.exp %sub3A_208 : vector<16xf32>
      %add3A_210 = arith.addf %exp3A, %exp3A_203 : vector<16xf32>
      %add3A_211 = arith.addf %add3A_210, %exp3A_206 : vector<16xf32>
      %add3A_212 = arith.addf %add3A_211, %exp3A_209 : vector<16xf32>
      %reduce_sum3A = arith.constant true
      %reduce_sum3A_213 = vector.broadcast %reduce_sum3A : i1 to vector<16xi1>
      %reduce_sum3A_214 = tpu.scan <sum>, %add3A_212 masked %reduce_sum3A_213 : vector<16xf32>, vector<16xi1> -> vector<16xf32>
      %reduce_sum3A_215 = vector.extract %reduce_sum3A_214[15] : f32 from vector<16xf32>
      %div3A_216 = vector.broadcast %reduce_sum3A_215 : f32 to vector<16xf32>
      %div3A_217 = arith.divf %exp3A, %div3A_216 : vector<16xf32>
      %broadcast_in_dim3A_218 = arith.constant true
      %broadcast_in_dim3A_219 = vector.broadcast %broadcast_in_dim3A_218 : i1 to vector<16xi1>
      %masked_cumsum3A = tpu.scan <sum>, %div3A_217 masked %broadcast_in_dim3A_219 : vector<16xf32>, vector<16xi1> -> vector<16xf32>
      %add3A_220 = arith.constant 0.000000e+00 : f32
      %add3A_221 = vector.broadcast %add3A_220 : f32 to vector<16xf32>
      %add3A_222 = arith.addf %masked_cumsum3A, %add3A_221 : vector<16xf32>
      %reduce_max3A_223 = arith.constant true
      %reduce_max3A_224 = vector.broadcast %reduce_max3A_223 : i1 to vector<16xi1>
      %reduce_max3A_225 = tpu.scan <max>, %add3A_222 masked %reduce_max3A_224 : vector<16xf32>, vector<16xi1> -> vector<16xf32>
      %reduce_max3A_226 = vector.extract %reduce_max3A_225[15] : f32 from vector<16xf32>
      %le3A = arith.constant 0.899999976 : f32
      %le3A_227 = vector.broadcast %le3A : f32 to vector<16xf32>
      %le3A_228 = arith.cmpf ole, %add3A_222, %le3A_227 : vector<16xf32>
      %or3A = arith.ori %le3A_228, %eq3A_2 : vector<16xi1>
      %jit3A_229 = arith.constant 0xFF800000 : f32
      %broadcast_in_dim3A_230 = vector.broadcast %jit3A_229 : f32 to vector<16xf32>
      %select_n3A_231 = arith.select %or3A, %get3A_188, %broadcast_in_dim3A_230 : vector<16xi1>, vector<16xf32>
      %get3A_232 = arith.constant 0 : index
      %get3A_233 = tpu.vector_load %arg16[%get3A_232] {strides = array<i32>} : memref<64xf32, #tpu.memory_space<vmem>>, vector<16xf32>,
      %add3A_234 = arith.addf %select_n3A_231, %get3A_233 : vector<16xf32>
      %div3A_235 = vector.broadcast %reduce_sum3A_215 : f32 to vector<16xf32>
      %div3A_236 = arith.divf %exp3A_203, %div3A_235 : vector<16xf32>
      %broadcast_in_dim3A_237 = arith.constant true
      %broadcast_in_dim3A_238 = vector.broadcast %broadcast_in_dim3A_237 : i1 to vector<16xi1>
      %masked_cumsum3A_239 = tpu.scan <sum>, %div3A_236 masked %broadcast_in_dim3A_238 : vector<16xf32>, vector<16xi1> -> vector<16xf32>
      %add3A_240 = vector.broadcast %reduce_max3A_226 : f32 to vector<16xf32>
      %add3A_241 = arith.addf %masked_cumsum3A_239, %add3A_240 : vector<16xf32>
      %reduce_max3A_242 = arith.constant true
      %reduce_max3A_243 = vector.broadcast %reduce_max3A_242 : i1 to vector<16xi1>
      %reduce_max3A_244 = tpu.scan <max>, %add3A_241 masked %reduce_max3A_243 : vector<16xf32>, vector<16xi1> -> vector<16xf32>
      %reduce_max3A_245 = vector.extract %reduce_max3A_244[15] : f32 from vector<16xf32>
      %le3A_246 = arith.constant 0.899999976 : f32
      %le3A_247 = vector.broadcast %le3A_246 : f32 to vector<16xf32>
      %le3A_248 = arith.cmpf ole, %add3A_241, %le3A_247 : vector<16xf32>
      %jit3A_249 = arith.constant 0xFF800000 : f32
      %broadcast_in_dim3A_250 = vector.broadcast %jit3A_249 : f32 to vector<16xf32>
      %select_n3A_251 = arith.select %le3A_248, %get3A_190, %broadcast_in_dim3A_250 : vector<16xi1>, vector<16xf32>
      %get3A_252 = arith.constant 16 : index
      %get3A_253 = tpu.vector_load %arg16[%get3A_252] {strides = array<i32>} : memref<64xf32, #tpu.memory_space<vmem>>, vector<16xf32>,
      %add3A_254 = arith.addf %select_n3A_251, %get3A_253 : vector<16xf32>
      %div3A_255 = vector.broadcast %reduce_sum3A_215 : f32 to vector<16xf32>
      %div3A_256 = arith.divf %exp3A_206, %div3A_255 : vector<16xf32>
      %broadcast_in_dim3A_257 = arith.constant true
      %broadcast_in_dim3A_258 = vector.broadcast %broadcast_in_dim3A_257 : i1 to vector<16xi1>
      %masked_cumsum3A_259 = tpu.scan <sum>, %div3A_256 masked %broadcast_in_dim3A_258 : vector<16xf32>, vector<16xi1> -> vector<16xf32>
      %add3A_260 = vector.broadcast %reduce_max3A_245 : f32 to vector<16xf32>
      %add3A_261 = arith.addf %masked_cumsum3A_259, %add3A_260 : vector<16xf32>
      %reduce_max3A_262 = arith.constant true
      %reduce_max3A_263 = vector.broadcast %reduce_max3A_262 : i1 to vector<16xi1>
      %reduce_max3A_264 = tpu.scan <max>, %add3A_261 masked %reduce_max3A_263 : vector<16xf32>, vector<16xi1> -> vector<16xf32>
      %reduce_max3A_265 = vector.extract %reduce_max3A_264[15] : f32 from vector<16xf32>
      %le3A_266 = arith.constant 0.899999976 : f32
      %le3A_267 = vector.broadcast %le3A_266 : f32 to vector<16xf32>
      %le3A_268 = arith.cmpf ole, %add3A_261, %le3A_267 : vector<16xf32>
      %jit3A_269 = arith.constant 0xFF800000 : f32
      %broadcast_in_dim3A_270 = vector.broadcast %jit3A_269 : f32 to vector<16xf32>
      %select_n3A_271 = arith.select %le3A_268, %get3A_192, %broadcast_in_dim3A_270 : vector<16xi1>, vector<16xf32>
      %get3A_272 = arith.constant 32 : index
      %get3A_273 = tpu.vector_load %arg16[%get3A_272] {strides = array<i32>} : memref<64xf32, #tpu.memory_space<vmem>>, vector<16xf32>,
      %add3A_274 = arith.addf %select_n3A_271, %get3A_273 : vector<16xf32>
      %div3A_275 = vector.broadcast %reduce_sum3A_215 : f32 to vector<16xf32>
      %div3A_276 = arith.divf %exp3A_209, %div3A_275 : vector<16xf32>
      %broadcast_in_dim3A_277 = arith.constant true
      %broadcast_in_dim3A_278 = vector.broadcast %broadcast_in_dim3A_277 : i1 to vector<16xi1>
      %masked_cumsum3A_279 = tpu.scan <sum>, %div3A_276 masked %broadcast_in_dim3A_278 : vector<16xf32>, vector<16xi1> -> vector<16xf32>
      %add3A_280 = vector.broadcast %reduce_max3A_265 : f32 to vector<16xf32>
      %add3A_281 = arith.addf %masked_cumsum3A_279, %add3A_280 : vector<16xf32>
      %reduce_max3A_282 = arith.constant true
      %reduce_max3A_283 = vector.broadcast %reduce_max3A_282 : i1 to vector<16xi1>
      %reduce_max3A_284 = tpu.scan <max>, %add3A_281 masked %reduce_max3A_283 : vector<16xf32>, vector<16xi1> -> vector<16xf32>
      %reduce_max3A_285 = vector.extract %reduce_max3A_284[15] : f32 from vector<16xf32>
      %le3A_286 = arith.constant 0.899999976 : f32
      %le3A_287 = vector.broadcast %le3A_286 : f32 to vector<16xf32>
      %le3A_288 = arith.cmpf ole, %add3A_281, %le3A_287 : vector<16xf32>
      %jit3A_289 = arith.constant 0xFF800000 : f32
      %broadcast_in_dim3A_290 = vector.broadcast %jit3A_289 : f32 to vector<16xf32>
      %select_n3A_291 = arith.select %le3A_288, %get3A_194, %broadcast_in_dim3A_290 : vector<16xi1>, vector<16xf32>
      %get3A_292 = arith.constant 48 : index
      %get3A_293 = tpu.vector_load %arg16[%get3A_292] {strides = array<i32>} : memref<64xf32, #tpu.memory_space<vmem>>, vector<16xf32>,
      %add3A_294 = arith.addf %select_n3A_291, %get3A_293 : vector<16xf32>
      %broadcast_in_dim3A_295 = arith.constant 1073741824 : i32
      %broadcast_in_dim3A_296 = vector.broadcast %broadcast_in_dim3A_295 : i32 to vector<16xi32>
      %get3A_297 = arith.constant 0 : index
      %get3A_298 = tpu.vector_load %arg15[%get3A_297] {strides = array<i32>} : memref<64xf32, #tpu.memory_space<vmem>>, vector<16xf32>,
      %add3A_299 = arith.addf %add3A_234, %get3A_298 : vector<16xf32>
      %gt3A = arith.cmpf ogt, %add3A_299, %broadcast_in_dim3A_7 : vector<16xf32>
      %select_n3A_300 = arith.select %gt3A, %add3A_299, %broadcast_in_dim3A_7 : vector<16xi1>, vector<16xf32>
      %add3A_301 = arith.constant 0 : i32
      %add3A_302 = vector.broadcast %add3A_301 : i32 to vector<16xi32>
      %add3A_303 = arith.addi %add3A_302, %iota3A : vector<16xi32>
      %select_n3A_304 = arith.select %gt3A, %add3A_303, %broadcast_in_dim3A_296 : vector<16xi1>, vector<16xi32>
      %get3A_305 = arith.constant 16 : index
      %get3A_306 = tpu.vector_load %arg15[%get3A_305] {strides = array<i32>} : memref<64xf32, #tpu.memory_space<vmem>>, vector<16xf32>,
      %add3A_307 = arith.addf %add3A_254, %get3A_306 : vector<16xf32>
      %gt3A_308 = arith.cmpf ogt, %add3A_307, %select_n3A_300 : vector<16xf32>
      %select_n3A_309 = arith.select %gt3A_308, %add3A_307, %select_n3A_300 : vector<16xi1>, vector<16xf32>
      %add3A_310 = arith.constant 16 : i32
      %add3A_311 = vector.broadcast %add3A_310 : i32 to vector<16xi32>
      %add3A_312 = arith.addi %add3A_311, %iota3A : vector<16xi32>
      %select_n3A_313 = arith.select %gt3A_308, %add3A_312, %select_n3A_304 : vector<16xi1>, vector<16xi32>
      %get3A_314 = arith.constant 32 : index
      %get3A_315 = tpu.vector_load %arg15[%get3A_314] {strides = array<i32>} : memref<64xf32, #tpu.memory_space<vmem>>, vector<16xf32>,
      %add3A_316 = arith.addf %add3A_274, %get3A_315 : vector<16xf32>
      %gt3A_317 = arith.cmpf ogt, %add3A_316, %select_n3A_309 : vector<16xf32>
      %select_n3A_318 = arith.select %gt3A_317, %add3A_316, %select_n3A_309 : vector<16xi1>, vector<16xf32>
      %add3A_319 = arith.constant 32 : i32
      %add3A_320 = vector.broadcast %add3A_319 : i32 to vector<16xi32>
      %add3A_321 = arith.addi %add3A_320, %iota3A : vector<16xi32>
      %select_n3A_322 = arith.select %gt3A_317, %add3A_321, %select_n3A_313 : vector<16xi1>, vector<16xi32>
      %get3A_323 = arith.constant 48 : index
      %get3A_324 = tpu.vector_load %arg15[%get3A_323] {strides = array<i32>} : memref<64xf32, #tpu.memory_space<vmem>>, vector<16xf32>,
      %add3A_325 = arith.addf %add3A_294, %get3A_324 : vector<16xf32>
      %gt3A_326 = arith.cmpf ogt, %add3A_325, %select_n3A_318 : vector<16xf32>
      %select_n3A_327 = arith.select %gt3A_326, %add3A_325, %select_n3A_318 : vector<16xi1>, vector<16xf32>
      %add3A_328 = arith.constant 48 : i32
      %add3A_329 = vector.broadcast %add3A_328 : i32 to vector<16xi32>
      %add3A_330 = arith.addi %add3A_329, %iota3A : vector<16xi32>
      %select_n3A_331 = arith.select %gt3A_326, %add3A_330, %select_n3A_322 : vector<16xi1>, vector<16xi32>
      %reduce_max3A_332 = arith.constant true
      %reduce_max3A_333 = vector.broadcast %reduce_max3A_332 : i1 to vector<16xi1>
      %reduce_max3A_334 = tpu.scan <max>, %select_n3A_327 masked %reduce_max3A_333 : vector<16xf32>, vector<16xi1> -> vector<16xf32>
      %reduce_max3A_335 = vector.extract %reduce_max3A_334[15] : f32 from vector<16xf32>
      %eq3A_336 = vector.broadcast %reduce_max3A_335 : f32 to vector<16xf32>
      %eq3A_337 = arith.cmpf oeq, %select_n3A_327, %eq3A_336 : vector<16xf32>
      %jit3A_338 = arith.constant 1073741824 : i32
      %broadcast_in_dim3A_339 = vector.broadcast %jit3A_338 : i32 to vector<16xi32>
      %select_n3A_340 = arith.select %eq3A_337, %select_n3A_331, %broadcast_in_dim3A_339 : vector<16xi1>, vector<16xi32>
      %reduce_min3A = arith.constant true
      %reduce_min3A_341 = vector.broadcast %reduce_min3A : i1 to vector<16xi1>
      %reduce_min3A_342 = arith.constant -2147483648 : i32
      %reduce_min3A_343 = vector.broadcast %reduce_min3A_342 : i32 to vector<16xi32>
      %reduce_min3A_344 = arith.xori %select_n3A_340, %reduce_min3A_343 : vector<16xi32>
      %reduce_min3A_345 = tpu.scan <min>, %reduce_min3A_344 masked %reduce_min3A_341 : vector<16xi32>, vector<16xi1> -> vector<16xi32>
      %reduce_min3A_346 = arith.xori %reduce_min3A_345, %reduce_min3A_343 : vector<16xi32>
      %reduce_min3A_347 = vector.extract %reduce_min3A_346[15] : i32 from vector<16xi32>
      %broadcast_in_dim3A_348 = vector.broadcast %reduce_min3A_347 : i32 to vector<16xi32>
      %gather3A = tpu.vector_load_idx %arg14[%broadcast_in_dim3A_348] : memref<64xi32, #tpu.memory_space<vmem>>[vector<16xi32>], vector<16xi32>,
      %reduce_max3A_349 = arith.constant true
      %reduce_max3A_350 = vector.broadcast %reduce_max3A_349 : i1 to vector<16xi1>
      %reduce_max3A_351 = arith.constant -2147483648 : i32
      %reduce_max3A_352 = vector.broadcast %reduce_max3A_351 : i32 to vector<16xi32>
      %reduce_max3A_353 = arith.xori %gather3A, %reduce_max3A_352 : vector<16xi32>
      %reduce_max3A_354 = tpu.scan <max>, %reduce_max3A_353 masked %reduce_max3A_350 : vector<16xi32>, vector<16xi1> -> vector<16xi32>
      %reduce_max3A_355 = arith.xori %reduce_max3A_354, %reduce_max3A_352 : vector<16xi32>
      %reduce_max3A_356 = vector.extract %reduce_max3A_355[15] : i32 from vector<16xi32>
      %get3A_357 = arith.constant 0 : index
      %get3A_358 = tpu.vector_load %arg16[%get3A_357] {strides = array<i32>} : memref<64xf32, #tpu.memory_space<vmem>>, vector<16xf32>,
      %eq3A_359 = arith.constant 0.000000e+00 : f32
      %eq3A_360 = vector.broadcast %eq3A_359 : f32 to vector<16xf32>
      %eq3A_361 = arith.cmpf oeq, %get3A_358, %eq3A_360 : vector<16xf32>
      %and3A_362 = arith.andi %or3A, %eq3A_361 : vector<16xi1>
      %jit3A_363 = arith.constant 0.000000e+00 : f32
      %broadcast_in_dim3A_364 = vector.broadcast %jit3A_363 : f32 to vector<16xf32>
      %select_n3A_365 = arith.select %and3A_362, %exp3A, %broadcast_in_dim3A_364 : vector<16xi1>, vector<16xf32>
      %get3A_366 = arith.constant 16 : index
      %get3A_367 = tpu.vector_load %arg16[%get3A_366] {strides = array<i32>} : memref<64xf32, #tpu.memory_space<vmem>>, vector<16xf32>,
      %eq3A_368 = arith.constant 0.000000e+00 : f32
      %eq3A_369 = vector.broadcast %eq3A_368 : f32 to vector<16xf32>
      %eq3A_370 = arith.cmpf oeq, %get3A_367, %eq3A_369 : vector<16xf32>
      %and3A_371 = arith.andi %le3A_248, %eq3A_370 : vector<16xi1>
      %jit3A_372 = arith.constant 0.000000e+00 : f32
      %broadcast_in_dim3A_373 = vector.broadcast %jit3A_372 : f32 to vector<16xf32>
      %select_n3A_374 = arith.select %and3A_371, %exp3A_203, %broadcast_in_dim3A_373 : vector<16xi1>, vector<16xf32>
      %get3A_375 = arith.constant 32 : index
      %get3A_376 = tpu.vector_load %arg16[%get3A_375] {strides = array<i32>} : memref<64xf32, #tpu.memory_space<vmem>>, vector<16xf32>,
      %eq3A_377 = arith.constant 0.000000e+00 : f32
      %eq3A_378 = vector.broadcast %eq3A_377 : f32 to vector<16xf32>
      %eq3A_379 = arith.cmpf oeq, %get3A_376, %eq3A_378 : vector<16xf32>
      %and3A_380 = arith.andi %le3A_268, %eq3A_379 : vector<16xi1>
      %jit3A_381 = arith.constant 0.000000e+00 : f32
      %broadcast_in_dim3A_382 = vector.broadcast %jit3A_381 : f32 to vector<16xf32>
      %select_n3A_383 = arith.select %and3A_380, %exp3A_206, %broadcast_in_dim3A_382 : vector<16xi1>, vector<16xf32>
      %get3A_384 = arith.constant 48 : index
      %get3A_385 = tpu.vector_load %arg16[%get3A_384] {strides = array<i32>} : memref<64xf32, #tpu.memory_space<vmem>>, vector<16xf32>,
      %eq3A_386 = arith.constant 0.000000e+00 : f32
      %eq3A_387 = vector.broadcast %eq3A_386 : f32 to vector<16xf32>
      %eq3A_388 = arith.cmpf oeq, %get3A_385, %eq3A_387 : vector<16xf32>
      %and3A_389 = arith.andi %le3A_288, %eq3A_388 : vector<16xi1>
      %jit3A_390 = arith.constant 0.000000e+00 : f32
      %broadcast_in_dim3A_391 = vector.broadcast %jit3A_390 : f32 to vector<16xf32>
      %select_n3A_392 = arith.select %and3A_389, %exp3A_209, %broadcast_in_dim3A_391 : vector<16xi1>, vector<16xf32>
      %add3A_393 = arith.addf %select_n3A_365, %select_n3A_374 : vector<16xf32>
      %add3A_394 = arith.addf %add3A_393, %select_n3A_383 : vector<16xf32>
      %add3A_395 = arith.addf %add3A_394, %select_n3A_392 : vector<16xf32>
      %reduce_sum3A_396 = arith.constant true
      %reduce_sum3A_397 = vector.broadcast %reduce_sum3A_396 : i1 to vector<16xi1>
      %reduce_sum3A_398 = tpu.scan <sum>, %add3A_395 masked %reduce_sum3A_397 : vector<16xf32>, vector<16xi1> -> vector<16xf32>
      %reduce_sum3A_399 = vector.extract %reduce_sum3A_398[15] : f32 from vector<16xf32>
      %div3A_400 = vector.broadcast %reduce_sum3A_399 : f32 to vector<16xf32>
      %div3A_401 = arith.divf %select_n3A_365, %div3A_400 : vector<16xf32>
      %swap3A_402 = arith.constant 0 : index
      %swap3A_403 = tpu.vector_load %arg17[%swap3A_402] {strides = array<i32>} : memref<64xf32, #tpu.memory_space<vmem>>, vector<16xf32>,
      tpu.vector_store %arg17[%swap3A_402], %div3A_401 {strides = array<i32>} : memref<64xf32, #tpu.memory_space<vmem>>, vector<16xf32>,
      %div3A_404 = vector.broadcast %reduce_sum3A_399 : f32 to vector<16xf32>
      %div3A_405 = arith.divf %select_n3A_374, %div3A_404 : vector<16xf32>
      %swap3A_406 = arith.constant 16 : index
      %swap3A_407 = tpu.vector_load %arg17[%swap3A_406] {strides = array<i32>} : memref<64xf32, #tpu.memory_space<vmem>>, vector<16xf32>,
      tpu.vector_store %arg17[%swap3A_406], %div3A_405 {strides = array<i32>} : memref<64xf32, #tpu.memory_space<vmem>>, vector<16xf32>,
      %div3A_408 = vector.broadcast %reduce_sum3A_399 : f32 to vector<16xf32>
      %div3A_409 = arith.divf %select_n3A_383, %div3A_408 : vector<16xf32>
      %swap3A_410 = arith.constant 32 : index
      %swap3A_411 = tpu.vector_load %arg17[%swap3A_410] {strides = array<i32>} : memref<64xf32, #tpu.memory_space<vmem>>, vector<16xf32>,
      tpu.vector_store %arg17[%swap3A_410], %div3A_409 {strides = array<i32>} : memref<64xf32, #tpu.memory_space<vmem>>, vector<16xf32>,
      %div3A_412 = vector.broadcast %reduce_sum3A_399 : f32 to vector<16xf32>
      %div3A_413 = arith.divf %select_n3A_392, %div3A_412 : vector<16xf32>
      %swap3A_414 = arith.constant 48 : index
      %swap3A_415 = tpu.vector_load %arg17[%swap3A_414] {strides = array<i32>} : memref<64xf32, #tpu.memory_space<vmem>>, vector<16xf32>,
      tpu.vector_store %arg17[%swap3A_414], %div3A_413 {strides = array<i32>} : memref<64xf32, #tpu.memory_space<vmem>>, vector<16xf32>,
      %jit3A_416 = arith.constant 0 : i32
      %broadcast_in_dim3A_417 = vector.broadcast %reduce_max3A_356 : i32 to vector<16xi32>
      %broadcast_in_dim3A_418 = vector.broadcast %jit3A_416 : i32 to vector<16xi32>
      %select_n3A_419 = arith.select %eq3A_2, %broadcast_in_dim3A_417, %broadcast_in_dim3A_418 : vector<16xi1>, vector<16xi32>
      %swap3A_420 = arith.constant 0 : index
      %swap3A_421 = tpu.vector_load %arg18[%swap3A_420] {strides = array<i32>} : memref<16xi32, #tpu.memory_space<vmem>>, vector<16xi32>,
      tpu.vector_store %arg18[%swap3A_420], %select_n3A_419 {strides = array<i32>} : memref<16xi32, #tpu.memory_space<vmem>>, vector<16xi32>,
      "tpu.region"() ({
        %run_scoped3A = tpu.sem_alloc : memref<!tpu.dma_semaphore, #tpu.memory_space<semaphore_mem>>
        %dma_start3A_423 = arith.constant 0 : i32
        %dma_start3A_424 = tpu.memref_slice %arg6[%add3A_28, %dma_start3A_423] : memref<128x64xf32, #tpu.memory_space<hbm>> -> memref<1x64xf32, #tpu.memory_space<hbm>>
        %dma_start3A_425 = tpu.memref_squeeze %dma_start3A_424 : memref<1x64xf32, #tpu.memory_space<hbm>> -> memref<64xf32, #tpu.memory_space<hbm>>
        %dma_start3A_426 = arith.constant 0 : i32
        %dma_start3A_427 = tpu.memref_slice %arg6[%add3A_28, %dma_start3A_426] : memref<128x64xf32, #tpu.memory_space<hbm>> -> memref<1x64xf32, #tpu.memory_space<hbm>>
        %dma_start3A_428 = tpu.memref_squeeze %dma_start3A_427 : memref<1x64xf32, #tpu.memory_space<hbm>> -> memref<64xf32, #tpu.memory_space<hbm>>
        tpu.enqueue_dma source(%arg17 : memref<64xf32, #tpu.memory_space<vmem>>) target(%dma_start3A_428 : memref<64xf32, #tpu.memory_space<hbm>>) target_semaphore(%run_scoped3A : memref<!tpu.dma_semaphore, #tpu.memory_space<semaphore_mem>>)
        %dma_wait3A_429 = arith.constant 0 : i32
        %dma_wait3A_430 = tpu.memref_slice %arg6[%add3A_28, %dma_wait3A_429] : memref<128x64xf32, #tpu.memory_space<hbm>> -> memref<1x64xf32, #tpu.memory_space<hbm>>
        %dma_wait3A_431 = tpu.memref_squeeze %dma_wait3A_430 : memref<1x64xf32, #tpu.memory_space<hbm>> -> memref<64xf32, #tpu.memory_space<hbm>>
        %dma_wait3A_432 = arith.constant 0 : i32
        %dma_wait3A_433 = tpu.memref_slice %arg6[%add3A_28, %dma_wait3A_432] : memref<128x64xf32, #tpu.memory_space<hbm>> -> memref<1x64xf32, #tpu.memory_space<hbm>>
        %dma_wait3A_434 = tpu.memref_squeeze %dma_wait3A_433 : memref<1x64xf32, #tpu.memory_space<hbm>> -> memref<64xf32, #tpu.memory_space<hbm>>
        tpu.wait_dma2 semaphore(%run_scoped3A : memref<!tpu.dma_semaphore, #tpu.memory_space<semaphore_mem>>) src(%arg17 : memref<64xf32, #tpu.memory_space<vmem>>) dst(%dma_wait3A_434 : memref<64xf32, #tpu.memory_space<hbm>>)
        tpu.yield
      }) : () -> ()
      "tpu.region"() ({
        %run_scoped3A = tpu.sem_alloc : memref<!tpu.dma_semaphore, #tpu.memory_space<semaphore_mem>>
        %dma_start3A_423 = arith.constant 0 : i32
        %dma_start3A_424 = tpu.memref_slice %arg5[%add3A_28, %dma_start3A_423] : memref<128x16xi32, #tpu.memory_space<hbm>> -> memref<1x16xi32, #tpu.memory_space<hbm>>
        %dma_start3A_425 = tpu.memref_squeeze %dma_start3A_424 : memref<1x16xi32, #tpu.memory_space<hbm>> -> memref<16xi32, #tpu.memory_space<hbm>>
        %dma_start3A_426 = arith.constant 0 : i32
        %dma_start3A_427 = tpu.memref_slice %arg5[%add3A_28, %dma_start3A_426] : memref<128x16xi32, #tpu.memory_space<hbm>> -> memref<1x16xi32, #tpu.memory_space<hbm>>
        %dma_start3A_428 = tpu.memref_squeeze %dma_start3A_427 : memref<1x16xi32, #tpu.memory_space<hbm>> -> memref<16xi32, #tpu.memory_space<hbm>>
        tpu.enqueue_dma source(%arg18 : memref<16xi32, #tpu.memory_space<vmem>>) target(%dma_start3A_428 : memref<16xi32, #tpu.memory_space<hbm>>) target_semaphore(%run_scoped3A : memref<!tpu.dma_semaphore, #tpu.memory_space<semaphore_mem>>)
        %dma_wait3A_429 = arith.constant 0 : i32
        %dma_wait3A_430 = tpu.memref_slice %arg5[%add3A_28, %dma_wait3A_429] : memref<128x16xi32, #tpu.memory_space<hbm>> -> memref<1x16xi32, #tpu.memory_space<hbm>>
        %dma_wait3A_431 = tpu.memref_squeeze %dma_wait3A_430 : memref<1x16xi32, #tpu.memory_space<hbm>> -> memref<16xi32, #tpu.memory_space<hbm>>
        %dma_wait3A_432 = arith.constant 0 : i32
        %dma_wait3A_433 = tpu.memref_slice %arg5[%add3A_28, %dma_wait3A_432] : memref<128x16xi32, #tpu.memory_space<hbm>> -> memref<1x16xi32, #tpu.memory_space<hbm>>
        %dma_wait3A_434 = tpu.memref_squeeze %dma_wait3A_433 : memref<1x16xi32, #tpu.memory_space<hbm>> -> memref<16xi32, #tpu.memory_space<hbm>>
        tpu.wait_dma2 semaphore(%run_scoped3A : memref<!tpu.dma_semaphore, #tpu.memory_space<semaphore_mem>>) src(%arg18 : memref<16xi32, #tpu.memory_space<vmem>>) dst(%dma_wait3A_434 : memref<16xi32, #tpu.memory_space<hbm>>)
        tpu.yield
      }) : () -> ()
      %scan3A_422 = arith.constant 0 : i32
      scf.yield %scan3A_422 : i32
    }
    %scan3A_23 = arith.constant 4 : i32
    return
  }
}

</mosaic_0001>

<sc_bundles>
// kernel: _sc_topk_sample.3.cloned.1.call-start
scs
__scs_entry_jumppad:
0x0: {  	(pc) =	sbr.rel $0x88, $3  }
0x1: {  	(tag) =	ssettag $0x0;
	lr =	simm.s32 $0x1  }
0x2: {  	[smem:$0x3F9E] =	sst lr;
	_ =	strace $0xD0000000  }
0x3: {  	_ = 	snop  }
0x4: {  	_ = 	snop  }
0x5: {  	_ = 	snop  }
0x6: {  	_ = 	snop  }
0x7: {  	_ = 	snop  }
__scs_overlays_trampoline_lowered:
0x8: {  	[smem:$0x3FAD] =	sst s0  }
0x9: {  	[smem:$0x3FAE] =	sst s1  }
0xa: {  	[smem:$0x3FAF] =	sst s2  }
0xb: {  	[smem:$0x3FB0] =	sst s3  }
0xc: {  	[smem:$0x3FB1] =	sst s4  }
0xd: {  	[smem:$0x3FB2] =	sst s5  }
0xe: {  	[smem:$0x3FB3] =	sst s6  }
0xf: {  	[smem:$0x3FB4] =	sst s7  }
0x10: {  	[smem:$0x3FB5] =	sst s8  }
0x11: {  	[smem:$0x3FB6] =	sst s9;
	s0 =	simm.s32 @!p0 $0x0  }
0x12: {  	s1 =	sld [smem:$0x3F9C];
	s0 =	simm.s32 @p0 $0x1  }
0x13: {  	[smem:$0x3FB7] =	sst s0;
	s0 =	simm.s32 @!p1 $0x0  }
0x14: {  	s2 =	sld [smem:$0x3F9B];
	s0 =	simm.s32 @p1 $0x1  }
0x15: {  	[smem:$0x3FB8] =	sst s0;
	s0 =	simm.s32 @!p2 $0x0  }
0x16: {  	s3 =	sld [smem:$0x3FDB];
	s0 =	simm.s32 @p2 $0x1  }
0x17: {  	s4 =	simm.s32 $0x1BF5;
	[smem:$0x3FBA] =	sst s0  }
0x18: {  	s0 =	sld [smem:$0x3F9D];
	_ =	swait.ge [sflag:s4], $0x0  }
0x19: {  	s7 =	sld [smem:$0x3F9E]  }
0x1a: {  	s8 =	sadd.s32 $0xFFFFE003, lr  }
0x1b: {  	s9 =	sadd.s32 $0xFFFFFEF7, lr;
	s5 =	simm.s32 $0xFFFFFFFF;
	p2 =	slt.u32 s8, $0xFFFFF086  }
0x1c: {  	p1 =	slt.u32 s9, $0xF7A;
	s5 =	simm.s32 @!p2 $0x0  }
0x1d: {  	s5 =	simm.s32 @p1 $0x1;
	p0 =	seq.s32 s7, s2  }
0x1e: {  	s7 =	smul.u32 @!p0 $0xF7A, s2;
	p2 =	seq.s32 @!p0 s5, $0x0  }
0x1f: {  	s9 =	smul.u32 $0xF7A, s1;
	s8 =	simm.s32 @!p0 $0x1BF5;
	p2 =	por !p2, p0  }
0x20: {  	[sflag:s8] =	ssyncset.s32 @!p0 $0xFFFFF086;
	s6 =	sadd.s32 @!p0 s3, s7;
	s7 =	simm.s32 @!p0 $0x108  }
0x21: {  	s3 =	sadd.s32 s3, s9;
	s6 =	sadd.s32 @!p0 $0x88, s6;
	s7 =	simm.s32 @p2 $0x1082  }
0x22: {  	[simem:s7], [sflag:s8] =	dma.local @!p0 [hbm:s6], $0xF7A  }
0x23: {  	s9 =	sor.u32 $0xD0000000, s2;
	s6 =	simm.s32 $0x108;
	_ =	swait.ge @!p0 [sflag:s8], $0x0  }
0x24: {  	s3 =	sadd.s32 $0x88, s3;
	s6 =	simm.s32 @!p1 $0x1082;
	[sflag:s4] =	ssyncset.s32 $0xFFFFF086  }
0x25: {  	[simem:s6], [sflag:s4] =	dma.local [hbm:s3], $0xF7A  }
0x26: {  	[smem:$0x3F9E] =	sst s1;
	(tag) =	ssettag s2;
	_ =	strace s9  }
0x27: {  	s1 =	sld [smem:$0x3FAE]  }
0x28: {  	s2 =	sld [smem:$0x3FAF]  }
0x29: {  	s4 =	sld [smem:$0x3FB1]  }
0x2a: {  	p0 =	seq.s32 s5, $0x0;
	s5 =	sld [smem:$0x3FB2]  }
0x2b: {  	s6 =	sld [smem:$0x3FB3]  }
0x2c: {  	s7 =	sld [smem:$0x3FB4]  }
0x2d: {  	s3 =	simm.s32 $0x108;
	s8 =	sld [smem:$0x3FB5]  }
0x2e: {  	s3 =	simm.s32 @!p0 $0x1082;
	s9 =	sld [smem:$0x3FB6]  }
0x2f: {  	lr =	sadd.s32 s0, s3;
	s0 =	sld [smem:$0x3FAD]  }
0x30: {  	s3 =	sld [smem:$0x3FB0]  }
0x31: {  	[smem:$0x3FB9] =	sst s10  }
0x32: {  	s10 =	sld [smem:$0x3FB7];
	_ =	sdelay $0x3  }
0x33: {  	p0 =	seq.s32 s10, $0x1;
	s10 =	sld [smem:$0x3FB9];
	_ =	sdelay $0x3  }
0x34: {  	[smem:$0x3FB9] =	sst s10  }
0x35: {  	s10 =	sld [smem:$0x3FB8];
	_ =	sdelay $0x3  }
0x36: {  	p1 =	seq.s32 s10, $0x1;
	s10 =	sld [smem:$0x3FB9];
	_ =	sdelay $0x3  }
0x37: {  	[smem:$0x3FB9] =	sst s10  }
0x38: {  	s10 =	sld [smem:$0x3FBA]  }
0x39: {  	_ = 	snop;
	(pc) =	sbr.ind lr, $3  }
0x3a: {  	_ = 	snop  }
0x3b: {  	_ = 	snop  }
0x3c: {  	p2 =	seq.s32 s10, $0x1;
	s10 =	sld [smem:$0x3FB9]  }
0x3d: {  	_ =	shalt  }
0x3e: {  	_ =	shalt  }
0x3f: {  	_ =	shalt  }
0x40: {  	_ =	shalt  }
0x41: {  	_ =	shalt  }
0x42: {  	_ =	shalt  }
0x43: {  	_ =	shalt  }
0x44: {  	_ =	shalt  }
0x45: {  	_ =	shalt  }
0x46: {  	_ =	shalt  }
0x47: {  	_ =	shalt  }
0x48: {  	_ =	shalt  }
0x49: {  	_ =	shalt  }
0x4a: {  	_ =	shalt  }
0x4b: {  	_ =	shalt  }
0x4c: {  	_ =	shalt  }
0x4d: {  	_ =	shalt  }
0x4e: {  	_ =	shalt  }
0x4f: {  	_ =	shalt  }
0x50: {  	_ =	shalt  }
0x51: {  	_ =	shalt  }
0x52: {  	_ =	shalt  }
0x53: {  	_ =	shalt  }
0x54: {  	_ =	shalt  }
0x55: {  	_ =	shalt  }
0x56: {  	_ =	shalt  }
0x57: {  	_ =	shalt  }
0x58: {  	_ =	shalt  }
0x59: {  	_ =	shalt  }
0x5a: {  	_ =	shalt  }
0x5b: {  	_ =	shalt  }
0x5c: {  	_ =	shalt  }
0x5d: {  	_ =	shalt  }
0x5e: {  	_ =	shalt  }
0x5f: {  	_ =	shalt  }
0x60: {  	_ =	shalt  }
0x61: {  	_ =	shalt  }
0x62: {  	_ =	shalt  }
0x63: {  	_ =	shalt  }
0x64: {  	_ =	shalt  }
0x65: {  	_ =	shalt  }
0x66: {  	_ =	shalt  }
0x67: {  	_ =	shalt  }
0x68: {  	_ =	shalt  }
0x69: {  	_ =	shalt  }
0x6a: {  	_ =	shalt  }
0x6b: {  	_ =	shalt  }
0x6c: {  	_ =	shalt  }
0x6d: {  	_ =	shalt  }
0x6e: {  	_ =	shalt  }
0x6f: {  	_ =	shalt  }
0x70: {  	_ =	shalt  }
0x71: {  	_ =	shalt  }
0x72: {  	_ =	shalt  }
0x73: {  	_ =	shalt  }
0x74: {  	_ =	shalt  }
0x75: {  	_ =	shalt  }
0x76: {  	_ =	shalt  }
0x77: {  	_ =	shalt  }
0x78: {  	_ =	shalt  }
0x79: {  	_ =	shalt  }
0x7a: {  	_ =	shalt  }
0x7b: {  	_ =	shalt  }
0x7c: {  	_ =	shalt  }
0x7d: {  	_ =	shalt  }
0x7e: {  	_ =	shalt  }
0x7f: {  	_ =	shalt  }
0x80: {  	_ =	shalt  }
0x81: {  	_ =	shalt  }
0x82: {  	_ =	shalt  }
0x83: {  	_ =	shalt  }
0x84: {  	_ =	shalt  }
0x85: {  	_ =	shalt  }
0x86: {  	_ =	shalt  }
0x87: {  	_ =	shalt  }
.Lfunc_end0:
.L_simem_size_0:
called_computation_lowered:
.L_overlay_start_0:
0x88: {  	s2 =	sld [smem:$0x3FD9]  }
0x89: {  	s3 =	sld [smem:$0x3FFE];
	_ =	sdelay $0x1  }
0x8a: {  	s1 =	srdreg.scid  }
0x8b: {  	s0 =	sand.u32 $0x1, s1  }
0x8c: {  	s17 =	sshll.u32 s0, $0xA;
	s2 =	sadd.s32 s3, s2  }
0x8d: {  	s2 =	sadd.s32 s2, s17  }
0x8e: {  	[smem:$0x3FC5] =	sst s2  }
0x8f: {  	_ = 	snop  }
0x90: {  	s2 =	sld [smem:$0x3FC7];
	(tm) =	ssettm $0x1  }
0x91: {  	s18 =	sld [smem:$0x3FFB];
	_ =	sdelay $0x3  }
0x92: {  	_ =	strace s18  }
0x93: {  	s3 =	sld [smem:$0x3FFC];
	_ =	sdelay $0x3  }
0x94: {  	_ =	strace s3  }
0x95: {  	s3 =	sld [smem:$0x3FFD];
	_ =	sdelay $0x3  }
0x96: {  	_ =	strace s3  }
0x97: {  	_ =	strace $0x8FFFFFFF  }
0x98: {  	s19 =	sld [smem:$0x3FDB];
	_ =	sdelay $0x1  }
0x99: {  	s4 =	simm.s32 $_scs_section_size  }
0x9a: {  	s5 =	simm.s32 $_size__tile_overlayer_lowered;
	s6 =	simm.s32 $_tile_overlayer_lowered  }
0x9b: {  	s22 =	simm.s32 $0x1BFF;
	s21 =	sshll.u32 s6, $0x1;
	s3 =	sadd.s32 s4, s19  }
0x9c: {  	s7 =	simm.s32 $0x0;
	s20 =	sshll.u32 s5, $0x1;
	s5 =	sadd.s32 s21, s3  }
0x9d: {  	[timem:s7], [sflag:s22] =	dma.local [hbm:s5], s20  }
0x9e: {  	_ =	swait.ge [sflag:s22], s20  }
0x9f: {  	s4 =	ssub.s32 $0x0, s20;
	[sflag:s22] =	ssyncset.done $0x0  }
0xa0: {  	[sflag:s22] =	ssyncadd.s32 s4;
	_ =	sdelay $0x1  }
0xa1: {  	s23 =	simm.s32 $0x1B8B  }
0xa2: {  	_ =	swait.ge [sflag:s23], $0x1  }
0xa3: {  	[sflag:s23] =	ssyncset.done $0x0  }
0xa4: {  	s25 =	simm.s32 $0x1B8E;
	s24 =	sld [smem:$0x3FFE];
	[sflag:s23] =	ssyncadd.s32 $0xFFFFFFFF  }
0xa5: {  	s26 =	simm.s32 $execute0_lowered;
	[smem:$0x3FD2] =	sst s25  }
0xa6: {  	s5 =	sshll.u32 s26, $0x1;
	_ =	strace $0x80000046;
	[dreg:$0x1] =	wrdreg $0xFFFFFFFF  }
0xa7: {  	s28 =	simm.s32 $_size_execute0_lowered;
	s3 =	sadd.s32 s3, s5;
	[dreg:$0x0] =	wrdreg $0x0  }
0xa8: {  	s5 =	sshll.u32 s28, $0x1;
	[dreg:$0x2] =	wrdreg s3  }
0xa9: {  	[dreg:$0x3] =	wrdreg s5  }
0xaa: {  	[dreg:$0x4] =	wrdreg $0xC0  }
0xab: {  	_ =	task [dreg:s7], $0x5FFFF  }
0xac: {  	[dreg:$0x1] =	wrdreg $0xFFFFFFFF  }
0xad: {  	[dreg:$0x0] =	wrdreg $0x60  }
0xae: {  	[dreg:$0x2] =	wrdreg s24  }
0xaf: {  	[dreg:$0x3] =	wrdreg s2  }
0xb0: {  	[dreg:$0x4] =	wrdreg $0x9  }
0xb1: {  	_ =	task.clear_ibuf [dreg:s7], $0x5FFFF;
	_ =	strace $0x90000046  }
0xb2: {  	s29 =	simm.s32 $0x9;
	_ =	strace $0x80000048  }
0xb3: {  	_ =	swait.ge [sflag:s29], $0x1  }
0xb4: {  	[sflag:s29] =	ssyncadd.s32 $0xFFFFFFFF  }
0xb5: {  	_ =	strace $0x90000048  }
0xb6: {  	_ =	sfence  }
0xb7: {  	s30 =	sld [smem:$0x0];
	_ =	sdelay $0x2  }
0xb8: {  	s31 =	sshll.u32 s1, $0xD;
	s1 =	sshrl.u32 s1, $0x2  }
0xb9: {  	s3 =	sand.u32 $0x4000, s31;
	s1 =	sadd.s32 s1, s30  }
0xba: {  	s0 =	sor.u32 s3, s0;
	s1 =	sshll.u32 s1, $0x11  }
0xbb: {  	s0 =	sor.u32 s1, s0  }
0xbc: {  	s0 =	sadd.s32 $0x8F2B, s0  }
0xbd: {  	[sflag:s0] =	ssyncadd.remote.s32 $0x1  }
0xbe: {  	_ =	sfence.sel $0xFFFF  }
0xbf: {  	[dreg:$0x0] =	wrdreg $0xFFFFFFFF;
	(pc) =	sbr.abs _section_cstart, $3  }
0xc0: {  	[dreg:$0x1] =	wrdreg $0xFFFFFFFF  }
0xc1: {  	_ =	task.clear_ibuf [dreg:s7], $0x2FFFF;
	_ =	strace $0x9FFFFFFF  }
0xc2: {  	(tm) =	ssettm $0x7FFFFFFF  }
0xc3: {  	_ =	shalt  }
tec
execute0_lowered:
.L_overlay_start_1:
0x0: {  	(tag) =	ssettag $0x1  }
0x1: {  	v0 =	vimm.f32 $3.840000000e+03;
	vm0 =	vcmask $0x300  }
0x2: {  	vm1 =	vcmask $0x704;
	v0 =	vsel vm0, $0x0, v0  }
0x3: {  	v0 =	vsel vm1, $0x43800000, v0;
	vm1 =	vcmask $0xB08  }
0x4: {  	v0 =	vsel vm1, $0x44000000, v0;
	vm1 =	vcmask $0xF0C  }
0x5: {  	v0 =	vsel vm1, $0x44400000, v0;
	vm1 =	vcmask $0x1310  }
0x6: {  	s0 =	rddreg [dreg:$0x0];
	s2 =	simm.s32 $0x0;
	s1 =	srdreg.scid;
	v0 =	vsel vm1, $0x44800000, v0;
	vm1 =	vcmask $0x1714  }
0x7: {  	s11 =	stileid.u32;
	s13 =	simm.s32 $0x2;
	s16 =	simm.s32 $0x1D380;
	v0 =	vsel vm1, $0x44A00000, v0;
	vm1 =	vcmask $0x1B18  }
0x8: {  	s17 =	simm.s32 $0x1;
	s18 =	simm.s32 $0x18700;
	s19 =	simm.s32 $0x19700;
	v0 =	vsel vm1, $0x44C00000, v0;
	vm1 =	vcmask $0x1F1C  }
0x9: {  	s20 =	simm.s32 $0x1D080;
	s21 =	simm.s32 $0x1CE80;
	s22 =	simm.s32 $0x1D280;
	v0 =	vsel vm1, $0x44E00000, v0;
	vm1 =	vcmask $0x2320  }
0xa: {  	s23 =	simm.s32 $0x1D300;
	s24 =	simm.s32 $0x1D480;
	s25 =	simm.s32 $0x1D500;
	v0 =	vsel vm1, $0x45000000, v0;
	vm1 =	vcmask $0x2724  }
0xb: {  	[smem:$0x7FF] =	sst s2;
	s3 =	sadd.s32 $0x1000, s0;
	s5 =	sadd.s32 $0x800, s0;
	v0 =	vsel vm1, $0x45100000, v0;
	vm1 =	vcmask $0x2B28  }
0xc: {  	s1 =	sand.u32 $0x1, s1;
	s6 =	sadd.s32 $0x188000, s0;
	s8 =	smul.u32 $0xC3800, s11;
	v0 =	vsel vm1, $0x45200000, v0;
	vm1 =	vcmask $0x2F2C  }
0xd: {  	s7 =	sadd.s32 $0x188800, s0;
	s10 =	sshll.u32 s11, $0x3;
	s9 =	sshll.u32 s1, $0x9;
	v0 =	vsel vm1, $0x45300000, v0;
	vm1 =	vcmask $0x3330  }
.Ltmp0:
0xe: {  	v2 =	vimm.s32 $0x0;
	s4 =	ssub.s32 $0x2, s1;
	s9 =	sor.u32 s9, s8;
	v0 =	vsel vm1, $0x45400000, v0;
	vm1 =	vcmask $0x3734;
	(pc) =	sbr.rel .LBB2_1-.Ltmp0, $4  }
0xf: {  	v5 =	vimm.s32 $0x1;
	s1 =	sshll.u32 s1, $0x2;
	s30 =	sshrl.u32 s4, $0x1;
	s31 =	sshrl.u32 s9, $0x3;
	v3 =	vsel vm1, $0x45500000, v0;
	v0 =	vlaneseq.u32  }
0x10: {  	s8 =	sor.u32 s1, s10;
	s0 =	ssub.s32 s4, s30;
	s1 =	sadd.s32 s3, s31;
	vm1 =	vcmask $0x3B38;
	v1 =	vmul.u32 $0x100, v0;
	v6 =	vmul.u32 $0xFFFFFFFF, v0  }
0x11: {  	v7 =	vimm.f32 $0.0e+00;
	v8 =	vimm.f32 $-Inf;
	_ =	strace $0x80000047;
	s0 =	smax.u32 s0, $0x1;
	[dreg:$0x3] =	wrdreg s1;
	v3 =	vsel vm1, $0x45600000, v3  }
0x12: {  	s10 =	sshll.u32 s11, $0x7;
	[dreg:$0x4] =	wrdreg s0;
	s1 =	simm.s32 $0x0;
	vm1 =	vmxor vm1, vm1;
	v4 =	vor.u32 $0xFF, v1;
	v6 =	vadd.s32 $0xF, v6  }
.LBB2_22:
0x13: {  	s1 =	rddreg [dreg:$0x5]  }
0x14: {  	s0 =	rddreg [dreg:$0x4];
	s1 =	sadd.s32 $0x1, s1  }
0x15: {  	p0 =	sne.s32 s1, s0  }
.Ltmp1:
0x16: {  	_ = 	snop;
	(pc) =	sbr.rel @!p0 .LBB2_23-.Ltmp1, $1  }
0x17: {  	_ =	sdelay $0x3  }
.LBB2_1:
0x18: {  	s0 =	rddreg [dreg:$0x1];
	s29 =	simm.s32 $0x1D400  }
0x19: {  	[tilespmem:s29], [sflag:$0x2] =	stream.linear.gather [hbm4b:s0+s2], $0x80, $0x38;
	[tilespmem:$0x1D580] =	vst v63  }
.Ltmp2:
0x1a: {  	[dreg:$0x5] =	wrdreg s1;
	(pc) =	sbr.rel .LBB2_2-.Ltmp2, $4  }
0x1b: {  	_ =	swait.ge [sflag:s13], $0x80  }
0x1c: {  	s31 =	simm.s32 $0x80;
	s4 =	simm.s32 $0x400;
	[sflag:s13] =	ssyncset.done $0x0  }
0x1d: {  	s28 =	simm.s32 $0x0;
	s30 =	rddreg [dreg:$0x3];
	[sflag:s13] =	ssyncadd.s32 $0xFFFFFF80  }
0x1e: {  	[tilespmem:s2], [sflag:$0x1] =	stream.strided.gather [hbm4b:s30+s31], $0x18700, s4, s31, $0x38;
	[tilespmem:$0x1D580] =	vst v63  }
.LBB2_21:
0x1f: {  	v9 =	vld [tilespmem:$0x1D280];
	_ =	sdelay $0x4  }
0x20: {  	(xrf0) =	vmax.scan.msk.f32 $0xffff, v9;
	_ =	sdelay $0x4  }
0x21: {  	v10 =	vld [tilespmem:$0x1D290]  }
0x22: {  	v11, _, _ =	vpop (xrf0)  }
0x23: {  	v12 =	vld [tilespmem:$0x1D2A0];
	v11 =	vbroadcast v11, $0xF;
	_ =	sdelay $0x1  }
0x24: {  	v13 =	vld [tilespmem:$0x1D2B0];
	v14 =	vsub.f32 v9, v11  }
0x25: {  	v15 =	vsub.f32 v10, v11  }
0x26: {  	v14 =	vmul.f32 $1.442695020e+00, v14  }
0x27: {  	v16 =	vsub.f32 v12, v11;
	v15 =	vmul.f32 $1.442695020e+00, v15  }
0x28: {  	(erf) = vpow2.f32 v14  }
0x29: {  	v11 =	vsub.f32 v13, v11;
	v41 =	vmul.f32 $1.442695020e+00, v16;
	(erf) = vpow2.f32 v15;
	_ =	sdelay $0x1  }
0x2a: {  	v11 =	vmul.f32 $1.442695020e+00, v11;
	(erf) = vpow2.f32 v41;
	_ =	sdelay $0x1  }
0x2b: {  	(erf) = vpow2.f32 v11;
	_ =	sdelay $0x3  }
0x2c: {  	v11 =	vpop (erf)  }
0x2d: {  	v42 =	vpop (erf)  }
0x2e: {  	v43 =	vadd.f32 v42, v11  }
0x2f: {  	v44 =	vpop (erf)  }
0x30: {  	v15 =	vadd.f32 v43, v44  }
0x31: {  	v17 =	vpop (erf)  }
0x32: {  	v15 =	vadd.f32 v15, v17;
	_ =	sdelay $0x1  }
0x33: {  	(xrf2) =	vadd.scan.msk.f32 $0xffff, v15;
	_ =	sdelay $0x9  }
0x34: {  	v15, _, _ =	vpop (xrf2)  }
0x35: {  	v15 =	vbroadcast v15, $0xF;
	_ =	sdelay $0x1  }
0x36: {  	(erf) = vrcp.f32 v15;
	_ =	sdelay $0x8  }
0x37: {  	v15 =	vpop (erf)  }
0x38: {  	v18 =	vmul.f32 v15, v11;
	_ =	sdelay $0x1  }
0x39: {  	(xrf2) =	vadd.scan.msk.f32 $0xffff, v18;
	_ =	sdelay $0x8  }
0x3a: {  	v45 =	vmul.f32 v15, v42  }
0x3b: {  	v19, _, _ =	vpop (xrf2)  }
0x3c: {  	(xrf2) =	vadd.scan.msk.f32 $0xffff, v45;
	v20 =	vadd.f32 $0.0e+00, v19;
	_ =	sdelay $0x1  }
0x3d: {  	(xrf0) =	vmax.scan.msk.f32 $0xffff, v20;
	_ =	sdelay $0x5  }
0x3e: {  	v46, _, _ =	vpop (xrf0)  }
0x3f: {  	v47 =	vmul.f32 v15, v44;
	v18 =	vbroadcast v46, $0xF  }
0x40: {  	v21, _, _ =	vpop (xrf2)  }
0x41: {  	(xrf2) =	vadd.scan.msk.f32 $0xffff, v47;
	v18 =	vadd.f32 v18, v21;
	_ =	sdelay $0x1  }
0x42: {  	(xrf0) =	vmax.scan.msk.f32 $0xffff, v18;
	_ =	sdelay $0x5  }
0x43: {  	v48, _, _ =	vpop (xrf0)  }
0x44: {  	v15 =	vmul.f32 v15, v17;
	v20 =	vbroadcast v48, $0xF  }
0x45: {  	v49, _, _ =	vpop (xrf2)  }
0x46: {  	(xrf2) =	vadd.scan.msk.f32 $0xffff, v15;
	v20 =	vadd.f32 v20, v49  }
0x47: {  	v50 =	vld [tilespmem:$0x1D400]  }
0x48: {  	(xrf0) =	vmax.scan.msk.f32 $0xffff, v20  }
0x49: {  	vm3 =	vmmov $0x1;
	v51 =	vld [tilespmem:$0x1D380];
	vm2 =	vle.f32 v19, $8.999999760e-01  }
0x4a: {  	vm2 =	vmor vm2, vm3  }
0x4b: {  	v9 =	vnsel vm2, $0xFF800000, v9  }
0x4c: {  	v52 =	vld [tilespmem:$0x1D410];
	v9 =	vadd.f32 v9, v50  }
0x4d: {  	v23 =	vld [tilespmem:$0x1D420]  }
0x4e: {  	v24 =	vld [tilespmem:$0x1D390];
	v9 =	vadd.f32 v9, v51;
	v22, _, _ =	vpop (xrf0)  }
0x4f: {  	v54 =	vld [tilespmem:$0x1D430];
	vm4 =	vle.f32 v18, $8.999999760e-01;
	v22 =	vbroadcast v22, $0xF  }
0x50: {  	v55 =	vld [tilespmem:$0x1D3A0];
	vm6 =	vlt.f32 v9, $-Inf;
	vm7 =	vgt.f32 v9, $-Inf;
	v10 =	vnsel vm4, $0xFF800000, v10;
	v53, _, _ =	vpop (xrf2)  }
0x51: {  	v10 =	vadd.f32 v10, v52;
	vm3 =	vle.f32 v20, $8.999999760e-01;
	v18 =	vadd.f32 v22, v53  }
0x52: {  	v56 =	vld [tilespmem:$0x1D3B0];
	vm6 =	vmor vm7, vm6;
	v12 =	vnsel vm3, $0xFF800000, v12  }
0x53: {  	v10 =	vadd.f32 v10, v24;
	v12 =	vadd.f32 v12, v23;
	vm5 =	vle.f32 v18, $8.999999760e-01  }
0x54: {  	v9 =	vnsel vm6, $0xFF800000, v9;
	v13 =	vnsel vm5, $0xFF800000, v13  }
0x55: {  	vm12 =	vgt.f32 v10, v9;
	v12 =	vadd.f32 v12, v55;
	v13 =	vadd.f32 v13, v54  }
0x56: {  	v9 =	vsel vm12, v10, v9  }
0x57: {  	vm8 =	vgt.f32 v12, v9;
	v10 =	vadd.f32 v13, v56  }
0x58: {  	v9 =	vsel vm8, v12, v9  }
0x59: {  	vm9 =	vgt.f32 v10, v9  }
0x5a: {  	v9 =	vsel vm9, v10, v9  }
0x5b: {  	(xrf0) =	vmax.scan.msk.f32 $0xffff, v9;
	_ =	sdelay $0x4  }
0x5c: {  	v10 =	vor.u32 $0x80000000, v0  }
0x5d: {  	v58 =	vor.u32 $0x80000010, v0;
	v10 =	vnsel vm6, $0xC0000000, v10;
	v57, _, _ =	vpop (xrf0)  }
0x5e: {  	v59 =	vor.u32 $0x80000020, v0;
	v10 =	vsel vm12, v58, v10;
	v12 =	vbroadcast v57, $0xF  }
0x5f: {  	v60 =	vor.u32 $0x80000030, v0;
	v10 =	vsel vm8, v59, v10  }
0x60: {  	vm13 =	veq.f32 v9, v12;
	v9 =	vsel vm9, v60, v10  }
0x61: {  	v9 =	vnsel vm13, $0xC0000000, v9  }
0x62: {  	(xrf0) =	vmin.scan.msk.u32 $0xffff, v9;
	_ =	sdelay $0x5  }
0x63: {  	v9, _, _ =	vpop (xrf0)  }
0x64: {  	(v2sf) =	vpush v9, $0xF;
	_ =	sdelay $0xe  }
0x65: {  	s0 =	spop (v2sf)  }
0x66: {  	vm14 =	veq.f32 v50, $0.0e+00;
	vm15 =	veq.f32 v52, $0.0e+00;
	s0 =	sxor.u32 $0x80000000, s0  }
0x67: {  	vm2 =	vmand vm14, vm2;
	vm4 =	vmand vm15, vm4;
	v9 =	vmov s0  }
0x68: {  	v10 =	vnsel vm2, $0x0, v11;
	v11 =	vnsel vm4, $0x0, v42;
	vm2 =	veq.f32 v23, $0.0e+00  }
0x69: {  	vm2 =	vmand vm2, vm3;
	v61 =	vadd.f32 v11, v10  }
0x6a: {  	v62 =	vnsel vm2, $0x0, v44;
	vm2 =	veq.f32 v54, $0.0e+00  }
0x6b: {  	vm2 =	vmand vm2, vm5;
	v12 =	vadd.f32 v62, v61  }
0x6c: {  	v63 =	vnsel vm2, $0x0, v17;
	v9 =	vld.idx.msk [tilespmem:v9+s23+$0x0], $0xffff  }
0x6d: {  	v12 =	vadd.f32 v63, v12;
	_ =	sdelay $0x1  }
0x6e: {  	(xrf2) =	vadd.scan.msk.f32 $0xffff, v12;
	_ =	sdelay $0x1  }
0x6f: {  	v9 =	vxor.u32 $0x80000000, v9  }
0x70: {  	(xrf0) =	vmax.scan.msk.u32 $0xffff, v9;
	_ =	sdelay $0x5  }
0x71: {  	v9, _, _ =	vpop (xrf0)  }
0x72: {  	(v2sf) =	vpush v9, $0xF;
	v9, _, _ =	vpop (xrf2)  }
0x73: {  	v9 =	vbroadcast v9, $0xF;
	_ =	sdelay $0x1  }
0x74: {  	(erf) = vrcp.f32 v9;
	_ =	sdelay $0x8  }
0x75: {  	v9 =	vpop (erf)  }
0x76: {  	v10 =	vmul.f32 v9, v10  }
0x77: {  	v11 =	vmul.f32 v9, v11  }
0x78: {  	s26 =	spop (v2sf);
	[tilespmem:$0x1D480] =	vst v10;
	v10 =	vmul.f32 v9, v62  }
0x79: {  	[tilespmem:$0x1D490] =	vst v11;
	v9 =	vmul.f32 v9, v63;
	s0 =	sxor.u32 $0x80000000, s26  }
0x7a: {  	[tilespmem:$0x1D4A0] =	vst v10;
	v10 =	vmov s0  }
0x7b: {  	[tilespmem:$0x1D4B0] =	vst v9;
	v9 =	vnsel vm0, $0x0, v10  }
0x7c: {  	s30 =	sadd.s32 s7, s29;
	[tilespmem:$0x1D500] =	vst v9  }
0x7d: {  	[hbm4b:s30+s2] =	stream.linear.scatter [tilespmem:s24], [sflag:$0x2], $0x80, $0x38;
	[tilespmem:$0x1D580] =	vst v63  }
0x7e: {  	s28 =	sadd.s32 $0x1, s28;
	_ =	swait.ge [sflag:s13], $0x80  }
0x7f: {  	p0 =	sne.s32 s28, $0x4;
	[sflag:s13] =	ssyncset.done $0x0  }
.Ltmp3:
0x80: {  	s31 =	sadd.s32 s6, s29;
	[sflag:s13] =	ssyncadd.s32 $0xFFFFFF80;
	(pc) =	sbr.rel @!p0 .LBB2_22-.Ltmp3, $4  }
0x81: {  	[hbm4b:s31+s2] =	stream.linear.scatter [tilespmem:s25], [sflag:$0x2], $0x80, $0x38;
	[tilespmem:$0x1D580] =	vst v63  }
0x82: {  	_ =	swait.ge [sflag:s13], $0x80  }
0x83: {  	[sflag:s13] =	ssyncset.done $0x0  }
0x84: {  	[sflag:s13] =	ssyncadd.s32 $0xFFFFFF80  }
.LBB2_2:
0x85: {  	s30 =	sadd.s32 s8, s28  }
0x86: {  	s0 =	sshll.u32 s30, $0x4  }
0x87: {  	s0 =	sand.u32 $0x70, s0  }
0x88: {  	s29 =	sor.u32 s10, s0  }
0x89: {  	s1 =	simm.s32 $0x0;
	s0 =	sadd.s32 s5, s29  }
0x8a: {  	[tilespmem:s16], [sflag:$0x2] =	stream.linear.gather [hbm4b:s0+s1], $0x80, $0x38;
	[tilespmem:$0x1D580] =	vst v63  }
0x8b: {  	_ =	swait.ge [sflag:s13], $0x80  }
0x8c: {  	[sflag:s13] =	ssyncset.done $0x0  }
0x8d: {  	s0 =	simm.s32 $0x0;
	s1 =	simm.s32 $0x200;
	[sflag:s13] =	ssyncadd.s32 $0xFFFFFF80  }
.LBB2_3:
0x8e: {  	p0 =	sne.s32 s1, $0x3E00;
	[tilespmem:s0+$0x19770] =	vst v2  }
0x8f: {  	[tilespmem:s0+$0x18700] =	vst v2  }
0x90: {  	[tilespmem:s0+$0x19700] =	vst v2  }
0x91: {  	[tilespmem:s0+$0x18710] =	vst v2  }
0x92: {  	[tilespmem:s0+$0x19710] =	vst v2  }
0x93: {  	[tilespmem:s0+$0x18720] =	vst v2  }
0x94: {  	[tilespmem:s0+$0x19720] =	vst v2  }
0x95: {  	[tilespmem:s0+$0x18730] =	vst v2  }
0x96: {  	[tilespmem:s0+$0x19730] =	vst v2  }
0x97: {  	[tilespmem:s0+$0x18740] =	vst v2  }
0x98: {  	[tilespmem:s0+$0x19740] =	vst v2  }
.Ltmp4:
0x99: {  	[tilespmem:s0+$0x18750] =	vst v2;
	(pc) =	sbr.rel @p0 .LBB2_3-.Ltmp4, $4  }
0x9a: {  	[tilespmem:s0+$0x19750] =	vst v2  }
0x9b: {  	[tilespmem:s0+$0x18760] =	vst v2  }
0x9c: {  	[tilespmem:s0+$0x19760] =	vst v2  }
0x9d: {  	[tilespmem:s0+$0x18770] =	vst v2;
	s0 =	sshra.s32 s1, $0x2;
	s1 =	sadd.s32 $0x200, s1  }
0x9e: {  	[tilespmem:s0+$0x19770] =	vst v2  }
0x9f: {  	[tilespmem:s0+$0x18700] =	vst v2  }
0xa0: {  	[tilespmem:s0+$0x19700] =	vst v2  }
0xa1: {  	[tilespmem:s0+$0x18710] =	vst v2  }
0xa2: {  	[tilespmem:s0+$0x19710] =	vst v2  }
0xa3: {  	[tilespmem:s0+$0x18720] =	vst v2  }
0xa4: {  	[tilespmem:s0+$0x19720] =	vst v2  }
0xa5: {  	[tilespmem:s0+$0x18730] =	vst v2  }
0xa6: {  	[tilespmem:s0+$0x19730] =	vst v2  }
0xa7: {  	[tilespmem:s0+$0x18740] =	vst v2  }
0xa8: {  	[tilespmem:s0+$0x19740] =	vst v2  }
0xa9: {  	[tilespmem:s0+$0x18750] =	vst v2  }
0xaa: {  	[tilespmem:s0+$0x19750] =	vst v2  }
0xab: {  	[tilespmem:s0+$0x18760] =	vst v2  }
0xac: {  	[tilespmem:s0+$0x19760] =	vst v2  }
0xad: {  	[tilespmem:s0+$0x18770] =	vst v2;
	v9 =	vimm.f32 $-Inf  }
0xae: {  	[tilespmem:$0x1CE80] =	vst v9  }
0xaf: {  	[tilespmem:$0x1CE90] =	vst v9  }
0xb0: {  	[tilespmem:$0x1CEA0] =	vst v9  }
0xb1: {  	[tilespmem:$0x1CEB0] =	vst v9  }
0xb2: {  	[tilespmem:$0x1CEC0] =	vst v9  }
0xb3: {  	[tilespmem:$0x1CED0] =	vst v9  }
0xb4: {  	[tilespmem:$0x1CEE0] =	vst v9  }
0xb5: {  	[tilespmem:$0x1CEF0] =	vst v9  }
0xb6: {  	[tilespmem:$0x1CF00] =	vst v9  }
0xb7: {  	[tilespmem:$0x1CF10] =	vst v9  }
0xb8: {  	[tilespmem:$0x1CF20] =	vst v9  }
0xb9: {  	[tilespmem:$0x1CF30] =	vst v9  }
0xba: {  	[tilespmem:$0x1CF40] =	vst v9  }
0xbb: {  	[tilespmem:$0x1CF50] =	vst v9  }
0xbc: {  	[tilespmem:$0x1CF60] =	vst v9  }
0xbd: {  	[tilespmem:$0x1CF70] =	vst v9  }
0xbe: {  	[tilespmem:$0x1CF80] =	vst v9  }
0xbf: {  	[tilespmem:$0x1CF90] =	vst v9  }
0xc0: {  	[tilespmem:$0x1CFA0] =	vst v9  }
0xc1: {  	[tilespmem:$0x1CFB0] =	vst v9  }
0xc2: {  	[tilespmem:$0x1CFC0] =	vst v9  }
0xc3: {  	[tilespmem:$0x1CFD0] =	vst v9  }
0xc4: {  	[tilespmem:$0x1CFE0] =	vst v9  }
0xc5: {  	[tilespmem:$0x1CFF0] =	vst v9  }
0xc6: {  	[tilespmem:$0x1D000] =	vst v9  }
0xc7: {  	[tilespmem:$0x1D010] =	vst v9  }
0xc8: {  	[tilespmem:$0x1D020] =	vst v9  }
0xc9: {  	[tilespmem:$0x1D030] =	vst v9  }
0xca: {  	[tilespmem:$0x1D040] =	vst v9  }
0xcb: {  	_ =	swait.ge [sflag:s17], $0x18700  }
0xcc: {  	[sflag:s17] =	ssyncset.done $0x0  }
0xcd: {  	s1 =	simm.s32 $0x0;
	[sflag:s17] =	ssyncadd.s32 $0xFFFE7900  }
0xce: {  	v16 =	vld [tilespmem:s1+$0x180]  }
0xcf: {  	v12 =	vld [tilespmem:s1+$0x0]  }
0xd0: {  	v11 =	vimm.f32 $-Inf;
	v13 =	vld [tilespmem:s1+$0x80]  }
0xd1: {  	v10 =	vimm.f32 $-Inf;
	v17 =	vimm.f32 $-Inf;
	v18 =	vimm.f32 $-Inf;
	v15 =	vld [tilespmem:s1+$0x100]  }
0xd2: {  	s0 =	simm.s32 $0x800;
	v14 =	vimm.f32 $-Inf;
	v19 =	vimm.f32 $-Inf;
	v20 =	vimm.f32 $-Inf  }
.LBB2_5:
0xd3: {  	s1 =	sshra.s32 s0, $0x2;
	p0 =	sne.s32 s0, $0x61000;
	s0 =	sadd.s32 $0x800, s0;
	v21 =	vsub.f32 $0.0e+00, v16;
	v9 =	vmax.f32 v9, v16  }
.Ltmp5:
0xd4: {  	v16 =	vld [tilespmem:s1+$0x180];
	v22 =	vsub.f32 $0.0e+00, v12;
	v11 =	vmax.f32 v11, v12;
	(pc) =	sbr.rel @p0 .LBB2_5-.Ltmp5, $4  }
0xd5: {  	v12 =	vld [tilespmem:s1+$0x0];
	v23 =	vsub.f32 $0.0e+00, v13;
	v10 =	vmax.f32 v10, v13;
	v17 =	vmax.f32 v17, v21  }
0xd6: {  	v13 =	vld [tilespmem:s1+$0x80];
	v18 =	vmax.f32 v18, v22;
	v21 =	vsub.f32 $0.0e+00, v15;
	v14 =	vmax.f32 v14, v15  }
0xd7: {  	v15 =	vld [tilespmem:s1+$0x100];
	v19 =	vmax.f32 v19, v23  }
0xd8: {  	v20 =	vmax.f32 v20, v21  }
0xd9: {  	_ =	sdelay $0x1  }
0xda: {  	v21 =	vsub.f32 $0.0e+00, v16;
	v22 =	vsub.f32 $0.0e+00, v12  }
0xdb: {  	v23 =	vsub.f32 $0.0e+00, v13;
	v24 =	vsub.f32 $0.0e+00, v15  }
0xdc: {  	v9 =	vmax.f32 v9, v16;
	v16 =	vmax.f32 v17, v21  }
0xdd: {  	v17 =	vmax.f32 v18, v22;
	v18 =	vmax.f32 v19, v23;
	v19 =	vmax.f32 v20, v24  }
0xde: {  	v11 =	vmax.f32 v11, v12;
	v12 =	vmax.f32 v17, v18;
	v16 =	vmax.f32 v19, v16  }
0xdf: {  	v10 =	vmax.f32 v10, v13;
	v13 =	vmax.f32 v14, v15;
	v12 =	vmax.f32 v12, v16  }
0xe0: {  	v10 =	vmax.f32 v11, v10;
	v9 =	vmax.f32 v13, v9;
	(xrf0) =	vmax.scan.msk.f32 $0xffff, v12  }
0xe1: {  	v9 =	vmax.f32 v10, v9  }
0xe2: {  	(xrf0) =	vmax.scan.msk.f32 $0xffff, v9;
	_ =	sdelay $0x3  }
0xe3: {  	v9, _, _ =	vpop (xrf0)  }
0xe4: {  	(v2sf) =	vpush v9, $0xF  }
0xe5: {  	v9, _, _ =	vpop (xrf0)  }
0xe6: {  	(v2sf) =	vpush v9, $0xF;
	_ =	sdelay $0xc  }
0xe7: {  	s0 =	spop (v2sf)  }
0xe8: {  	s0 =	ssub.f32 $0.0e+00, s0  }
0xe9: {  	s1 =	spop (v2sf)  }
0xea: {  	s1 =	ssub.f32 s1, s0;
	_ =	sdelay $0x1  }
0xeb: {  	v9 =	vmov s1  }
0xec: {  	(erf) = vrcp.f32 v9;
	_ =	sdelay $0x1  }
0xed: {  	s26 =	simm.s32 $0xA0  }
0xee: {  	v26 =	vld [tilespmem:s26+$0x20]  }
0xef: {  	v15 =	vld [tilespmem:s26+$0xFFFFFF60]  }
0xf0: {  	v14 =	vld [tilespmem:s26+$0x50]  }
0xf1: {  	v13 =	vld [tilespmem:s26+$0x10]  }
0xf2: {  	v18 =	vld [tilespmem:s26+$0x0]  }
0xf3: {  	v12 =	vld [tilespmem:s26+$0x30]  }
0xf4: {  	v17 =	vld [tilespmem:s26+$0x70];
	v9 =	vpop (erf)  }
0xf5: {  	v16 =	vld [tilespmem:s26+$0xFFFFFF80];
	v9 =	vmul.f32 $2.540000000e+02, v9  }
0xf6: {  	v19 =	vld [tilespmem:s26+$0xFFFFFFA0]  }
0xf7: {  	v10 =	vmul.f32 s0, v9  }
0xf8: {  	v13 =	vmax.f32 v13, v12  }
0xf9: {  	v24 =	vld [tilespmem:s26+$0x90];
	v13 =	vmax.f32 v13, v14;
	v11 =	vmul.f32 v15, v9;
	v10 =	vsub.f32 v3, v10  }
0xfa: {  	v13 =	vmax.f32 v13, v17;
	v21 =	vmul.f32 v16, v9;
	v22 =	vmul.f32 v18, v9  }
0xfb: {  	v23 =	vmul.f32 v19, v9;
	v27 =	vmul.f32 v26, v9;
	v20 =	vadd.f32 v11, v10  }
0xfc: {  	v11 =	vmov s0;
	v21 =	vadd.f32 v21, v10;
	v22 =	vadd.f32 v22, v10  }
0xfd: {  	v31 =	vld [tilespmem:s26+$0x40];
	s0 =	simm.s32 $0x0;
	v23 =	vadd.f32 v23, v10;
	v27 =	vadd.f32 v27, v10;
	v20 =	vtrunc.f32 v20  }
0xfe: {  	v29 =	vld [tilespmem:s26+$0xFFFFFF90];
	v13 =	vmax.f32 v13, v24;
	s4 =	sand.u32 $0x3FFC0, s0;
	v22 =	vtrunc.f32 v22;
	v21 =	vtrunc.f32 v21  }
0xff: {  	v18 =	vmax.f32 v18, v26;
	v12 =	vld [tilespmem:s4+$0x80];
	v23 =	vtrunc.f32 v23;
	v26 =	vtrunc.f32 v27  }
0x100: {  	s31 =	simm.s32 $0xA0;
	v30 =	vld [tilespmem:s26+$0xFFFFFF70];
	v15 =	vmax.f32 v15, v16;
	v20 =	vcvt.f32.s32 v20;
	v22 =	vcvt.f32.s32 v22  }
0x101: {  	v17 =	vld [tilespmem:s26+$0x60];
	v16 =	vmax.f32 v15, v19;
	s4 =	sand.u32 $0x3FFE0, s31;
	v21 =	vcvt.f32.s32 v21;
	v23 =	vcvt.f32.s32 v23  }
0x102: {  	v14 =	vld [tilespmem:s4+$0x80];
	v28 =	vcvt.f32.s32 v26;
	v26 =	vmax.f32 v18, v31;
	vm5 =	vgt.s32 v22, v1  }
0x103: {  	vm3 =	vgt.s32 v20, v1;
	vm4 =	vgt.s32 v23, v1;
	v19 =	vsel vm5, v22, v1  }
0x104: {  	v15 =	vld [tilespmem:s26+$0xFFFFFFD0];
	v25 =	vsel vm4, v23, v1;
	v23 =	vmul.f32 v12, v9;
	v24 =	vmin.u32 v19, v4  }
0x105: {  	v31 =	vmul.f32 v31, v9;
	vm2 =	vgt.s32 v21, v1;
	v20 =	vsel vm3, v20, v1;
	v19 =	vld [tilespmem:s26+$0xFFFFFFB0]  }
0x106: {  	s12 =	simm.s32 $0x0;
	v18 =	vld [tilespmem:s26+$0xFFFFFFF0];
	vm3 =	vgt.s32 v28, v1;
	v22 =	vmin.u32 v20, v4;
	v27 =	vadd.f32 v23, v10  }
0x107: {  	s14 =	simm.s32 $0x1E0;
	s1 =	simm.s32 $0x1A710;
	s4 =	simm.s32 $0x1A710;
	v20 =	vld [tilespmem:s26+$0xFFFFFFC0];
	v23 =	vmax.f32 v30, v29;
	v30 =	vmul.f32 v14, v9;
	v29 =	vmul.f32 v17, v9  }
.LBB2_7:
0x108: {  	v32 =	vld [tilespmem:s14+$0x70];
	s12 =	sadd.s32 $0x2, s12;
	v21 =	vsel vm2, v21, v1;
	v25 =	vmin.u32 v25, v4;
	v17 =	vmax.f32 v26, v17;
	s0 =	sadd.s32 $0x140, s0;
	s4 =	sadd.s32 $0x20, s4  }
0x109: {  	v26 =	vtrunc.f32 v27;
	v30 =	vadd.f32 v30, v10;
	p0 =	slt.u32 s12, $0x26E;
	v27 =	vadd.f32 v31, v10;
	[tilespmem:v24+s18+$0x0] =	vst.idx.add.s32.msk $0xffff, v5  }
0x10a: {  	v19 =	vmax.f32 v23, v19;
	v23 =	vsel vm3, v28, v1;
	v14 =	vmax.f32 v17, v14;
	v24 =	vld [tilespmem:s14+$0xFFFFFF60]  }
0x10b: {  	v17 =	vmin.u32 v23, v4;
	v28 =	vld [tilespmem:s14+$0xFFFFFFA0];
	v23 =	vtrunc.f32 v27;
	v27 =	vtrunc.f32 v30  }
0x10c: {  	v16 =	vmax.f32 v16, v20;
	[tilespmem:v22+s18+$0x0] =	vst.idx.add.s32.msk $0xffff, v5;
	v22 =	vcvt.f32.s32 v23;
	v23 =	vcvt.f32.s32 v27  }
0x10d: {  	v15 =	vmax.f32 v19, v15;
	v16 =	vmax.f32 v16, v12;
	v12 =	vadd.f32 v29, v10;
	v27 =	vld [tilespmem:s14+$0x30]  }
0x10e: {  	v21 =	vmin.u32 v21, v4;
	v20 =	vmul.f32 v20, v9;
	v19 =	vld [tilespmem:s14+$0xFFFFFF80];
	vm2 =	vgt.s32 v22, v1  }
0x10f: {  	v29 =	vmul.f32 v24, v9;
	v30 =	vld [tilespmem:s14+$0x0];
	v22 =	vsel vm2, v22, v1;
	vm2 =	vgt.s32 v23, v1  }
0x110: {  	v31 =	vtrunc.f32 v12;
	v22 =	vmin.u32 v22, v4;
	v23 =	vsel vm2, v23, v1;
	[tilespmem:v17+s19+$0x0] =	vst.idx.add.s32.msk $0xffff, v5  }
0x111: {  	s9 =	sand.u32 $0x3FFC0, s0;
	v15 =	vmax.f32 v15, v18;
	v20 =	vadd.f32 v20, v10;
	v17 =	vadd.f32 v29, v10;
	v29 =	vld [tilespmem:s14+$0x10]  }
0x112: {  	v18 =	vcvt.f32.s32 v26;
	v26 =	vcvt.f32.s32 v31;
	v23 =	vmin.u32 v23, v4;
	v12 =	vld [tilespmem:s9+$0x80]  }
0x113: {  	v33 =	vmax.f32 v16, v15;
	v20 =	vtrunc.f32 v20;
	v17 =	vtrunc.f32 v17;
	v31 =	vld [tilespmem:s14+$0xFFFFFF90]  }
0x114: {  	v35 =	vmax.f32 v14, v13;
	v15 =	vmul.f32 v19, v9;
	v16 =	vmul.f32 v30, v9;
	v34 =	vld [tilespmem:s14+$0x50]  }
0x115: {  	v13 =	vmul.f32 v28, v9;
	vm2 =	vgt.s32 v18, v1;
	vm4 =	vgt.s32 v26, v1;
	v36 =	vld [tilespmem:s14+$0x90]  }
0x116: {  	v14 =	vadd.f32 v15, v10;
	v15 =	vadd.f32 v16, v10;
	v37 =	vld [tilespmem:s14+$0x20];
	v16 =	vsel vm2, v18, v1  }
0x117: {  	v20 =	vcvt.f32.s32 v20;
	v18 =	vcvt.f32.s32 v17;
	v17 =	vmax.f32 v29, v27;
	[tilespmem:v22+s18+$0x0] =	vst.idx.add.s32.msk $0xffff, v5  }
0x118: {  	v13 =	vadd.f32 v13, v10;
	v29 =	vmin.u32 v16, v4;
	v22 =	vtrunc.f32 v15;
	[tilespmem:v21+s19+$0x0] =	vst.idx.add.s32.msk $0xffff, v5  }
0x119: {  	s9 =	sadd.s32 $0xA0, s0;
	vm2 =	vgt.s32 v20, v1;
	v16 =	vtrunc.f32 v14;
	v14 =	vmax.f32 v17, v34;
	[tilespmem:v25+s18+$0x0] =	vst.idx.add.s32.msk $0xffff, v5  }
0x11a: {  	s9 =	sand.u32 $0x3FFE0, s9;
	v13 =	vtrunc.f32 v13;
	vm3 =	vgt.s32 v18, v1;
	v17 =	vsel vm4, v26, v1;
	v15 =	vld [tilespmem:s14+$0xFFFFFFD0]  }
0x11b: {  	v22 =	vcvt.f32.s32 v22;
	v25 =	vmax.f32 v14, v32;
	v26 =	vmin.u32 v17, v4;
	v14 =	vld [tilespmem:s9+$0x80]  }
0x11c: {  	v20 =	vsel vm2, v20, v1;
	v21 =	vcvt.f32.s32 v16;
	v16 =	vcvt.f32.s32 v13;
	v32 =	vld [tilespmem:s14+$0x40]  }
0x11d: {  	v20 =	vmin.u32 v20, v4;
	v27 =	vmul.f32 v37, v9;
	v13 =	vmax.f32 v25, v36;
	v17 =	vld [tilespmem:s14+$0x60]  }
0x11e: {  	vm2 =	vgt.s32 v21, v1;
	vm4 =	vgt.s32 v16, v1;
	vm5 =	vgt.s32 v22, v1;
	v34 =	vld [tilespmem:s14+$0xFFFFFF70]  }
0x11f: {  	v24 =	vmax.f32 v24, v19;
	v25 =	vsel vm4, v16, v1;
	v36 =	vmul.f32 v12, v9;
	v19 =	vld [tilespmem:s14+$0xFFFFFFB0]  }
0x120: {  	v16 =	vmax.f32 v24, v28;
	v27 =	vadd.f32 v27, v10;
	[tilespmem:v26+s19+$0x0] =	vst.idx.add.s32.msk $0xffff, v5  }
.Ltmp6:
0x121: {  	v22 =	vsel vm5, v22, v1;
	v26 =	vmax.f32 v30, v37;
	[tilespmem:v23+s18+$0x0] =	vst.idx.add.s32.msk $0xffff, v5;
	(pc) =	sbr.rel @p0 .LBB2_7-.Ltmp6, $4  }
0x122: {  	v18 =	vsel vm3, v18, v1;
	v24 =	vmin.u32 v22, v4;
	v23 =	vtrunc.f32 v27;
	[tilespmem:v20+s19+$0x0] =	vst.idx.add.s32.msk $0xffff, v5  }
0x123: {  	v22 =	vmin.u32 v18, v4;
	v27 =	vadd.f32 v36, v10;
	v28 =	vcvt.f32.s32 v23;
	[tilespmem:v29+s18+$0x0] =	vst.idx.add.s32.msk $0xffff, v5  }
0x124: {  	v30 =	vmul.f32 v14, v9;
	v26 =	vmax.f32 v26, v32;
	v23 =	vmax.f32 v34, v31;
	v20 =	vld [tilespmem:s14+$0xFFFFFFC0];
	[tilespmem:s1+$0xFFFFFFF0] =	vst v33  }
0x125: {  	v31 =	vmul.f32 v32, v9;
	v29 =	vmul.f32 v17, v9;
	vm3 =	vgt.s32 v28, v1;
	v18 =	vld [tilespmem:s14+$0xFFFFFFF0];
	s14 =	sadd.s32 $0x140, s14;
	[tilespmem:s1+$0x0] =	vst v35;
	s1 =	smov.u32 s4  }
0x126: {  	_ = 	snop  }
0x127: {  	v30 =	vadd.f32 v30, v10;
	v31 =	vadd.f32 v31, v10  }
0x128: {  	v27 =	vtrunc.f32 v27;
	v29 =	vadd.f32 v29, v10  }
0x129: {  	v21 =	vsel vm2, v21, v1;
	v30 =	vtrunc.f32 v30;
	v31 =	vtrunc.f32 v31  }
0x12a: {  	v25 =	vmin.u32 v25, v4;
	v32 =	vmul.f32 v20, v9;
	v29 =	vtrunc.f32 v29  }
0x12b: {  	v28 =	vsel vm3, v28, v1;
	v31 =	vcvt.f32.s32 v31;
	v29 =	vcvt.f32.s32 v29  }
0x12c: {  	v28 =	vmin.u32 v28, v4;
	v30 =	vcvt.f32.s32 v30;
	v32 =	vadd.f32 v32, v10  }
0x12d: {  	v21 =	vmin.u32 v21, v4;
	vm2 =	vgt.s32 v31, v1;
	vm3 =	vgt.s32 v29, v1  }
0x12e: {  	v31 =	vsel vm2, v31, v1;
	v32 =	vtrunc.f32 v32;
	vm2 =	vgt.s32 v30, v1  }
0x12f: {  	[tilespmem:v24+s18+$0x0] =	vst.idx.add.s32.msk $0xffff, v5;
	v29 =	vsel vm3, v29, v1;
	v31 =	vmin.u32 v31, v4;
	v53 =	vcvt.f32.s32 v32  }
0x130: {  	[tilespmem:v22+s18+$0x0] =	vst.idx.add.s32.msk $0xffff, v5;
	v27 =	vcvt.f32.s32 v27;
	v54 =	vsel vm2, v30, v1;
	v55 =	vmin.u32 v29, v4  }
0x131: {  	[tilespmem:v28+s19+$0x0] =	vst.idx.add.s32.msk $0xffff, v5;
	v22 =	vmin.u32 v54, v4;
	vm2 =	vgt.s32 v53, v1  }
0x132: {  	[tilespmem:v21+s19+$0x0] =	vst.idx.add.s32.msk $0xffff, v5;
	vm3 =	vgt.s32 v27, v1;
	v24 =	vsel vm2, v53, v1  }
0x133: {  	[tilespmem:v25+s18+$0x0] =	vst.idx.add.s32.msk $0xffff, v5;
	v27 =	vsel vm3, v27, v1;
	v24 =	vmin.u32 v24, v4  }
0x134: {  	v17 =	vmax.f32 v26, v17;
	v27 =	vmin.u32 v27, v4;
	[tilespmem:v31+s18+$0x0] =	vst.idx.add.s32.msk $0xffff, v5  }
0x135: {  	v14 =	vmax.f32 v17, v14;
	[tilespmem:v55+s19+$0x0] =	vst.idx.add.s32.msk $0xffff, v5  }
0x136: {  	v19 =	vmax.f32 v23, v19;
	v13 =	vmax.f32 v14, v13;
	[tilespmem:v22+s18+$0x0] =	vst.idx.add.s32.msk $0xffff, v5  }
0x137: {  	v15 =	vmax.f32 v19, v15;
	v16 =	vmax.f32 v16, v20;
	[tilespmem:s1+$0x0] =	vst v13  }
0x138: {  	v12 =	vmax.f32 v16, v12;
	v15 =	vmax.f32 v15, v18;
	[tilespmem:v24+s19+$0x0] =	vst.idx.add.s32.msk $0xffff, v5  }
0x139: {  	v12 =	vmax.f32 v12, v15;
	[tilespmem:v27+s18+$0x0] =	vst.idx.add.s32.msk $0xffff, v5  }
0x13a: {  	[tilespmem:s1+$0xFFFFFFF0] =	vst v12  }
0x13b: {  	v12 =	vld [tilespmem:$0x18600]  }
0x13c: {  	v13 =	vld [tilespmem:$0x18620]  }
0x13d: {  	v15 =	vld [tilespmem:$0x18640]  }
0x13e: {  	v16 =	vld [tilespmem:$0x18660]  }
0x13f: {  	v17 =	vld [tilespmem:$0x18680];
	_ =	sdelay $0x1  }
0x140: {  	v14 =	vmul.f32 v12, v9  }
0x141: {  	v18 =	vmul.f32 v13, v9;
	v19 =	vmul.f32 v15, v9  }
0x142: {  	v56 =	vmul.f32 v16, v9;
	v14 =	vadd.f32 v14, v10  }
0x143: {  	v57 =	vmul.f32 v17, v9;
	v18 =	vadd.f32 v18, v10;
	v19 =	vadd.f32 v19, v10  }
0x144: {  	v20 =	vadd.f32 v56, v10;
	v14 =	vtrunc.f32 v14  }
0x145: {  	v21 =	vadd.f32 v57, v10;
	v18 =	vtrunc.f32 v18;
	v19 =	vtrunc.f32 v19  }
0x146: {  	v20 =	vtrunc.f32 v20;
	v14 =	vcvt.f32.s32 v14  }
0x147: {  	v21 =	vtrunc.f32 v21;
	v18 =	vcvt.f32.s32 v18  }
0x148: {  	v19 =	vcvt.f32.s32 v19;
	v20 =	vcvt.f32.s32 v20;
	vm2 =	vgt.s32 v14, v1  }
0x149: {  	v22 =	vld [tilespmem:$0x18610];
	v21 =	vcvt.f32.s32 v21;
	v14 =	vsel vm2, v14, v1;
	vm2 =	vgt.s32 v18, v1  }
0x14a: {  	v58 =	vld [tilespmem:$0x18630];
	v14 =	vmin.u32 v14, v4;
	v18 =	vsel vm2, v18, v1;
	vm2 =	vgt.s32 v19, v1  }
0x14b: {  	v24 =	vld [tilespmem:$0x18650];
	v18 =	vmin.u32 v18, v4;
	v19 =	vsel vm2, v19, v1;
	vm2 =	vgt.s32 v20, v1  }
0x14c: {  	v25 =	vld [tilespmem:$0x18670];
	v19 =	vmin.u32 v19, v4;
	v20 =	vsel vm2, v20, v1;
	vm2 =	vgt.s32 v21, v1  }
0x14d: {  	v59 =	vld [tilespmem:$0x18690];
	v20 =	vmin.u32 v20, v4;
	v21 =	vsel vm2, v21, v1  }
0x14e: {  	v21 =	vmin.u32 v21, v4  }
0x14f: {  	v12 =	vmax.f32 v12, v13;
	v13 =	vmax.f32 v22, v58;
	[tilespmem:v14+s18+$0x0] =	vst.idx.add.s32.msk $0xffff, v5  }
0x150: {  	v12 =	vmax.f32 v12, v15;
	v13 =	vmax.f32 v13, v24;
	[tilespmem:v18+s19+$0x0] =	vst.idx.add.s32.msk $0xffff, v5  }
0x151: {  	v12 =	vmax.f32 v12, v16;
	v13 =	vmax.f32 v13, v25;
	[tilespmem:v19+s18+$0x0] =	vst.idx.add.s32.msk $0xffff, v5  }
0x152: {  	v12 =	vmax.f32 v12, v17;
	v13 =	vmax.f32 v13, v59;
	[tilespmem:v20+s19+$0x0] =	vst.idx.add.s32.msk $0xffff, v5  }
0x153: {  	v12 =	vmax.f32 v12, v13;
	[tilespmem:v21+s18+$0x0] =	vst.idx.add.s32.msk $0xffff, v5  }
0x154: {  	s0 =	simm.s32 $0x18FF0;
	[tilespmem:$0x1CE00] =	vst v12  }
0x155: {  	s9 =	simm.s32 $0x19FF0;
	v12 =	vld [tilespmem:s0+$0xFFFFF800]  }
0x156: {  	v13 =	vld [tilespmem:s9+$0xFFFFF800]  }
0x157: {  	v14 =	vld [tilespmem:s0+$0xFFFFF900]  }
0x158: {  	v15 =	vld [tilespmem:s9+$0xFFFFF900]  }
0x159: {  	v16 =	vld [tilespmem:s0+$0xFFFFFA00]  }
0x15a: {  	v17 =	vld [tilespmem:s9+$0xFFFFFA00]  }
0x15b: {  	v18 =	vld [tilespmem:s0+$0xFFFFFB00]  }
0x15c: {  	v19 =	vld [tilespmem:s9+$0xFFFFFB00]  }
0x15d: {  	v20 =	vld [tilespmem:s0+$0xFFFFFC00]  }
0x15e: {  	v21 =	vld [tilespmem:s9+$0xFFFFFC00]  }
0x15f: {  	v60 =	vld [tilespmem:s0+$0xFFFFFD00]  }
0x160: {  	v61 =	vld [tilespmem:s9+$0xFFFFFD00]  }
0x161: {  	v62 =	vld [tilespmem:s0+$0xFFFFFE00]  }
0x162: {  	v63 =	vld [tilespmem:s9+$0xFFFFFE00]  }
0x163: {  	v32 =	vld [tilespmem:s0+$0xFFFFFF00]  }
0x164: {  	v27 =	vld [tilespmem:s9+$0xFFFFFF00];
	v12 =	vadd.s32 v12, v13  }
0x165: {  	v28 =	vld [tilespmem:s0+$0x0];
	v12 =	vadd.s32 v14, v12  }
0x166: {  	v33 =	vld [tilespmem:s9+$0x0];
	v12 =	vadd.s32 v15, v12  }
0x167: {  	v34 =	vld [tilespmem:s9+$0x400];
	v12 =	vadd.s32 v16, v12  }
0x168: {  	v35 =	vld [tilespmem:s0+$0x500];
	v12 =	vadd.s32 v17, v12  }
0x169: {  	v36 =	vld [tilespmem:s9+$0x500];
	v12 =	vadd.s32 v18, v12  }
0x16a: {  	v37 =	vld [tilespmem:s0+$0x600];
	v12 =	vadd.s32 v19, v12  }
0x16b: {  	v38 =	vld [tilespmem:s9+$0x600];
	v12 =	vadd.s32 v20, v12  }
0x16c: {  	v39 =	vld [tilespmem:s0+$0x700];
	v12 =	vadd.s32 v21, v12  }
0x16d: {  	s11 =	simm.s32 $0x18FE0;
	v40 =	vld [tilespmem:s9+$0x700];
	v12 =	vadd.s32 v60, v12  }
0x16e: {  	s4 =	simm.s32 $0x19FE0;
	v41 =	vld [tilespmem:s11+$0xFFFFF800];
	v12 =	vadd.s32 v61, v12  }
0x16f: {  	v42 =	vld [tilespmem:s4+$0xFFFFF800];
	v12 =	vadd.s32 v62, v12  }
0x170: {  	v13 =	vld [tilespmem:s0+$0x100];
	v12 =	vadd.s32 v63, v12  }
0x171: {  	v14 =	vld [tilespmem:s9+$0x100];
	v12 =	vadd.s32 v32, v12  }
0x172: {  	v15 =	vld [tilespmem:s0+$0x200];
	v12 =	vadd.s32 v27, v12  }
0x173: {  	v16 =	vld [tilespmem:s9+$0x200];
	v12 =	vadd.s32 v28, v12  }
0x174: {  	v17 =	vld [tilespmem:s0+$0x300];
	v12 =	vadd.s32 v33, v12  }
0x175: {  	v18 =	vld [tilespmem:s9+$0x300];
	v12 =	vadd.s32 v13, v12  }
0x176: {  	v19 =	vld [tilespmem:s0+$0x400];
	v12 =	vadd.s32 v14, v12  }
0x177: {  	v43 =	vld [tilespmem:s11+$0xFFFFF900];
	v12 =	vadd.s32 v15, v12  }
0x178: {  	v44 =	vld [tilespmem:s11+$0xFFFFFD00];
	v12 =	vadd.s32 v16, v12  }
0x179: {  	v45 =	vld [tilespmem:s4+$0xFFFFFD00];
	v12 =	vadd.s32 v17, v12  }
0x17a: {  	v46 =	vld [tilespmem:s11+$0xFFFFFE00];
	v12 =	vadd.s32 v18, v12  }
0x17b: {  	v47 =	vld [tilespmem:s4+$0xFFFFFE00];
	v12 =	vadd.s32 v19, v12  }
0x17c: {  	v49 =	vld [tilespmem:s11+$0xFFFFFF00];
	v12 =	vadd.s32 v34, v12  }
0x17d: {  	v13 =	vld [tilespmem:s4+$0xFFFFF900];
	v12 =	vadd.s32 v35, v12  }
0x17e: {  	v14 =	vld [tilespmem:s11+$0xFFFFFA00];
	v12 =	vadd.s32 v36, v12  }
0x17f: {  	v15 =	vld [tilespmem:s4+$0xFFFFFA00];
	v12 =	vadd.s32 v37, v12  }
0x180: {  	v48 =	vadd.s32 v41, v42;
	v16 =	vld [tilespmem:s11+$0xFFFFFB00];
	v12 =	vadd.s32 v38, v12  }
0x181: {  	v24 =	vadd.s32 v43, v48;
	v17 =	vld [tilespmem:s4+$0xFFFFFB00];
	v12 =	vadd.s32 v39, v12  }
0x182: {  	v18 =	vld [tilespmem:s11+$0xFFFFFC00];
	v13 =	vadd.s32 v13, v24;
	v12 =	vadd.s32 v40, v12  }
0x183: {  	v19 =	vld [tilespmem:s4+$0xFFFFFC00];
	v13 =	vadd.s32 v14, v13;
	v12 =	vperm.xlane v12, v6  }
0x184: {  	v50 =	vld [tilespmem:s4+$0xFFFFFF00];
	v13 =	vadd.s32 v15, v13  }
0x185: {  	v51 =	vld [tilespmem:s11+$0x0];
	(xrf0) =	vadd.scan.msk.s32 $0xffff, v12;
	v12 =	vadd.s32 v16, v13  }
0x186: {  	v52 =	vld [tilespmem:s11+$0x400];
	v12 =	vadd.s32 v17, v12  }
0x187: {  	v54 =	vld [tilespmem:s4+$0x400];
	v12 =	vadd.s32 v18, v12  }
0x188: {  	v56 =	vld [tilespmem:s11+$0x500];
	v12 =	vadd.s32 v19, v12  }
0x189: {  	v57 =	vld [tilespmem:s4+$0x500];
	v12 =	vadd.s32 v44, v12  }
0x18a: {  	v59 =	vld [tilespmem:s11+$0x600];
	v12 =	vadd.s32 v45, v12  }
0x18b: {  	s0 =	simm.s32 $0x0;
	v14 =	vld [tilespmem:s4+$0x0];
	v53, _, _ =	vpop (xrf0);
	v12 =	vadd.s32 v46, v12  }
0x18c: {  	v15 =	vld [tilespmem:s11+$0x100];
	v55 =	vadd.s32 s0, v53;
	v12 =	vadd.s32 v47, v12  }
0x18d: {  	v13 =	vld [tilespmem:s4+$0x100];
	vm2 =	vgt.s32 v55, $0x3F;
	v12 =	vadd.s32 v49, v12  }
0x18e: {  	v16 =	vld [tilespmem:s11+$0x200];
	v58 =	vsel vm2, $0x1, v2;
	v12 =	vadd.s32 v50, v12  }
0x18f: {  	v17 =	vld [tilespmem:s4+$0x200];
	(xrf0) =	vadd.scan.msk.s32 $0xffff, v58;
	v12 =	vadd.s32 v51, v12  }
0x190: {  	v18 =	vld [tilespmem:s11+$0x300];
	v12 =	vadd.s32 v14, v12  }
0x191: {  	v19 =	vld [tilespmem:s4+$0x300];
	v12 =	vadd.s32 v15, v12  }
0x192: {  	v60 =	vld [tilespmem:s4+$0x600];
	v12 =	vadd.s32 v13, v12  }
0x193: {  	v14 =	vld [tilespmem:s11+$0x700];
	v12 =	vadd.s32 v16, v12  }
0x194: {  	s12 =	simm.s32 $0x18FD0;
	v15 =	vld [tilespmem:s4+$0x700];
	v12 =	vadd.s32 v17, v12  }
0x195: {  	s9 =	simm.s32 $0x19FD0;
	v13 =	vld [tilespmem:s12+$0xFFFFF800];
	v27, _, _ =	vpop (xrf0);
	v12 =	vadd.s32 v18, v12  }
0x196: {  	v16 =	vld [tilespmem:s9+$0xFFFFF800];
	(v2sf) =	vpush v27, $0xF;
	v12 =	vadd.s32 v19, v12  }
0x197: {  	v17 =	vld [tilespmem:s12+$0xFFFFF900];
	v12 =	vadd.s32 v52, v12;
	(v2sf) =	vpush v53, $0xF  }
0x198: {  	v18 =	vld [tilespmem:s9+$0xFFFFF900];
	v12 =	vadd.s32 v54, v12  }
0x199: {  	v19 =	vld [tilespmem:s12+$0xFFFFFA00];
	v12 =	vadd.s32 v56, v12  }
0x19a: {  	v61 =	vld [tilespmem:s9+$0xFFFFFA00];
	v12 =	vadd.s32 v57, v12  }
0x19b: {  	v13 =	vadd.s32 v13, v16;
	v16 =	vld [tilespmem:s12+$0xFFFFFB00];
	v12 =	vadd.s32 v59, v12  }
0x19c: {  	v13 =	vadd.s32 v17, v13;
	v17 =	vld [tilespmem:s9+$0xFFFFFB00];
	v12 =	vadd.s32 v60, v12  }
0x19d: {  	v13 =	vadd.s32 v18, v13;
	v18 =	vld [tilespmem:s12+$0xFFFFFC00];
	v12 =	vadd.s32 v14, v12  }
0x19e: {  	v13 =	vadd.s32 v19, v13;
	v19 =	vld [tilespmem:s9+$0xFFFFFC00];
	v12 =	vadd.s32 v15, v12  }
0x19f: {  	v62 =	vld [tilespmem:s12+$0xFFFFFD00];
	v13 =	vadd.s32 v61, v13;
	v12 =	vperm.xlane v12, v6  }
0x1a0: {  	v13 =	vadd.s32 v16, v13;
	v14 =	vld [tilespmem:s9+$0xFFFFFD00]  }
0x1a1: {  	v13 =	vadd.s32 v17, v13;
	v15 =	vld [tilespmem:s12+$0xFFFFFE00];
	(xrf0) =	vadd.scan.msk.s32 $0xffff, v12  }
0x1a2: {  	v16 =	vld [tilespmem:s9+$0xFFFFFE00];
	v13 =	vadd.s32 v18, v13  }
0x1a3: {  	v17 =	vld [tilespmem:s12+$0xFFFFFF00];
	v13 =	vadd.s32 v19, v13  }
0x1a4: {  	v12 =	vadd.s32 v62, v13;
	v13 =	vld [tilespmem:s9+$0xFFFFFF00]  }
0x1a5: {  	v12 =	vadd.s32 v14, v12;
	v14 =	vld [tilespmem:s12+$0x0];
	s14 =	spop (v2sf)  }
0x1a6: {  	v12 =	vadd.s32 v15, v12;
	v15 =	vld [tilespmem:s9+$0x0];
	s26 =	spop (v2sf)  }
0x1a7: {  	v12 =	vadd.s32 v16, v12;
	v16 =	vld [tilespmem:s12+$0x100];
	v18, _, _ =	vpop (xrf0);
	s15 =	sadd.s32 $0x0, s26  }
0x1a8: {  	v12 =	vadd.s32 v17, v12;
	v17 =	vld [tilespmem:s9+$0x100];
	v19 =	vadd.s32 s15, v18  }
0x1a9: {  	v12 =	vadd.s32 v13, v12;
	v13 =	vld [tilespmem:s12+$0x200];
	vm2 =	vgt.s32 v19, $0x3F  }
0x1aa: {  	v12 =	vadd.s32 v14, v12;
	v14 =	vld [tilespmem:s9+$0x200];
	v19 =	vsel vm2, $0x1, v2  }
0x1ab: {  	v12 =	vadd.s32 v15, v12;
	v15 =	vld [tilespmem:s12+$0x300];
	(xrf0) =	vadd.scan.msk.s32 $0xffff, v19  }
0x1ac: {  	v12 =	vadd.s32 v16, v12;
	v16 =	vld [tilespmem:s9+$0x300]  }
0x1ad: {  	v12 =	vadd.s32 v17, v12  }
0x1ae: {  	v12 =	vadd.s32 v13, v12  }
0x1af: {  	v12 =	vadd.s32 v14, v12  }
0x1b0: {  	v12 =	vadd.s32 v15, v12  }
0x1b1: {  	v12 =	vadd.s32 v16, v12;
	v16, _, _ =	vpop (xrf0)  }
0x1b2: {  	v17 =	vld [tilespmem:s12+$0x400];
	(v2sf) =	vpush v16, $0xF  }
0x1b3: {  	v13 =	vld [tilespmem:s9+$0x400]  }
0x1b4: {  	v14 =	vld [tilespmem:s12+$0x500]  }
0x1b5: {  	v19 =	vld [tilespmem:s9+$0x500]  }
0x1b6: {  	v63 =	vld [tilespmem:s12+$0x600]  }
0x1b7: {  	v15 =	vadd.s32 v17, v12;
	v12 =	vld [tilespmem:s9+$0x600];
	(v2sf) =	vpush v18, $0xF  }
0x1b8: {  	p0 =	por $0x0, $0x0;
	s31 =	simm.s32 $0xBF;
	v15 =	vadd.s32 v13, v15;
	v13 =	vld [tilespmem:s12+$0x700]  }
0x1b9: {  	s1 =	simm.s32 $0xDF;
	s11 =	sadd.s32 $0xEF, s14;
	s12 =	simm.s32 $0x18FC0;
	v17 =	vadd.s32 v14, v15;
	v14 =	vld [tilespmem:s9+$0x700]  }
0x1ba: {  	p1 =	sgt.s32 s14, $0x0;
	s14 =	simm.s32 $0x19FC0;
	s11 =	smov.u32 @p0 s0;
	v15 =	vld [tilespmem:s12+$0xFFFFF800];
	v17 =	vadd.s32 v19, v17  }
0x1bb: {  	s4 =	simm.s32 $0xCF;
	s0 =	smov.u32 @p1 s11;
	s9 =	simm.s32 $0xAF;
	v16 =	vld [tilespmem:s14+$0xFFFFF800];
	v17 =	vadd.s32 v63, v17  }
.LBB2_9:
0x1bc: {  	p2 =	sne.s32 s9, $0xFFFFFFFF;
	v18 =	vld [tilespmem:s12+$0xFFFFF900];
	v12 =	vadd.s32 v12, v17  }
0x1bd: {  	v17 =	vld [tilespmem:s14+$0xFFFFF900];
	v12 =	vadd.s32 v13, v12  }
0x1be: {  	v13 =	vld [tilespmem:s12+$0xFFFFFA00];
	v12 =	vadd.s32 v14, v12  }
0x1bf: {  	v14 =	vld [tilespmem:s14+$0xFFFFFA00];
	v12 =	vperm.xlane v12, v6  }
0x1c0: {  	v15 =	vadd.s32 v15, v16;
	v16 =	vld [tilespmem:s12+$0xFFFFFB00]  }
0x1c1: {  	v15 =	vadd.s32 v18, v15;
	v18 =	vld [tilespmem:s14+$0xFFFFFB00];
	(xrf0) =	vadd.scan.msk.s32 $0xffff, v12;
	s11 =	spop (v2sf)  }
0x1c2: {  	p0 =	por p0, p1;
	v12 =	vadd.s32 v17, v15;
	v15 =	vld [tilespmem:s12+$0xFFFFFC00];
	s26 =	sadd.s32 s1, s11;
	s1 =	smov.u32 s4  }
0x1c3: {  	p1 =	sgt.s32 s11, $0x0;
	s4 =	smov.u32 s31;
	v12 =	vadd.s32 v13, v12;
	v13 =	vld [tilespmem:s14+$0xFFFFFC00];
	s26 =	smov.u32 @p0 s0  }
0x1c4: {  	s31 =	smov.u32 s9;
	v12 =	vadd.s32 v14, v12;
	v14 =	vld [tilespmem:s12+$0xFFFFFD00];
	s0 =	smov.u32 @p1 s26  }
0x1c5: {  	v12 =	vadd.s32 v16, v12;
	v16 =	vld [tilespmem:s14+$0xFFFFFD00]  }
0x1c6: {  	v12 =	vadd.s32 v18, v12;
	v17 =	vld [tilespmem:s12+$0xFFFFFE00];
	s11 =	spop (v2sf)  }
0x1c7: {  	v12 =	vadd.s32 v15, v12;
	v15 =	vld [tilespmem:s14+$0xFFFFFE00];
	v18, _, _ =	vpop (xrf0);
	s15 =	sadd.s32 s15, s11  }
0x1c8: {  	v12 =	vadd.s32 v13, v12;
	v13 =	vld [tilespmem:s12+$0xFFFFFF00];
	v19 =	vadd.s32 s15, v18  }
0x1c9: {  	v12 =	vadd.s32 v14, v12;
	v14 =	vld [tilespmem:s14+$0xFFFFFF00];
	vm2 =	vgt.s32 v19, $0x3F  }
0x1ca: {  	v12 =	vadd.s32 v16, v12;
	v16 =	vld [tilespmem:s12+$0x0];
	v19 =	vsel vm2, $0x1, v2  }
0x1cb: {  	v12 =	vadd.s32 v17, v12;
	v17 =	vld [tilespmem:s14+$0x0];
	(xrf0) =	vadd.scan.msk.s32 $0xffff, v19  }
0x1cc: {  	v12 =	vadd.s32 v15, v12;
	v15 =	vld [tilespmem:s12+$0x100]  }
0x1cd: {  	v12 =	vadd.s32 v13, v12;
	v13 =	vld [tilespmem:s14+$0x100]  }
0x1ce: {  	v12 =	vadd.s32 v14, v12;
	v14 =	vld [tilespmem:s12+$0x200]  }
0x1cf: {  	v12 =	vadd.s32 v16, v12;
	v16 =	vld [tilespmem:s14+$0x200]  }
0x1d0: {  	v12 =	vadd.s32 v17, v12;
	v17 =	vld [tilespmem:s12+$0x300]  }
0x1d1: {  	v12 =	vadd.s32 v15, v12;
	v15 =	vld [tilespmem:s14+$0x300];
	v19, _, _ =	vpop (xrf0)  }
0x1d2: {  	v12 =	vadd.s32 v13, v12;
	v13 =	vld [tilespmem:s12+$0x400];
	(v2sf) =	vpush v19, $0xF  }
0x1d3: {  	v12 =	vadd.s32 v14, v12;
	v14 =	vld [tilespmem:s14+$0x400]  }
0x1d4: {  	v12 =	vadd.s32 v16, v12;
	v16 =	vld [tilespmem:s12+$0x500]  }
0x1d5: {  	v12 =	vadd.s32 v17, v12;
	v17 =	vld [tilespmem:s14+$0x500]  }
0x1d6: {  	v12 =	vadd.s32 v15, v12;
	v19 =	vld [tilespmem:s12+$0x600]  }
.Ltmp7:
0x1d7: {  	v13 =	vadd.s32 v13, v12;
	v12 =	vld [tilespmem:s14+$0x600];
	(v2sf) =	vpush v18, $0xF;
	(pc) =	sbr.rel @p2 .LBB2_9-.Ltmp7, $4  }
0x1d8: {  	v14 =	vadd.s32 v14, v13;
	v13 =	vld [tilespmem:s12+$0x700]  }
0x1d9: {  	s12 =	sadd.s32 $0xFFFFFFF0, s12;
	v16 =	vadd.s32 v16, v14;
	v14 =	vld [tilespmem:s14+$0x700]  }
0x1da: {  	s14 =	sadd.s32 $0xFFFFFFF0, s14;
	v15 =	vld [tilespmem:s12+$0xFFFFF800];
	v17 =	vadd.s32 v17, v16  }
0x1db: {  	s9 =	sadd.s32 $0xFFFFFFF0, s9;
	v16 =	vld [tilespmem:s14+$0xFFFFF800];
	v17 =	vadd.s32 v19, v17  }
0x1dc: {  	v18 =	vld [tilespmem:s12+$0xFFFFF900]  }
0x1dd: {  	v19 =	vld [tilespmem:s14+$0xFFFFF900]  }
0x1de: {  	v20 =	vld [tilespmem:s12+$0xFFFFFA00]  }
0x1df: {  	v21 =	vld [tilespmem:s14+$0xFFFFFA00]  }
0x1e0: {  	v12 =	vadd.s32 v12, v17;
	v51 =	vld [tilespmem:s12+$0xFFFFFB00];
	v15 =	vadd.s32 v15, v16  }
0x1e1: {  	v12 =	vadd.s32 v13, v12;
	v13 =	vadd.s32 v18, v15;
	v15 =	vld [tilespmem:s14+$0xFFFFFB00]  }
0x1e2: {  	v12 =	vadd.s32 v14, v12;
	v14 =	vld [tilespmem:s12+$0xFFFFFC00];
	v13 =	vadd.s32 v19, v13  }
0x1e3: {  	v52 =	vld [tilespmem:s14+$0xFFFFFC00];
	v12 =	vperm.xlane v12, v6;
	v13 =	vadd.s32 v20, v13  }
0x1e4: {  	v53 =	vld [tilespmem:s12+$0xFFFFFD00];
	v13 =	vadd.s32 v21, v13  }
0x1e5: {  	(xrf0) =	vadd.scan.msk.s32 $0xffff, v12;
	v12 =	vadd.s32 v51, v13;
	v13 =	vld [tilespmem:s14+$0xFFFFFD00]  }
0x1e6: {  	v12 =	vadd.s32 v15, v12;
	v15 =	vld [tilespmem:s12+$0xFFFFFE00]  }
0x1e7: {  	v12 =	vadd.s32 v14, v12;
	v14 =	vld [tilespmem:s14+$0xFFFFFE00]  }
0x1e8: {  	v54 =	vld [tilespmem:s12+$0xFFFFFF00];
	v12 =	vadd.s32 v52, v12  }
0x1e9: {  	v55 =	vld [tilespmem:s14+$0xFFFFFF00];
	s9 =	spop (v2sf);
	v12 =	vadd.s32 v53, v12  }
0x1ea: {  	s11 =	spop (v2sf);
	v12 =	vadd.s32 v13, v12;
	v13 =	vld [tilespmem:s12+$0x0]  }
0x1eb: {  	s11 =	sadd.s32 s15, s11;
	v56, _, _ =	vpop (xrf0);
	v12 =	vadd.s32 v15, v12;
	v15 =	vld [tilespmem:s14+$0x0]  }
0x1ec: {  	v57 =	vadd.s32 s11, v56;
	v12 =	vadd.s32 v14, v12;
	v14 =	vld [tilespmem:s12+$0x100]  }
0x1ed: {  	v58 =	vld [tilespmem:s14+$0x100];
	vm2 =	vgt.s32 v57, $0x3F;
	v12 =	vadd.s32 v54, v12  }
0x1ee: {  	v59 =	vld [tilespmem:s12+$0x200];
	v19 =	vsel vm2, $0x1, v2;
	v12 =	vadd.s32 v55, v12  }
0x1ef: {  	(xrf0) =	vadd.scan.msk.s32 $0xffff, v19;
	v12 =	vadd.s32 v13, v12;
	v13 =	vld [tilespmem:s14+$0x200]  }
0x1f0: {  	v12 =	vadd.s32 v15, v12;
	v15 =	vld [tilespmem:s12+$0x300]  }
0x1f1: {  	v12 =	vadd.s32 v14, v12;
	v14 =	vld [tilespmem:s14+$0x300]  }
0x1f2: {  	v60 =	vld [tilespmem:s12+$0x400];
	v12 =	vadd.s32 v58, v12  }
0x1f3: {  	v61 =	vld [tilespmem:s14+$0x400];
	v12 =	vadd.s32 v59, v12  }
0x1f4: {  	v12 =	vadd.s32 v13, v12;
	v13 =	vld [tilespmem:s12+$0x500]  }
0x1f5: {  	v19, _, _ =	vpop (xrf0);
	v12 =	vadd.s32 v15, v12;
	v15 =	vld [tilespmem:s14+$0x500]  }
0x1f6: {  	(v2sf) =	vpush v19, $0xF;
	v12 =	vadd.s32 v14, v12;
	v14 =	vld [tilespmem:s12+$0x600]  }
0x1f7: {  	v62 =	vld [tilespmem:s14+$0x600];
	(v2sf) =	vpush v56, $0xF;
	v12 =	vadd.s32 v60, v12  }
0x1f8: {  	v63 =	vld [tilespmem:s12+$0x700];
	v12 =	vadd.s32 v61, v12  }
0x1f9: {  	v12 =	vadd.s32 v13, v12;
	v13 =	vld [tilespmem:s14+$0x700]  }
0x1fa: {  	v12 =	vadd.s32 v15, v12  }
0x1fb: {  	v12 =	vadd.s32 v14, v12  }
0x1fc: {  	v12 =	vadd.s32 v62, v12  }
0x1fd: {  	v12 =	vadd.s32 v63, v12  }
0x1fe: {  	v12 =	vadd.s32 v13, v12  }
0x1ff: {  	v12 =	vperm.xlane v12, v6;
	_ =	sdelay $0x1  }
0x200: {  	(xrf0) =	vadd.scan.msk.s32 $0xffff, v12;
	_ =	sdelay $0x3  }
0x201: {  	s15 =	spop (v2sf)  }
0x202: {  	s26 =	spop (v2sf)  }
0x203: {  	s11 =	sadd.s32 s11, s26;
	v12, _, _ =	vpop (xrf0)  }
0x204: {  	v13 =	vadd.s32 s11, v12  }
0x205: {  	vm2 =	vgt.s32 v13, $0x3F  }
0x206: {  	v13 =	vsel vm2, $0x1, v2  }
0x207: {  	(xrf0) =	vadd.scan.msk.s32 $0xffff, v13;
	_ =	sdelay $0x5  }
0x208: {  	v13, _, _ =	vpop (xrf0)  }
0x209: {  	(v2sf) =	vpush v13, $0xF;
	_ =	sdelay $0xa  }
0x20a: {  	(v2sf) =	vpush v12, $0xF  }
0x20b: {  	p0 =	por p0, p1;
	s1 =	sadd.s32 s1, s9  }
0x20c: {  	p1 =	sgt.s32 s9, $0x0;
	s1 =	smov.u32 @p0 s0  }
0x20d: {  	(erf) = vrcp.f32 v9;
	p0 =	por p0, p1;
	s0 =	smov.u32 @p1 s1;
	s1 =	sadd.s32 s4, s15  }
0x20e: {  	p1 =	sgt.s32 s15, $0x0;
	s1 =	smov.u32 @p0 s0;
	s15 =	spop (v2sf)  }
0x20f: {  	p0 =	por p0, p1;
	s0 =	smov.u32 @p1 s1;
	s1 =	sadd.s32 s31, s15  }
0x210: {  	p1 =	sgt.s32 s15, $0x0;
	s1 =	smov.u32 @p0 s0  }
0x211: {  	s0 =	smov.u32 @p1 s1  }
0x212: {  	v12 =	vmov s0  }
0x213: {  	v12 =	vcvt.s32.f32 v12;
	_ =	sdelay $0x1  }
.Ltmp8:
0x214: {  	v12 =	vadd.f32 $-2.000000000e+00, v12;
	(pc) =	sbr.rel .LBB2_11-.Ltmp8, $4  }
0x215: {  	v13 =	vpop (erf)  }
0x216: {  	v12 =	vmul.f32 v12, v13  }
0x217: {  	s9 =	simm.s32 $0x0;
	s12 =	simm.s32 $0x0;
	s4 =	simm.s32 $0x50  }
0x218: {  	s26 =	spop (v2sf);
	s31 =	simm.s32 $0x90;
	v11 =	vadd.f32 v12, v11;
	v12 =	vadd.s32 s0, v1;
	s0 =	simm.s32 $0x1A700  }
.LBB2_13:
0x219: {  	s31 =	sadd.s32 $0xA0, s31  }
0x21a: {  	p0 =	sne.s32 s31, $0x18730  }
.Ltmp9:
0x21b: {  	_ = 	snop;
	(pc) =	sbr.rel @!p0 .LBB2_14-.Ltmp9, $2  }
0x21c: {  	_ =	sdelay $0x2  }
0x21d: {  	s0 =	sadd.s32 $0x10, s0;
	s4 =	sadd.s32 $0xA0, s4  }
.LBB2_11:
0x21e: {  	v13 =	vld [tilespmem:s0+$0x0];
	_ =	sdelay $0x4  }
0x21f: {  	vm2 =	vge.f32 v13, v11  }
0x220: {  	v13 =	vsel vm2, $0x3F800000, v7  }
0x221: {  	(xrf0) =	vmax.scan.msk.f32 $0xffff, v13;
	_ =	sdelay $0x5  }
0x222: {  	v13, _, _ =	vpop (xrf0)  }
0x223: {  	(v2sf) =	vpush v13, $0xF;
	_ =	sdelay $0xe  }
0x224: {  	s1 =	spop (v2sf)  }
0x225: {  	p0 =	sgt.f32 s1, $0.0e+00  }
.Ltmp10:
0x226: {  	_ = 	snop;
	(pc) =	sbr.rel @!p0 .LBB2_13-.Ltmp10, $1  }
0x227: {  	_ =	sdelay $0x3  }
0x228: {  	v13 =	vld [tilespmem:s4+$0xFFFFFFB0];
	_ =	sdelay $0x4  }
0x229: {  	v14 =	vmul.f32 v13, v9;
	_ =	sdelay $0x1  }
0x22a: {  	v14 =	vadd.f32 v14, v10;
	_ =	sdelay $0x1  }
0x22b: {  	v14 =	vtrunc.f32 v14  }
0x22c: {  	v14 =	vcvt.f32.s32 v14;
	_ =	sdelay $0x1  }
0x22d: {  	vm2 =	vgt.s32 v14, v1  }
0x22e: {  	v14 =	vsel vm2, v14, v1  }
0x22f: {  	p0 =	slt.s32 s12, $0xF0;
	vm2 =	vmmov vm1;
	v14 =	vmin.u32 v14, v4  }
0x230: {  	vm4 =	vmmov vm1;
	vm2 =	vmneg @p0 vm2;
	p0 =	slt.s32 s9, $0xC0;
	vm3 =	vgt.s32 v14, v12  }
0x231: {  	vm4 =	vmneg @p0 vm4;
	vm2 =	vmand vm2, vm3;
	vm3 =	veq.s32 v14, v12  }
0x232: {  	vm3 =	vmand vm4, vm3;
	v14 =	vsel vm2, $0x1, v2  }
0x233: {  	(xrf0) =	vadd.scan.msk.s32 $0xffff, v14;
	v14 =	vsel vm3, $0x1, v2  }
0x234: {  	(xrf0) =	vadd.scan.msk.s32 $0xffff, v14;
	_ =	sdelay $0x4  }
0x235: {  	v14, _, _ =	vpop (xrf0)  }
0x236: {  	(v2sf) =	vpush v14, $0xF;
	v14, _, _ =	vpop (xrf0)  }
0x237: {  	(v2sf) =	vpush v14, $0xF;
	_ =	sdelay $0xd  }
0x238: {  	s11 =	spop (v2sf)  }
0x239: {  	s14 =	spop (v2sf)  }
0x23a: {  	s1 =	sadd.s32 s14, s11  }
0x23b: {  	p0 =	slt.s32 s1, $0x1  }
0x23c: {  	s1 =	sadd.s32 $0xFFFFFF70, s31;
	v14 =	vlaneseq.u32 @!p0  }
0x23d: {  	[tilespmem:s12+$0x1CE80] =	vst.msk @!p0 vm2, v13;
	v14 =	vor.u32 @!p0 s1, v14  }
0x23e: {  	[tilespmem:s12+$0x1D080] =	vst.msk @!p0 vm2, v14  }
0x23f: {  	[tilespmem:s9+$0x1CF80] =	vst.msk @!p0 vm3, v13  }
0x240: {  	[tilespmem:s9+$0x1D180] =	vst.msk @!p0 vm3, v14  }
0x241: {  	v13 =	vld [tilespmem:s4+$0xFFFFFFC0];
	_ =	sdelay $0x4  }
0x242: {  	v14 =	vmul.f32 v13, v9;
	_ =	sdelay $0x1  }
0x243: {  	v14 =	vadd.f32 v14, v10;
	_ =	sdelay $0x1  }
0x244: {  	v14 =	vtrunc.f32 v14  }
0x245: {  	v14 =	vcvt.f32.s32 v14;
	_ =	sdelay $0x1  }
0x246: {  	vm2 =	vgt.s32 v14, v1  }
0x247: {  	s11 =	sadd.s32 s12, s11;
	v14 =	vsel vm2, v14, v1  }
0x248: {  	s9 =	sadd.s32 s9, s14;
	p0 =	slt.s32 s11, $0xF0;
	vm2 =	vmmov vm1;
	v14 =	vmin.u32 v14, v4  }
0x249: {  	vm4 =	vmmov vm1;
	vm2 =	vmneg @p0 vm2;
	p0 =	slt.s32 s9, $0xC0;
	vm3 =	vgt.s32 v14, v12  }
0x24a: {  	vm4 =	vmneg @p0 vm4;
	vm2 =	vmand vm2, vm3;
	vm3 =	veq.s32 v14, v12  }
0x24b: {  	vm3 =	vmand vm4, vm3;
	v14 =	vsel vm2, $0x1, v2  }
0x24c: {  	(xrf0) =	vadd.scan.msk.s32 $0xffff, v14;
	v14 =	vsel vm3, $0x1, v2  }
0x24d: {  	(xrf0) =	vadd.scan.msk.s32 $0xffff, v14;
	_ =	sdelay $0x4  }
0x24e: {  	v14, _, _ =	vpop (xrf0)  }
0x24f: {  	(v2sf) =	vpush v14, $0xF;
	v14, _, _ =	vpop (xrf0)  }
0x250: {  	(v2sf) =	vpush v14, $0xF;
	_ =	sdelay $0xd  }
0x251: {  	s14 =	spop (v2sf)  }
0x252: {  	s26 =	spop (v2sf)  }
0x253: {  	s15 =	sadd.s32 s26, s14  }
0x254: {  	p0 =	slt.s32 s15, $0x1  }
0x255: {  	s15 =	sadd.s32 $0xFFFFFF80, s31;
	v14 =	vlaneseq.u32 @!p0  }
0x256: {  	[tilespmem:s11+$0x1CE80] =	vst.msk @!p0 vm2, v13;
	v14 =	vor.u32 @!p0 s15, v14  }
0x257: {  	[tilespmem:s11+$0x1D080] =	vst.msk @!p0 vm2, v14  }
0x258: {  	[tilespmem:s9+$0x1CF80] =	vst.msk @!p0 vm3, v13  }
0x259: {  	[tilespmem:s9+$0x1D180] =	vst.msk @!p0 vm3, v14  }
0x25a: {  	v13 =	vld [tilespmem:s4+$0xFFFFFFD0];
	_ =	sdelay $0x4  }
0x25b: {  	v14 =	vmul.f32 v13, v9;
	_ =	sdelay $0x1  }
0x25c: {  	v14 =	vadd.f32 v14, v10;
	_ =	sdelay $0x1  }
0x25d: {  	v14 =	vtrunc.f32 v14  }
0x25e: {  	v14 =	vcvt.f32.s32 v14;
	_ =	sdelay $0x1  }
0x25f: {  	vm2 =	vgt.s32 v14, v1  }
0x260: {  	s11 =	sadd.s32 s11, s14;
	v14 =	vsel vm2, v14, v1  }
0x261: {  	s9 =	sadd.s32 s9, s26;
	p0 =	slt.s32 s11, $0xF0;
	vm2 =	vmmov vm1;
	v14 =	vmin.u32 v14, v4  }
0x262: {  	vm4 =	vmmov vm1;
	vm2 =	vmneg @p0 vm2;
	p0 =	slt.s32 s9, $0xC0;
	vm3 =	vgt.s32 v14, v12  }
0x263: {  	vm4 =	vmneg @p0 vm4;
	vm2 =	vmand vm2, vm3;
	vm3 =	veq.s32 v14, v12  }
0x264: {  	vm3 =	vmand vm4, vm3;
	v14 =	vsel vm2, $0x1, v2  }
0x265: {  	(xrf0) =	vadd.scan.msk.s32 $0xffff, v14;
	v14 =	vsel vm3, $0x1, v2  }
0x266: {  	(xrf0) =	vadd.scan.msk.s32 $0xffff, v14;
	_ =	sdelay $0x4  }
0x267: {  	v14, _, _ =	vpop (xrf0)  }
0x268: {  	(v2sf) =	vpush v14, $0xF;
	v14, _, _ =	vpop (xrf0)  }
0x269: {  	(v2sf) =	vpush v14, $0xF;
	_ =	sdelay $0xd  }
0x26a: {  	s12 =	spop (v2sf)  }
0x26b: {  	s14 =	spop (v2sf)  }
0x26c: {  	s26 =	sadd.s32 s14, s12  }
0x26d: {  	p0 =	slt.s32 s26, $0x1  }
0x26e: {  	s15 =	sadd.s32 $0xFFFFFF90, s31;
	v14 =	vlaneseq.u32 @!p0  }
0x26f: {  	[tilespmem:s11+$0x1CE80] =	vst.msk @!p0 vm2, v13;
	v14 =	vor.u32 @!p0 s15, v14  }
0x270: {  	[tilespmem:s11+$0x1D080] =	vst.msk @!p0 vm2, v14  }
0x271: {  	[tilespmem:s9+$0x1CF80] =	vst.msk @!p0 vm3, v13  }
0x272: {  	[tilespmem:s9+$0x1D180] =	vst.msk @!p0 vm3, v14  }
0x273: {  	v13 =	vld [tilespmem:s4+$0xFFFFFFE0];
	_ =	sdelay $0x4  }
0x274: {  	v14 =	vmul.f32 v13, v9;
	_ =	sdelay $0x1  }
0x275: {  	v14 =	vadd.f32 v14, v10;
	_ =	sdelay $0x1  }
0x276: {  	v14 =	vtrunc.f32 v14  }
0x277: {  	v14 =	vcvt.f32.s32 v14;
	_ =	sdelay $0x1  }
0x278: {  	vm2 =	vgt.s32 v14, v1  }
0x279: {  	s11 =	sadd.s32 s11, s12;
	v14 =	vsel vm2, v14, v1  }
0x27a: {  	s9 =	sadd.s32 s9, s14;
	p0 =	slt.s32 s11, $0xF0;
	vm2 =	vmmov vm1;
	v14 =	vmin.u32 v14, v4  }
0x27b: {  	vm4 =	vmmov vm1;
	vm2 =	vmneg @p0 vm2;
	p0 =	slt.s32 s9, $0xC0;
	vm3 =	vgt.s32 v14, v12  }
0x27c: {  	vm4 =	vmneg @p0 vm4;
	vm2 =	vmand vm2, vm3;
	vm3 =	veq.s32 v14, v12  }
0x27d: {  	vm3 =	vmand vm4, vm3;
	v14 =	vsel vm2, $0x1, v2  }
0x27e: {  	(xrf0) =	vadd.scan.msk.s32 $0xffff, v14;
	v14 =	vsel vm3, $0x1, v2  }
0x27f: {  	(xrf0) =	vadd.scan.msk.s32 $0xffff, v14;
	_ =	sdelay $0x4  }
0x280: {  	v14, _, _ =	vpop (xrf0)  }
0x281: {  	(v2sf) =	vpush v14, $0xF;
	v14, _, _ =	vpop (xrf0)  }
0x282: {  	(v2sf) =	vpush v14, $0xF;
	_ =	sdelay $0xd  }
0x283: {  	s12 =	spop (v2sf)  }
0x284: {  	s14 =	spop (v2sf)  }
0x285: {  	s26 =	sadd.s32 s14, s12  }
0x286: {  	p0 =	slt.s32 s26, $0x1  }
0x287: {  	s15 =	sadd.s32 $0xFFFFFFA0, s31;
	v14 =	vlaneseq.u32 @!p0  }
0x288: {  	[tilespmem:s11+$0x1CE80] =	vst.msk @!p0 vm2, v13;
	v14 =	vor.u32 @!p0 s15, v14  }
0x289: {  	[tilespmem:s11+$0x1D080] =	vst.msk @!p0 vm2, v14  }
0x28a: {  	[tilespmem:s9+$0x1CF80] =	vst.msk @!p0 vm3, v13  }
0x28b: {  	[tilespmem:s9+$0x1D180] =	vst.msk @!p0 vm3, v14  }
0x28c: {  	v13 =	vld [tilespmem:s4+$0xFFFFFFF0];
	_ =	sdelay $0x4  }
0x28d: {  	v14 =	vmul.f32 v13, v9;
	_ =	sdelay $0x1  }
0x28e: {  	v14 =	vadd.f32 v14, v10;
	_ =	sdelay $0x1  }
0x28f: {  	v14 =	vtrunc.f32 v14  }
0x290: {  	v14 =	vcvt.f32.s32 v14;
	_ =	sdelay $0x1  }
0x291: {  	vm2 =	vgt.s32 v14, v1  }
0x292: {  	s11 =	sadd.s32 s11, s12;
	v14 =	vsel vm2, v14, v1  }
0x293: {  	s9 =	sadd.s32 s9, s14;
	p0 =	slt.s32 s11, $0xF0;
	vm2 =	vmmov vm1;
	v14 =	vmin.u32 v14, v4  }
0x294: {  	vm4 =	vmmov vm1;
	vm2 =	vmneg @p0 vm2;
	p0 =	slt.s32 s9, $0xC0;
	vm3 =	vgt.s32 v14, v12  }
0x295: {  	vm4 =	vmneg @p0 vm4;
	vm2 =	vmand vm2, vm3;
	vm3 =	veq.s32 v14, v12  }
0x296: {  	vm3 =	vmand vm4, vm3;
	v14 =	vsel vm2, $0x1, v2  }
0x297: {  	(xrf0) =	vadd.scan.msk.s32 $0xffff, v14;
	v14 =	vsel vm3, $0x1, v2  }
0x298: {  	(xrf0) =	vadd.scan.msk.s32 $0xffff, v14;
	_ =	sdelay $0x4  }
0x299: {  	v14, _, _ =	vpop (xrf0)  }
0x29a: {  	(v2sf) =	vpush v14, $0xF;
	v14, _, _ =	vpop (xrf0)  }
0x29b: {  	(v2sf) =	vpush v14, $0xF;
	_ =	sdelay $0xd  }
0x29c: {  	s12 =	spop (v2sf)  }
0x29d: {  	s14 =	spop (v2sf)  }
0x29e: {  	s26 =	sadd.s32 s14, s12  }
0x29f: {  	p0 =	slt.s32 s26, $0x1  }
0x2a0: {  	s15 =	sadd.s32 $0xFFFFFFB0, s31;
	v14 =	vlaneseq.u32 @!p0  }
0x2a1: {  	[tilespmem:s11+$0x1CE80] =	vst.msk @!p0 vm2, v13;
	v14 =	vor.u32 @!p0 s15, v14  }
0x2a2: {  	[tilespmem:s11+$0x1D080] =	vst.msk @!p0 vm2, v14  }
0x2a3: {  	[tilespmem:s9+$0x1CF80] =	vst.msk @!p0 vm3, v13  }
0x2a4: {  	[tilespmem:s9+$0x1D180] =	vst.msk @!p0 vm3, v14  }
0x2a5: {  	v13 =	vld [tilespmem:s4+$0x0];
	_ =	sdelay $0x4  }
0x2a6: {  	v14 =	vmul.f32 v13, v9;
	_ =	sdelay $0x1  }
0x2a7: {  	v14 =	vadd.f32 v14, v10;
	_ =	sdelay $0x1  }
0x2a8: {  	v14 =	vtrunc.f32 v14  }
0x2a9: {  	v14 =	vcvt.f32.s32 v14;
	_ =	sdelay $0x1  }
0x2aa: {  	vm2 =	vgt.s32 v14, v1  }
0x2ab: {  	s11 =	sadd.s32 s11, s12;
	v14 =	vsel vm2, v14, v1  }
0x2ac: {  	s9 =	sadd.s32 s9, s14;
	p0 =	slt.s32 s11, $0xF0;
	vm2 =	vmmov vm1;
	v14 =	vmin.u32 v14, v4  }
0x2ad: {  	vm4 =	vmmov vm1;
	vm2 =	vmneg @p0 vm2;
	p0 =	slt.s32 s9, $0xC0;
	vm3 =	vgt.s32 v14, v12  }
0x2ae: {  	vm4 =	vmneg @p0 vm4;
	vm2 =	vmand vm2, vm3;
	vm3 =	veq.s32 v14, v12  }
0x2af: {  	vm3 =	vmand vm4, vm3;
	v14 =	vsel vm2, $0x1, v2  }
0x2b0: {  	(xrf0) =	vadd.scan.msk.s32 $0xffff, v14;
	v14 =	vsel vm3, $0x1, v2  }
0x2b1: {  	(xrf0) =	vadd.scan.msk.s32 $0xffff, v14;
	_ =	sdelay $0x4  }
0x2b2: {  	v14, _, _ =	vpop (xrf0)  }
0x2b3: {  	(v2sf) =	vpush v14, $0xF;
	v14, _, _ =	vpop (xrf0)  }
0x2b4: {  	(v2sf) =	vpush v14, $0xF;
	_ =	sdelay $0xd  }
0x2b5: {  	s12 =	spop (v2sf)  }
0x2b6: {  	s14 =	spop (v2sf)  }
0x2b7: {  	s26 =	sadd.s32 s14, s12  }
0x2b8: {  	p0 =	slt.s32 s26, $0x1  }
0x2b9: {  	s15 =	sadd.s32 $0xFFFFFFC0, s31;
	v14 =	vlaneseq.u32 @!p0  }
0x2ba: {  	[tilespmem:s11+$0x1CE80] =	vst.msk @!p0 vm2, v13;
	v14 =	vor.u32 @!p0 s15, v14  }
0x2bb: {  	[tilespmem:s11+$0x1D080] =	vst.msk @!p0 vm2, v14  }
0x2bc: {  	[tilespmem:s9+$0x1CF80] =	vst.msk @!p0 vm3, v13  }
0x2bd: {  	[tilespmem:s9+$0x1D180] =	vst.msk @!p0 vm3, v14  }
0x2be: {  	v13 =	vld [tilespmem:s4+$0x10];
	_ =	sdelay $0x4  }
0x2bf: {  	v14 =	vmul.f32 v13, v9;
	_ =	sdelay $0x1  }
0x2c0: {  	v14 =	vadd.f32 v14, v10;
	_ =	sdelay $0x1  }
0x2c1: {  	v14 =	vtrunc.f32 v14  }
0x2c2: {  	v14 =	vcvt.f32.s32 v14;
	_ =	sdelay $0x1  }
0x2c3: {  	vm2 =	vgt.s32 v14, v1  }
0x2c4: {  	s11 =	sadd.s32 s11, s12;
	v14 =	vsel vm2, v14, v1  }
0x2c5: {  	s9 =	sadd.s32 s9, s14;
	p0 =	slt.s32 s11, $0xF0;
	vm2 =	vmmov vm1;
	v14 =	vmin.u32 v14, v4  }
0x2c6: {  	vm4 =	vmmov vm1;
	vm2 =	vmneg @p0 vm2;
	p0 =	slt.s32 s9, $0xC0;
	vm3 =	vgt.s32 v14, v12  }
0x2c7: {  	vm4 =	vmneg @p0 vm4;
	vm2 =	vmand vm2, vm3;
	vm3 =	veq.s32 v14, v12  }
0x2c8: {  	vm3 =	vmand vm4, vm3;
	v14 =	vsel vm2, $0x1, v2  }
0x2c9: {  	(xrf0) =	vadd.scan.msk.s32 $0xffff, v14;
	v14 =	vsel vm3, $0x1, v2  }
0x2ca: {  	(xrf0) =	vadd.scan.msk.s32 $0xffff, v14;
	_ =	sdelay $0x4  }
0x2cb: {  	v14, _, _ =	vpop (xrf0)  }
0x2cc: {  	(v2sf) =	vpush v14, $0xF;
	v14, _, _ =	vpop (xrf0)  }
0x2cd: {  	(v2sf) =	vpush v14, $0xF;
	_ =	sdelay $0xd  }
0x2ce: {  	s12 =	spop (v2sf)  }
0x2cf: {  	s14 =	spop (v2sf)  }
0x2d0: {  	s26 =	sadd.s32 s14, s12  }
0x2d1: {  	p0 =	slt.s32 s26, $0x1  }
0x2d2: {  	s15 =	sadd.s32 $0xFFFFFFD0, s31;
	v14 =	vlaneseq.u32 @!p0  }
0x2d3: {  	[tilespmem:s11+$0x1CE80] =	vst.msk @!p0 vm2, v13;
	v14 =	vor.u32 @!p0 s15, v14  }
0x2d4: {  	[tilespmem:s11+$0x1D080] =	vst.msk @!p0 vm2, v14  }
0x2d5: {  	[tilespmem:s9+$0x1CF80] =	vst.msk @!p0 vm3, v13  }
0x2d6: {  	[tilespmem:s9+$0x1D180] =	vst.msk @!p0 vm3, v14  }
0x2d7: {  	v13 =	vld [tilespmem:s4+$0x20];
	_ =	sdelay $0x4  }
0x2d8: {  	v14 =	vmul.f32 v13, v9;
	_ =	sdelay $0x1  }
0x2d9: {  	v14 =	vadd.f32 v14, v10;
	_ =	sdelay $0x1  }
0x2da: {  	v14 =	vtrunc.f32 v14  }
0x2db: {  	v14 =	vcvt.f32.s32 v14;
	_ =	sdelay $0x1  }
0x2dc: {  	vm2 =	vgt.s32 v14, v1  }
0x2dd: {  	s11 =	sadd.s32 s11, s12;
	v14 =	vsel vm2, v14, v1  }
0x2de: {  	s9 =	sadd.s32 s9, s14;
	p0 =	slt.s32 s11, $0xF0;
	vm2 =	vmmov vm1;
	v14 =	vmin.u32 v14, v4  }
0x2df: {  	vm4 =	vmmov vm1;
	vm2 =	vmneg @p0 vm2;
	p0 =	slt.s32 s9, $0xC0;
	vm3 =	vgt.s32 v14, v12  }
0x2e0: {  	vm4 =	vmneg @p0 vm4;
	vm2 =	vmand vm2, vm3;
	vm3 =	veq.s32 v14, v12  }
0x2e1: {  	vm3 =	vmand vm4, vm3;
	v14 =	vsel vm2, $0x1, v2  }
0x2e2: {  	(xrf0) =	vadd.scan.msk.s32 $0xffff, v14;
	v14 =	vsel vm3, $0x1, v2  }
0x2e3: {  	(xrf0) =	vadd.scan.msk.s32 $0xffff, v14;
	_ =	sdelay $0x4  }
0x2e4: {  	v14, _, _ =	vpop (xrf0)  }
0x2e5: {  	(v2sf) =	vpush v14, $0xF;
	v14, _, _ =	vpop (xrf0)  }
0x2e6: {  	(v2sf) =	vpush v14, $0xF;
	_ =	sdelay $0xd  }
0x2e7: {  	s12 =	spop (v2sf)  }
0x2e8: {  	s14 =	spop (v2sf)  }
0x2e9: {  	s26 =	sadd.s32 s14, s12  }
0x2ea: {  	p0 =	slt.s32 s26, $0x1  }
0x2eb: {  	s15 =	sadd.s32 $0xFFFFFFE0, s31;
	v14 =	vlaneseq.u32 @!p0  }
0x2ec: {  	[tilespmem:s11+$0x1CE80] =	vst.msk @!p0 vm2, v13;
	v14 =	vor.u32 @!p0 s15, v14  }
0x2ed: {  	s15 =	sadd.s32 $0xFFFFFFF0, s31;
	[tilespmem:s11+$0x1D080] =	vst.msk @!p0 vm2, v14  }
0x2ee: {  	s1 =	sand.u32 $0x60, s1;
	s26 =	sand.u32 $0x7FF80, s15;
	[tilespmem:s9+$0x1CF80] =	vst.msk @!p0 vm3, v13  }
0x2ef: {  	s1 =	sor.u32 s1, s26;
	[tilespmem:s9+$0x1D180] =	vst.msk @!p0 vm3, v14  }
0x2f0: {  	v13 =	vld [tilespmem:s1+$0x0];
	_ =	sdelay $0x4  }
0x2f1: {  	v14 =	vmul.f32 v13, v9;
	_ =	sdelay $0x1  }
0x2f2: {  	v14 =	vadd.f32 v14, v10;
	_ =	sdelay $0x1  }
0x2f3: {  	v14 =	vtrunc.f32 v14  }
0x2f4: {  	v14 =	vcvt.f32.s32 v14;
	_ =	sdelay $0x1  }
0x2f5: {  	vm2 =	vgt.s32 v14, v1  }
0x2f6: {  	s1 =	sadd.s32 s11, s12;
	v14 =	vsel vm2, v14, v1  }
0x2f7: {  	s9 =	sadd.s32 s9, s14;
	p0 =	slt.s32 s1, $0xF0;
	vm2 =	vmmov vm1;
	v14 =	vmin.u32 v14, v4  }
0x2f8: {  	vm4 =	vmmov vm1;
	vm2 =	vmneg @p0 vm2;
	p0 =	slt.s32 s9, $0xC0;
	vm3 =	vgt.s32 v14, v12  }
0x2f9: {  	vm4 =	vmneg @p0 vm4;
	vm2 =	vmand vm2, vm3;
	vm3 =	veq.s32 v14, v12  }
0x2fa: {  	vm3 =	vmand vm4, vm3;
	v14 =	vsel vm2, $0x1, v2  }
0x2fb: {  	(xrf0) =	vadd.scan.msk.s32 $0xffff, v14;
	v14 =	vsel vm3, $0x1, v2  }
0x2fc: {  	(xrf0) =	vadd.scan.msk.s32 $0xffff, v14;
	_ =	sdelay $0x4  }
0x2fd: {  	v14, _, _ =	vpop (xrf0)  }
0x2fe: {  	(v2sf) =	vpush v14, $0xF;
	v14, _, _ =	vpop (xrf0)  }
0x2ff: {  	(v2sf) =	vpush v14, $0xF;
	_ =	sdelay $0xd  }
0x300: {  	s11 =	spop (v2sf)  }
0x301: {  	s12 =	spop (v2sf)  }
0x302: {  	s26 =	sadd.s32 s12, s11  }
0x303: {  	p0 =	slt.s32 s26, $0x1  }
0x304: {  	v14 =	vlaneseq.u32 @!p0  }
0x305: {  	[tilespmem:s1+$0x1CE80] =	vst.msk @!p0 vm2, v13;
	v14 =	vor.u32 @!p0 s15, v14  }
0x306: {  	[tilespmem:s1+$0x1D080] =	vst.msk @!p0 vm2, v14  }
0x307: {  	[tilespmem:s9+$0x1CF80] =	vst.msk @!p0 vm3, v13  }
0x308: {  	[tilespmem:s9+$0x1D180] =	vst.msk @!p0 vm3, v14  }
0x309: {  	v13 =	vld [tilespmem:s4+$0x40];
	_ =	sdelay $0x4  }
0x30a: {  	v14 =	vmul.f32 v13, v9;
	_ =	sdelay $0x1  }
0x30b: {  	v14 =	vadd.f32 v14, v10;
	_ =	sdelay $0x1  }
0x30c: {  	v14 =	vtrunc.f32 v14  }
0x30d: {  	v14 =	vcvt.f32.s32 v14;
	_ =	sdelay $0x1  }
0x30e: {  	vm2 =	vgt.s32 v14, v1  }
0x30f: {  	s1 =	sadd.s32 s1, s11;
	v14 =	vsel vm2, v14, v1  }
0x310: {  	s9 =	sadd.s32 s9, s12;
	p0 =	slt.s32 s1, $0xF0;
	vm2 =	vmmov vm1;
	v14 =	vmin.u32 v14, v4  }
0x311: {  	vm4 =	vmmov vm1;
	vm2 =	vmneg @p0 vm2;
	p0 =	slt.s32 s9, $0xC0;
	vm3 =	vgt.s32 v14, v12  }
0x312: {  	vm4 =	vmneg @p0 vm4;
	vm2 =	vmand vm2, vm3;
	vm3 =	veq.s32 v14, v12  }
0x313: {  	vm3 =	vmand vm4, vm3;
	v14 =	vsel vm2, $0x1, v2  }
0x314: {  	(xrf0) =	vadd.scan.msk.s32 $0xffff, v14;
	v14 =	vsel vm3, $0x1, v2  }
0x315: {  	(xrf0) =	vadd.scan.msk.s32 $0xffff, v14;
	_ =	sdelay $0x4  }
0x316: {  	v14, _, _ =	vpop (xrf0)  }
0x317: {  	(v2sf) =	vpush v14, $0xF;
	v14, _, _ =	vpop (xrf0)  }
0x318: {  	(v2sf) =	vpush v14, $0xF;
	_ =	sdelay $0xd  }
0x319: {  	s14 =	spop (v2sf)  }
0x31a: {  	s15 =	spop (v2sf)  }
0x31b: {  	s26 =	sadd.s32 s15, s14  }
0x31c: {  	p0 =	slt.s32 s26, $0x1  }
.Ltmp11:
0x31d: {  	v14 =	vlaneseq.u32 @!p0;
	(pc) =	sbr.rel .LBB2_13-.Ltmp11, $4  }
0x31e: {  	[tilespmem:s1+$0x1CE80] =	vst.msk @!p0 vm2, v13;
	v14 =	vor.u32 @!p0 s31, v14  }
0x31f: {  	[tilespmem:s1+$0x1D080] =	vst.msk @!p0 vm2, v14  }
0x320: {  	[tilespmem:s9+$0x1CF80] =	vst.msk @!p0 vm3, v13  }
0x321: {  	s12 =	sadd.s32 s1, s14;
	[tilespmem:s9+$0x1D180] =	vst.msk @!p0 vm3, v14;
	s9 =	sadd.s32 s9, s15  }
.LBB2_14:
0x322: {  	p0 =	seq.s32 s28, $0x3  }
0x323: {  	s0 =	sadd.s32 @!p0 $0x1, s30  }
0x324: {  	p1 =	slt.s32 s9, $0xD0;
	s1 =	sshrl.u32 @!p0 s0, $0x3  }
0x325: {  	p2 =	slt.s32 s9, $0xFFFFFEF2;
	s0 =	sshll.u32 @!p0 s0, $0x7;
	s1 =	smul.u32 @!p0 $0xC3800, s1  }
0x326: {  	s9 =	simm.s32 @!p1 $0xD0;
	s4 =	simm.s32 @!p0 $0x80;
	s0 =	sand.u32 @!p0 $0x380, s0  }
0x327: {  	s11 =	simm.s32 @!p0 $0x0;
	s15 =	sadd.s32 $0x10F, s9;
	s0 =	sor.u32 @!p0 s0, s1  }
0x328: {  	s9 =	simm.s32 @!p0 $0x400;
	s26 =	sand.u32 $0xF, s15;
	s0 =	sshrl.u32 @!p0 s0, $0x3  }
0x329: {  	s30 =	sshra.s32 s15, $0x1F;
	p6 =	sne.s32 s26, $0x0;
	s0 =	sadd.s32 @!p0 s3, s0  }
0x32a: {  	[tilespmem:s11], [sflag:$0x1] =	stream.strided.gather @!p0 [hbm4b:s0+s4], $0x18700, s9, s4, $0x38;
	[tilespmem:$0x1D580] =	vst v63  }
.Ltmp12:
0x32b: {  	s31 =	sshrl.u32 s30, $0x1C;
	p0 =	por !p2, !p6;
	(pc) =	sbr.rel .LBB2_15-.Ltmp12, $4  }
0x32c: {  	s1 =	simm.s32 $0x1;
	s0 =	sadd.s32 s31, s15;
	p0 =	por !p0, !p0  }
0x32d: {  	s0 =	sshra.s32 s0, $0x4;
	s1 =	simm.s32 @!p0 $0x0  }
0x32e: {  	s0 =	ssub.s32 s0, s1  }
0x32f: {  	s4 =	simm.s32 $0x0;
	s1 =	simm.s32 $0x0;
	p0 =	slt.s32 s0, $0x1  }
.LBB2_16:
0x330: {  	v10 =	vimm.s32 $0xC0000000  }
.LBB2_20:
0x331: {  	(xrf0) =	vmax.scan.msk.f32 $0xffff, v9;
	_ =	sdelay $0x5  }
0x332: {  	v11, _, _ =	vpop (xrf0)  }
0x333: {  	v11 =	vbroadcast v11, $0xF;
	_ =	sdelay $0x1  }
0x334: {  	vm2 =	veq.f32 v9, v11  }
0x335: {  	v9 =	vnsel vm2, $0xC0000000, v10  }
0x336: {  	(xrf0) =	vmin.scan.msk.u32 $0xffff, v9;
	_ =	sdelay $0x5  }
0x337: {  	v9, _, _ =	vpop (xrf0)  }
0x338: {  	(v2sf) =	vpush v9, $0xF;
	_ =	sdelay $0xe  }
0x339: {  	s9 =	spop (v2sf)  }
0x33a: {  	s9 =	sxor.u32 $0x80000000, s9  }
0x33b: {  	v9 =	vmov s9;
	_ =	sdelay $0x4  }
0x33c: {  	v10 =	vld.idx.msk [tilespmem:v9+s20+$0x0], $0xffff;
	_ =	sdelay $0x4  }
0x33d: {  	v10 =	vxor.u32 $0x80000000, v10  }
0x33e: {  	(xrf0) =	vmax.scan.msk.u32 $0xffff, v10;
	_ =	sdelay $0x5  }
0x33f: {  	v10, _, _ =	vpop (xrf0)  }
0x340: {  	(v2sf) =	vpush v10, $0xF;
	_ =	sdelay $0xb  }
0x341: {  	v10 =	vmov s4;
	s4 =	sadd.s32 $0x1, s4  }
0x342: {  	p1 =	sne.s32 s4, $0x40  }
.Ltmp13:
0x343: {  	_ = 	snop;
	(pc) =	sbr.rel @!p1 .LBB2_21-.Ltmp13, $4  }
0x344: {  	s31 =	spop (v2sf)  }
0x345: {  	[tilespmem:v9+s21+$0x0] =	vst.idx.msk $0x1, v8;
	s9 =	sxor.u32 $0x80000000, s31  }
0x346: {  	[tilespmem:v10+s22+$0x0] =	vst.idx.msk $0x1, v11;
	v9 =	vmov s9  }
0x347: {  	[tilespmem:v10+s23+$0x0] =	vst.idx.msk $0x1, v9  }
.LBB2_15:
.Ltmp14:
0x348: {  	(pc) =	sbr.rel @p0 .LBB2_16-.Ltmp14, $2  }
0x349: {  	_ =	sdelay $0x2  }
0x34a: {  	v9 =	vimm.f32 $-Inf  }
0x34b: {  	s9 =	simm.s32 $0x1CE80  }
0x34c: {  	p1 =	sne.s32 s0, $0x1;
	v10 =	vld [tilespmem:s9+$0x0]  }
.Ltmp15:
0x34d: {  	_ = 	snop;
	(pc) =	sbr.rel @!p1 .LBB2_19-.Ltmp15, $2  }
0x34e: {  	_ =	sdelay $0x2  }
0x34f: {  	v11 =	vimm.s32 $0x40000000;
	v12 =	vor.u32 s1, v0;
	s12 =	simm.s32 $0x1CE90;
	s14 =	simm.s32 $0x0;
	s9 =	sadd.s32 $0xFFFFFFFF, s0;
	vm2 =	vgt.f32 v10, v9  }
.LBB2_18:
0x350: {  	p1 =	sne.s32 s9, $0x1;
	s9 =	sadd.s32 $0xFFFFFFFF, s9;
	v9 =	vsel vm2, v10, v9;
	v10 =	vld [tilespmem:s12+$0x0];
	v11 =	vsel vm2, v12, v11  }
.Ltmp16:
0x351: {  	(pc) =	sbr.rel @p1 .LBB2_18-.Ltmp16, $3  }
0x352: {  	_ =	sdelay $0x1  }
0x353: {  	s14 =	sadd.s32 $0x10, s14  }
0x354: {  	s12 =	sadd.s32 $0x10, s12;
	v12 =	vor.u32 s14, v0;
	vm2 =	vgt.f32 v10, v9  }
.LBB2_19:
.Ltmp17:
0x355: {  	(pc) =	sbr.rel .LBB2_20-.Ltmp17, $3  }
0x356: {  	_ =	sdelay $0x1  }
0x357: {  	v11 =	vsel vm2, v12, v11  }
0x358: {  	v9 =	vsel vm2, v10, v9;
	v10 =	vxor.u32 $0x80000000, v11  }
.LBB2_23:
0x359: {  	_ =	sfence.sel $0x180000  }
0x35a: {  	[bflag:$0x0] =	sbarrier.arrive $0xFFFF  }
0x35b: {  	_ =	strace $0x90000047  }
0x35c: {  	s0 =	stileid.u32;
	[bflag:$0x2] =	sbarrier.arrive $0xFFFF  }
0x35d: {  	p0 =	sne.s32 s0, $0x0;
	s0 =	rddreg [dreg:$0x2]  }
0x35e: {  	s0 =	sadd.s32 @!p0 $0x100000, s0  }
0x35f: {  	[sflag:s0] =	ssyncadd.tile.s32 @!p0 $0x1;
	_ =	shalt  }
.Lfunc_end2:
_tile_overlayer_lowered:
.L_overlay_start_2:
0x360: {  	(tag) =	ssettag $0x2  }
0x361: {  	s0 =	rddreg [dreg:$0x0];
	s2 =	stileid.u32  }
0x362: {  	s1 =	rddreg [dreg:$0x1];
	p0 =	sne.s32 s2, $0x0  }
0x363: {  	s3 =	rddreg [dreg:$0x2];
	[bflag:$0x3] =	sbarrier.arrive $0xFFFF;
	s2 =	simm.s32 @!p0 $0x1C02  }
0x364: {  	[timem:s3], [sflag:s2] =	dma.local @!p0 [hbm:s0], s1  }
0x365: {  	s0 =	simm.s32 @!p0 $0x2  }
0x366: {  	_ =	swait.ge @!p0 [sflag:s0], s1  }
0x367: {  	s1 =	ssub.s32 @!p0 $0x0, s1;
	[sflag:s0] =	ssyncset.done @!p0 $0x0  }
0x368: {  	[sflag:s0] =	ssyncadd.s32 @!p0 s1  }
0x369: {  	[bflag:$0x3] =	sbarrier.arrive $0xFFFF  }
0x36a: {  	_ =	shalt  }

</sc_bundles>
